<compile_context>
chip_gen: v7x
topology: tpu7x:2x2x1
jax: 0.10.2.dev20260603
libtpu: 0.0.44.dev20260713+nightly
codegen_flags: <defaults>
</compile_context>

<pallas_src>
import functools

import jax
import jax.numpy as jnp
from jax import lax
from jax.experimental import pallas as pl
from jax.experimental.pallas import tpu as pltpu
from jax.experimental.pallas import tpu_sc as plsc

N_TOK = 32768
D_MODEL = 768
N_EXP = 64

_BT = 4096
_NCHUNK = 4
_CTOK = N_TOK // _NCHUNK

_NC = 2
_NS = 16
_NW = _NC * _NS
_TOK_PER_W = _CTOK // _NW
_CH = 256
_L = 16


def _logits_body(x_ref, w_ref, out_ref):
    out_ref[...] = lax.dot_general(
        w_ref[...], x_ref[...],
        (((1,), (1,)), ((), ())),
        preferred_element_type=jnp.float32,
    )


def _route_body(logits_hbm, idx_hbm, gate_hbm, lbuf, ibuf, gbuf):
    wid = lax.axis_index("s") * _NC + lax.axis_index("c")
    cbase = wid * _TOK_PER_W
    pltpu.sync_copy(logits_hbm.at[:, pl.ds(cbase, _CH)], lbuf)

    def group_body(g, carry2):
        sl = pl.ds(g * _L, _L)
        m0 = lbuf[0, sl]
        idx0 = jnp.zeros((_L,), jnp.int32)

        def pass1(e, mi):
            m, idx = mi
            v = lbuf[e, sl]
            gt = v > m
            return jnp.where(gt, v, m), jnp.where(gt, e, idx)

        m, idx = lax.fori_loop(1, N_EXP, pass1, (m0, idx0), unroll=8)

        def pass2(e, s):
            return s + jnp.exp(lbuf[e, sl] - m)

        s = lax.fori_loop(0, N_EXP, pass2, jnp.zeros((_L,), jnp.float32),
                          unroll=8)
        ibuf[sl] = idx
        gbuf[sl] = 1.0 / s
        return carry2

    lax.fori_loop(0, _CH // _L, group_body, 0)
    pltpu.sync_copy(ibuf, idx_hbm.at[pl.ds(cbase, _CH)])
    pltpu.sync_copy(gbuf, gate_hbm.at[pl.ds(cbase, _CH)])


@functools.lru_cache(maxsize=None)
def _make_route():
    return pl.kernel(
        _route_body,
        mesh=plsc.VectorSubcoreMesh(core_axis_name="c", subcore_axis_name="s"),
        out_type=[
            jax.ShapeDtypeStruct((_CTOK,), jnp.int32),
            jax.ShapeDtypeStruct((_CTOK,), jnp.float32),
        ],
        scratch_types=[
            pltpu.VMEM((N_EXP, _CH), jnp.float32),
            pltpu.VMEM((_CH,), jnp.int32),
            pltpu.VMEM((_CH,), jnp.float32),
        ],
    )


def _matmul_chunk(x, W, c):
    off = c * (_CTOK // _BT)
    return pl.pallas_call(
        _logits_body,
        grid=(_CTOK // _BT,),
        in_specs=[
            pl.BlockSpec((_BT, D_MODEL), lambda i: (off + i, 0)),
            pl.BlockSpec((N_EXP, D_MODEL), lambda i: (0, 0)),
        ],
        out_specs=pl.BlockSpec((N_EXP, _BT), lambda i: (0, i)),
        out_shape=jax.ShapeDtypeStruct((N_EXP, _CTOK), jnp.float32),
    )(x, W)


def kernel(x, W):
    route = _make_route()
    idxs = []
    gates = []
    for c in range(_NCHUNK):
        logits_t = _matmul_chunk(x, W, c)
        idx_c, gate_c = route(logits_t)
        idxs.append(idx_c)
        gates.append(gate_c)
    expert_indices = jnp.concatenate(idxs)
    expert_gates = jnp.concatenate(gates)
    load_balance_loss = jnp.zeros((), jnp.float32)
    return (expert_indices, expert_gates, load_balance_loss)

# --- scband reference (transcript-rebuilt; emitter-appended) ---
"""Pipeline reference for scband-switch-transformer-gate-34102040330678 (READ-ONLY COPY).

The authoritative reference and input builder live on the scoring server;
editing this copy changes nothing except your own understanding.
"""

import jax, jax.numpy as jnp
import numpy as np

N_TOKENS = 32768
D_MODEL = 768
N_EXPERTS = 64

def setup_inputs(seed: int = 0) -> dict:
    key = jax.random.key(seed)
    kx, kw = jax.random.split(key)
    x = jax.random.normal(kx, (N_TOKENS, D_MODEL), dtype=jnp.float32)
    # gate weight, nn.Linear(input_dim, num_experts, bias=False): shape [num_experts, input_dim]
    W = jax.random.normal(kw, (N_EXPERTS, D_MODEL), dtype=jnp.float32) * 0.02
    return {"x": x, "W": W}

def reference(x, W):
    # eval-mode forward (no jitter noise, no buffer updates)
    gate_logits = x @ W.T  # [N, E]
    gate_probs = jax.nn.softmax(gate_logits, axis=-1)
    expert_gates = jnp.max(gate_probs, axis=-1)      # [N]
    expert_indices = jnp.argmax(gate_probs, axis=-1)  # [N] int
    load_balance_loss = jnp.array(0.0, dtype=jnp.float32)
    return (expert_indices, expert_gates, load_balance_loss)

if __name__ == "__main__":
    import jax
    _d = setup_inputs()
    print(jax.jit(kernel)(*tuple(_d.values())))

</pallas_src>

<mosaic_0001>
#map = affine_map<(d0, d1) -> (0, 0)>
#map1 = affine_map<(d0, d1) -> (0)>
module attributes {stable_mosaic.version = 14 : i64} {
  func.func @_route_body(%arg0: i32, %arg1: i32, %arg2: memref<64x8192xf32, #tpu.memory_space<hbm>>, %arg3: memref<8192xi32, #tpu.memory_space<hbm>>, %arg4: memref<8192xf32, #tpu.memory_space<hbm>>, %arg5: memref<64x256xf32, #tpu.memory_space<vmem>>, %arg6: memref<256xi32, #tpu.memory_space<vmem>>, %arg7: memref<256xf32, #tpu.memory_space<vmem>>) attributes {dimension_semantics = [#tpu.dimension_semantics<core_parallel>, #tpu.dimension_semantics<subcore_parallel>], iteration_bounds = array<i64: 2, 16>, scalar_prefetch = 0 : i64, scratch_operands = 3 : i64, tpu.core_type = #tpu.core_type<sc_vector_subcore>, window_params = [{transform_indices = #map}, {transform_indices = #map1}, {transform_indices = #map1}]} {
    %mul3A = arith.constant 2 : i32
    %mul3A_0 = arith.muli %arg1, %mul3A : i32
    %add3A = arith.addi %mul3A_0, %arg0 : i32
    %mul3A_1 = arith.constant 256 : i32
    %mul3A_2 = arith.muli %add3A, %mul3A_1 : i32
    "tpu.region"() ({
      %run_scoped3A = tpu.sem_alloc : memref<!tpu.dma_semaphore, #tpu.memory_space<semaphore_mem>>
      %dma_start3A = arith.constant 0 : i32
      %dma_start3A_8 = tpu.memref_slice %arg2[%dma_start3A, %mul3A_2] : memref<64x8192xf32, #tpu.memory_space<hbm>> -> memref<64x256xf32, #tpu.memory_space<hbm>>
      %dma_start3A_9 = arith.constant 0 : i32
      %dma_start3A_10 = tpu.memref_slice %arg2[%dma_start3A_9, %mul3A_2] : memref<64x8192xf32, #tpu.memory_space<hbm>> -> memref<64x256xf32, #tpu.memory_space<hbm>>
      tpu.enqueue_dma source(%dma_start3A_10 : memref<64x256xf32, #tpu.memory_space<hbm>>) target(%arg5 : memref<64x256xf32, #tpu.memory_space<vmem>>) target_semaphore(%run_scoped3A : memref<!tpu.dma_semaphore, #tpu.memory_space<semaphore_mem>>)
      %dma_wait3A = arith.constant 0 : i32
      %dma_wait3A_11 = tpu.memref_slice %arg2[%dma_wait3A, %mul3A_2] : memref<64x8192xf32, #tpu.memory_space<hbm>> -> memref<64x256xf32, #tpu.memory_space<hbm>>
      %dma_wait3A_12 = arith.constant 0 : i32
      %dma_wait3A_13 = tpu.memref_slice %arg2[%dma_wait3A_12, %mul3A_2] : memref<64x8192xf32, #tpu.memory_space<hbm>> -> memref<64x256xf32, #tpu.memory_space<hbm>>
      tpu.wait_dma2 semaphore(%run_scoped3A : memref<!tpu.dma_semaphore, #tpu.memory_space<semaphore_mem>>) src(%dma_wait3A_13 : memref<64x256xf32, #tpu.memory_space<hbm>>) dst(%arg5 : memref<64x256xf32, #tpu.memory_space<vmem>>)
      tpu.yield
    }) : () -> ()
    %scan3A = arith.constant 0 : i32
    %scan3A_3 = arith.constant 0 : i32
    %scan3A_4 = arith.constant 16 : i32
    %scan3A_5 = arith.addi %scan3A_3, %scan3A_4 : i32
    %scan3A_6 = arith.constant 1 : i32
    scf.for %scan3A_8 = %scan3A_3 to %scan3A_5 step %scan3A_6  : i32 {
      %mul3A_9 = arith.constant 16 : i32
      %mul3A_10 = arith.muli %scan3A_8, %mul3A_9 : i32
      %get3A = arith.constant 0 : i32
      %get3A_11 = arith.index_cast %get3A : i32 to index
      %get3A_12 = arith.index_cast %mul3A_10 : i32 to index
      %get3A_13 = tpu.vector_load %arg5[%get3A_11, %get3A_12] {strides = array<i32>} : memref<64x256xf32, #tpu.memory_space<vmem>>, vector<1x16xf32>,
      %get3A_14 = vector.shape_cast %get3A_13 : vector<1x16xf32> to vector<16xf32>
      %broadcast_in_dim3A = arith.constant 0 : i32
      %broadcast_in_dim3A_15 = vector.broadcast %broadcast_in_dim3A : i32 to vector<16xi32>
      %scan3A_16 = arith.constant 1 : i32
      %scan3A_17 = arith.constant 56 : i32
      %scan3A_18 = arith.addi %scan3A_16, %scan3A_17 : i32
      %scan3A_19 = arith.constant 8 : i32
      %scan3A_20:2 = scf.for %scan3A_107 = %scan3A_16 to %scan3A_18 step %scan3A_19 iter_args(%scan3A_108 = %get3A_14, %scan3A_109 = %broadcast_in_dim3A_15) -> (vector<16xf32>, vector<16xi32>)  : i32 {
        %get3A_110 = arith.index_cast %scan3A_107 : i32 to index
        %get3A_111 = arith.index_cast %mul3A_10 : i32 to index
        %get3A_112 = tpu.vector_load %arg5[%get3A_110, %get3A_111] {strides = array<i32>} : memref<64x256xf32, #tpu.memory_space<vmem>>, vector<1x16xf32>,
        %get3A_113 = vector.shape_cast %get3A_112 : vector<1x16xf32> to vector<16xf32>
        %gt3A_114 = arith.cmpf ogt, %get3A_113, %scan3A_108 : vector<16xf32>
        %select_n3A_115 = arith.select %gt3A_114, %get3A_113, %scan3A_108 : vector<16xi1>, vector<16xf32>
        %broadcast_in_dim3A_116 = vector.broadcast %scan3A_107 : i32 to vector<16xi32>
        %select_n3A_117 = arith.select %gt3A_114, %broadcast_in_dim3A_116, %scan3A_109 : vector<16xi1>, vector<16xi32>
        %scan3A_118 = arith.constant 1 : i32
        %scan3A_119 = arith.addi %scan3A_107, %scan3A_118 : i32
        %get3A_120 = arith.index_cast %scan3A_119 : i32 to index
        %get3A_121 = arith.index_cast %mul3A_10 : i32 to index
        %get3A_122 = tpu.vector_load %arg5[%get3A_120, %get3A_121] {strides = array<i32>} : memref<64x256xf32, #tpu.memory_space<vmem>>, vector<1x16xf32>,
        %get3A_123 = vector.shape_cast %get3A_122 : vector<1x16xf32> to vector<16xf32>
        %gt3A_124 = arith.cmpf ogt, %get3A_123, %select_n3A_115 : vector<16xf32>
        %select_n3A_125 = arith.select %gt3A_124, %get3A_123, %select_n3A_115 : vector<16xi1>, vector<16xf32>
        %broadcast_in_dim3A_126 = vector.broadcast %scan3A_119 : i32 to vector<16xi32>
        %select_n3A_127 = arith.select %gt3A_124, %broadcast_in_dim3A_126, %select_n3A_117 : vector<16xi1>, vector<16xi32>
        %scan3A_128 = arith.constant 2 : i32
        %scan3A_129 = arith.addi %scan3A_107, %scan3A_128 : i32
        %get3A_130 = arith.index_cast %scan3A_129 : i32 to index
        %get3A_131 = arith.index_cast %mul3A_10 : i32 to index
        %get3A_132 = tpu.vector_load %arg5[%get3A_130, %get3A_131] {strides = array<i32>} : memref<64x256xf32, #tpu.memory_space<vmem>>, vector<1x16xf32>,
        %get3A_133 = vector.shape_cast %get3A_132 : vector<1x16xf32> to vector<16xf32>
        %gt3A_134 = arith.cmpf ogt, %get3A_133, %select_n3A_125 : vector<16xf32>
        %select_n3A_135 = arith.select %gt3A_134, %get3A_133, %select_n3A_125 : vector<16xi1>, vector<16xf32>
        %broadcast_in_dim3A_136 = vector.broadcast %scan3A_129 : i32 to vector<16xi32>
        %select_n3A_137 = arith.select %gt3A_134, %broadcast_in_dim3A_136, %select_n3A_127 : vector<16xi1>, vector<16xi32>
        %scan3A_138 = arith.constant 3 : i32
        %scan3A_139 = arith.addi %scan3A_107, %scan3A_138 : i32
        %get3A_140 = arith.index_cast %scan3A_139 : i32 to index
        %get3A_141 = arith.index_cast %mul3A_10 : i32 to index
        %get3A_142 = tpu.vector_load %arg5[%get3A_140, %get3A_141] {strides = array<i32>} : memref<64x256xf32, #tpu.memory_space<vmem>>, vector<1x16xf32>,
        %get3A_143 = vector.shape_cast %get3A_142 : vector<1x16xf32> to vector<16xf32>
        %gt3A_144 = arith.cmpf ogt, %get3A_143, %select_n3A_135 : vector<16xf32>
        %select_n3A_145 = arith.select %gt3A_144, %get3A_143, %select_n3A_135 : vector<16xi1>, vector<16xf32>
        %broadcast_in_dim3A_146 = vector.broadcast %scan3A_139 : i32 to vector<16xi32>
        %select_n3A_147 = arith.select %gt3A_144, %broadcast_in_dim3A_146, %select_n3A_137 : vector<16xi1>, vector<16xi32>
        %scan3A_148 = arith.constant 4 : i32
        %scan3A_149 = arith.addi %scan3A_107, %scan3A_148 : i32
        %get3A_150 = arith.index_cast %scan3A_149 : i32 to index
        %get3A_151 = arith.index_cast %mul3A_10 : i32 to index
        %get3A_152 = tpu.vector_load %arg5[%get3A_150, %get3A_151] {strides = array<i32>} : memref<64x256xf32, #tpu.memory_space<vmem>>, vector<1x16xf32>,
        %get3A_153 = vector.shape_cast %get3A_152 : vector<1x16xf32> to vector<16xf32>
        %gt3A_154 = arith.cmpf ogt, %get3A_153, %select_n3A_145 : vector<16xf32>
        %select_n3A_155 = arith.select %gt3A_154, %get3A_153, %select_n3A_145 : vector<16xi1>, vector<16xf32>
        %broadcast_in_dim3A_156 = vector.broadcast %scan3A_149 : i32 to vector<16xi32>
        %select_n3A_157 = arith.select %gt3A_154, %broadcast_in_dim3A_156, %select_n3A_147 : vector<16xi1>, vector<16xi32>
        %scan3A_158 = arith.constant 5 : i32
        %scan3A_159 = arith.addi %scan3A_107, %scan3A_158 : i32
        %get3A_160 = arith.index_cast %scan3A_159 : i32 to index
        %get3A_161 = arith.index_cast %mul3A_10 : i32 to index
        %get3A_162 = tpu.vector_load %arg5[%get3A_160, %get3A_161] {strides = array<i32>} : memref<64x256xf32, #tpu.memory_space<vmem>>, vector<1x16xf32>,
        %get3A_163 = vector.shape_cast %get3A_162 : vector<1x16xf32> to vector<16xf32>
        %gt3A_164 = arith.cmpf ogt, %get3A_163, %select_n3A_155 : vector<16xf32>
        %select_n3A_165 = arith.select %gt3A_164, %get3A_163, %select_n3A_155 : vector<16xi1>, vector<16xf32>
        %broadcast_in_dim3A_166 = vector.broadcast %scan3A_159 : i32 to vector<16xi32>
        %select_n3A_167 = arith.select %gt3A_164, %broadcast_in_dim3A_166, %select_n3A_157 : vector<16xi1>, vector<16xi32>
        %scan3A_168 = arith.constant 6 : i32
        %scan3A_169 = arith.addi %scan3A_107, %scan3A_168 : i32
        %get3A_170 = arith.index_cast %scan3A_169 : i32 to index
        %get3A_171 = arith.index_cast %mul3A_10 : i32 to index
        %get3A_172 = tpu.vector_load %arg5[%get3A_170, %get3A_171] {strides = array<i32>} : memref<64x256xf32, #tpu.memory_space<vmem>>, vector<1x16xf32>,
        %get3A_173 = vector.shape_cast %get3A_172 : vector<1x16xf32> to vector<16xf32>
        %gt3A_174 = arith.cmpf ogt, %get3A_173, %select_n3A_165 : vector<16xf32>
        %select_n3A_175 = arith.select %gt3A_174, %get3A_173, %select_n3A_165 : vector<16xi1>, vector<16xf32>
        %broadcast_in_dim3A_176 = vector.broadcast %scan3A_169 : i32 to vector<16xi32>
        %select_n3A_177 = arith.select %gt3A_174, %broadcast_in_dim3A_176, %select_n3A_167 : vector<16xi1>, vector<16xi32>
        %scan3A_178 = arith.constant 7 : i32
        %scan3A_179 = arith.addi %scan3A_107, %scan3A_178 : i32
        %get3A_180 = arith.index_cast %scan3A_179 : i32 to index
        %get3A_181 = arith.index_cast %mul3A_10 : i32 to index
        %get3A_182 = tpu.vector_load %arg5[%get3A_180, %get3A_181] {strides = array<i32>} : memref<64x256xf32, #tpu.memory_space<vmem>>, vector<1x16xf32>,
        %get3A_183 = vector.shape_cast %get3A_182 : vector<1x16xf32> to vector<16xf32>
        %gt3A_184 = arith.cmpf ogt, %get3A_183, %select_n3A_175 : vector<16xf32>
        %select_n3A_185 = arith.select %gt3A_184, %get3A_183, %select_n3A_175 : vector<16xi1>, vector<16xf32>
        %broadcast_in_dim3A_186 = vector.broadcast %scan3A_179 : i32 to vector<16xi32>
        %select_n3A_187 = arith.select %gt3A_184, %broadcast_in_dim3A_186, %select_n3A_177 : vector<16xi1>, vector<16xi32>
        scf.yield %select_n3A_185, %select_n3A_187 : vector<16xf32>, vector<16xi32>
      }
      %scan3A_21 = arith.constant 56 : i32
      %scan3A_22 = arith.addi %scan3A_16, %scan3A_21 : i32
      %get3A_23 = arith.index_cast %scan3A_22 : i32 to index
      %get3A_24 = arith.index_cast %mul3A_10 : i32 to index
      %get3A_25 = tpu.vector_load %arg5[%get3A_23, %get3A_24] {strides = array<i32>} : memref<64x256xf32, #tpu.memory_space<vmem>>, vector<1x16xf32>,
      %get3A_26 = vector.shape_cast %get3A_25 : vector<1x16xf32> to vector<16xf32>
      %gt3A = arith.cmpf ogt, %get3A_26, %scan3A_20#0 : vector<16xf32>
      %select_n3A = arith.select %gt3A, %get3A_26, %scan3A_20#0 : vector<16xi1>, vector<16xf32>
      %broadcast_in_dim3A_27 = vector.broadcast %scan3A_22 : i32 to vector<16xi32>
      %select_n3A_28 = arith.select %gt3A, %broadcast_in_dim3A_27, %scan3A_20#1 : vector<16xi1>, vector<16xi32>
      %scan3A_29 = arith.constant 57 : i32
      %scan3A_30 = arith.addi %scan3A_16, %scan3A_29 : i32
      %get3A_31 = arith.index_cast %scan3A_30 : i32 to index
      %get3A_32 = arith.index_cast %mul3A_10 : i32 to index
      %get3A_33 = tpu.vector_load %arg5[%get3A_31, %get3A_32] {strides = array<i32>} : memref<64x256xf32, #tpu.memory_space<vmem>>, vector<1x16xf32>,
      %get3A_34 = vector.shape_cast %get3A_33 : vector<1x16xf32> to vector<16xf32>
      %gt3A_35 = arith.cmpf ogt, %get3A_34, %select_n3A : vector<16xf32>
      %select_n3A_36 = arith.select %gt3A_35, %get3A_34, %select_n3A : vector<16xi1>, vector<16xf32>
      %broadcast_in_dim3A_37 = vector.broadcast %scan3A_30 : i32 to vector<16xi32>
      %select_n3A_38 = arith.select %gt3A_35, %broadcast_in_dim3A_37, %select_n3A_28 : vector<16xi1>, vector<16xi32>
      %scan3A_39 = arith.constant 58 : i32
      %scan3A_40 = arith.addi %scan3A_16, %scan3A_39 : i32
      %get3A_41 = arith.index_cast %scan3A_40 : i32 to index
      %get3A_42 = arith.index_cast %mul3A_10 : i32 to index
      %get3A_43 = tpu.vector_load %arg5[%get3A_41, %get3A_42] {strides = array<i32>} : memref<64x256xf32, #tpu.memory_space<vmem>>, vector<1x16xf32>,
      %get3A_44 = vector.shape_cast %get3A_43 : vector<1x16xf32> to vector<16xf32>
      %gt3A_45 = arith.cmpf ogt, %get3A_44, %select_n3A_36 : vector<16xf32>
      %select_n3A_46 = arith.select %gt3A_45, %get3A_44, %select_n3A_36 : vector<16xi1>, vector<16xf32>
      %broadcast_in_dim3A_47 = vector.broadcast %scan3A_40 : i32 to vector<16xi32>
      %select_n3A_48 = arith.select %gt3A_45, %broadcast_in_dim3A_47, %select_n3A_38 : vector<16xi1>, vector<16xi32>
      %scan3A_49 = arith.constant 59 : i32
      %scan3A_50 = arith.addi %scan3A_16, %scan3A_49 : i32
      %get3A_51 = arith.index_cast %scan3A_50 : i32 to index
      %get3A_52 = arith.index_cast %mul3A_10 : i32 to index
      %get3A_53 = tpu.vector_load %arg5[%get3A_51, %get3A_52] {strides = array<i32>} : memref<64x256xf32, #tpu.memory_space<vmem>>, vector<1x16xf32>,
      %get3A_54 = vector.shape_cast %get3A_53 : vector<1x16xf32> to vector<16xf32>
      %gt3A_55 = arith.cmpf ogt, %get3A_54, %select_n3A_46 : vector<16xf32>
      %select_n3A_56 = arith.select %gt3A_55, %get3A_54, %select_n3A_46 : vector<16xi1>, vector<16xf32>
      %broadcast_in_dim3A_57 = vector.broadcast %scan3A_50 : i32 to vector<16xi32>
      %select_n3A_58 = arith.select %gt3A_55, %broadcast_in_dim3A_57, %select_n3A_48 : vector<16xi1>, vector<16xi32>
      %scan3A_59 = arith.constant 60 : i32
      %scan3A_60 = arith.addi %scan3A_16, %scan3A_59 : i32
      %get3A_61 = arith.index_cast %scan3A_60 : i32 to index
      %get3A_62 = arith.index_cast %mul3A_10 : i32 to index
      %get3A_63 = tpu.vector_load %arg5[%get3A_61, %get3A_62] {strides = array<i32>} : memref<64x256xf32, #tpu.memory_space<vmem>>, vector<1x16xf32>,
      %get3A_64 = vector.shape_cast %get3A_63 : vector<1x16xf32> to vector<16xf32>
      %gt3A_65 = arith.cmpf ogt, %get3A_64, %select_n3A_56 : vector<16xf32>
      %select_n3A_66 = arith.select %gt3A_65, %get3A_64, %select_n3A_56 : vector<16xi1>, vector<16xf32>
      %broadcast_in_dim3A_67 = vector.broadcast %scan3A_60 : i32 to vector<16xi32>
      %select_n3A_68 = arith.select %gt3A_65, %broadcast_in_dim3A_67, %select_n3A_58 : vector<16xi1>, vector<16xi32>
      %scan3A_69 = arith.constant 61 : i32
      %scan3A_70 = arith.addi %scan3A_16, %scan3A_69 : i32
      %get3A_71 = arith.index_cast %scan3A_70 : i32 to index
      %get3A_72 = arith.index_cast %mul3A_10 : i32 to index
      %get3A_73 = tpu.vector_load %arg5[%get3A_71, %get3A_72] {strides = array<i32>} : memref<64x256xf32, #tpu.memory_space<vmem>>, vector<1x16xf32>,
      %get3A_74 = vector.shape_cast %get3A_73 : vector<1x16xf32> to vector<16xf32>
      %gt3A_75 = arith.cmpf ogt, %get3A_74, %select_n3A_66 : vector<16xf32>
      %select_n3A_76 = arith.select %gt3A_75, %get3A_74, %select_n3A_66 : vector<16xi1>, vector<16xf32>
      %broadcast_in_dim3A_77 = vector.broadcast %scan3A_70 : i32 to vector<16xi32>
      %select_n3A_78 = arith.select %gt3A_75, %broadcast_in_dim3A_77, %select_n3A_68 : vector<16xi1>, vector<16xi32>
      %scan3A_79 = arith.constant 62 : i32
      %scan3A_80 = arith.addi %scan3A_16, %scan3A_79 : i32
      %get3A_81 = arith.index_cast %scan3A_80 : i32 to index
      %get3A_82 = arith.index_cast %mul3A_10 : i32 to index
      %get3A_83 = tpu.vector_load %arg5[%get3A_81, %get3A_82] {strides = array<i32>} : memref<64x256xf32, #tpu.memory_space<vmem>>, vector<1x16xf32>,
      %get3A_84 = vector.shape_cast %get3A_83 : vector<1x16xf32> to vector<16xf32>
      %gt3A_85 = arith.cmpf ogt, %get3A_84, %select_n3A_76 : vector<16xf32>
      %select_n3A_86 = arith.select %gt3A_85, %get3A_84, %select_n3A_76 : vector<16xi1>, vector<16xf32>
      %broadcast_in_dim3A_87 = vector.broadcast %scan3A_80 : i32 to vector<16xi32>
      %select_n3A_88 = arith.select %gt3A_85, %broadcast_in_dim3A_87, %select_n3A_78 : vector<16xi1>, vector<16xi32>
      %scan3A_89 = arith.constant 63 : i32
      %broadcast_in_dim3A_90 = arith.constant 0.000000e+00 : f32
      %broadcast_in_dim3A_91 = vector.broadcast %broadcast_in_dim3A_90 : f32 to vector<16xf32>
      %scan3A_92 = arith.constant 0 : i32
      %scan3A_93 = arith.constant 64 : i32
      %scan3A_94 = arith.addi %scan3A_92, %scan3A_93 : i32
      %scan3A_95 = arith.constant 8 : i32
      %scan3A_96 = scf.for %scan3A_107 = %scan3A_92 to %scan3A_94 step %scan3A_95 iter_args(%scan3A_108 = %broadcast_in_dim3A_91) -> (vector<16xf32>)  : i32 {
        %get3A_109 = arith.index_cast %scan3A_107 : i32 to index
        %get3A_110 = arith.index_cast %mul3A_10 : i32 to index
        %get3A_111 = tpu.vector_load %arg5[%get3A_109, %get3A_110] {strides = array<i32>} : memref<64x256xf32, #tpu.memory_space<vmem>>, vector<1x16xf32>,
        %get3A_112 = vector.shape_cast %get3A_111 : vector<1x16xf32> to vector<16xf32>
        %sub3A = arith.subf %get3A_112, %select_n3A_86 : vector<16xf32>
        %exp3A = math.exp %sub3A : vector<16xf32>
        %add3A_113 = arith.addf %scan3A_108, %exp3A : vector<16xf32>
        %scan3A_114 = arith.constant 1 : i32
        %scan3A_115 = arith.addi %scan3A_107, %scan3A_114 : i32
        %get3A_116 = arith.index_cast %scan3A_115 : i32 to index
        %get3A_117 = arith.index_cast %mul3A_10 : i32 to index
        %get3A_118 = tpu.vector_load %arg5[%get3A_116, %get3A_117] {strides = array<i32>} : memref<64x256xf32, #tpu.memory_space<vmem>>, vector<1x16xf32>,
        %get3A_119 = vector.shape_cast %get3A_118 : vector<1x16xf32> to vector<16xf32>
        %sub3A_120 = arith.subf %get3A_119, %select_n3A_86 : vector<16xf32>
        %exp3A_121 = math.exp %sub3A_120 : vector<16xf32>
        %add3A_122 = arith.addf %add3A_113, %exp3A_121 : vector<16xf32>
        %scan3A_123 = arith.constant 2 : i32
        %scan3A_124 = arith.addi %scan3A_107, %scan3A_123 : i32
        %get3A_125 = arith.index_cast %scan3A_124 : i32 to index
        %get3A_126 = arith.index_cast %mul3A_10 : i32 to index
        %get3A_127 = tpu.vector_load %arg5[%get3A_125, %get3A_126] {strides = array<i32>} : memref<64x256xf32, #tpu.memory_space<vmem>>, vector<1x16xf32>,
        %get3A_128 = vector.shape_cast %get3A_127 : vector<1x16xf32> to vector<16xf32>
        %sub3A_129 = arith.subf %get3A_128, %select_n3A_86 : vector<16xf32>
        %exp3A_130 = math.exp %sub3A_129 : vector<16xf32>
        %add3A_131 = arith.addf %add3A_122, %exp3A_130 : vector<16xf32>
        %scan3A_132 = arith.constant 3 : i32
        %scan3A_133 = arith.addi %scan3A_107, %scan3A_132 : i32
        %get3A_134 = arith.index_cast %scan3A_133 : i32 to index
        %get3A_135 = arith.index_cast %mul3A_10 : i32 to index
        %get3A_136 = tpu.vector_load %arg5[%get3A_134, %get3A_135] {strides = array<i32>} : memref<64x256xf32, #tpu.memory_space<vmem>>, vector<1x16xf32>,
        %get3A_137 = vector.shape_cast %get3A_136 : vector<1x16xf32> to vector<16xf32>
        %sub3A_138 = arith.subf %get3A_137, %select_n3A_86 : vector<16xf32>
        %exp3A_139 = math.exp %sub3A_138 : vector<16xf32>
        %add3A_140 = arith.addf %add3A_131, %exp3A_139 : vector<16xf32>
        %scan3A_141 = arith.constant 4 : i32
        %scan3A_142 = arith.addi %scan3A_107, %scan3A_141 : i32
        %get3A_143 = arith.index_cast %scan3A_142 : i32 to index
        %get3A_144 = arith.index_cast %mul3A_10 : i32 to index
        %get3A_145 = tpu.vector_load %arg5[%get3A_143, %get3A_144] {strides = array<i32>} : memref<64x256xf32, #tpu.memory_space<vmem>>, vector<1x16xf32>,
        %get3A_146 = vector.shape_cast %get3A_145 : vector<1x16xf32> to vector<16xf32>
        %sub3A_147 = arith.subf %get3A_146, %select_n3A_86 : vector<16xf32>
        %exp3A_148 = math.exp %sub3A_147 : vector<16xf32>
        %add3A_149 = arith.addf %add3A_140, %exp3A_148 : vector<16xf32>
        %scan3A_150 = arith.constant 5 : i32
        %scan3A_151 = arith.addi %scan3A_107, %scan3A_150 : i32
        %get3A_152 = arith.index_cast %scan3A_151 : i32 to index
        %get3A_153 = arith.index_cast %mul3A_10 : i32 to index
        %get3A_154 = tpu.vector_load %arg5[%get3A_152, %get3A_153] {strides = array<i32>} : memref<64x256xf32, #tpu.memory_space<vmem>>, vector<1x16xf32>,
        %get3A_155 = vector.shape_cast %get3A_154 : vector<1x16xf32> to vector<16xf32>
        %sub3A_156 = arith.subf %get3A_155, %select_n3A_86 : vector<16xf32>
        %exp3A_157 = math.exp %sub3A_156 : vector<16xf32>
        %add3A_158 = arith.addf %add3A_149, %exp3A_157 : vector<16xf32>
        %scan3A_159 = arith.constant 6 : i32
        %scan3A_160 = arith.addi %scan3A_107, %scan3A_159 : i32
        %get3A_161 = arith.index_cast %scan3A_160 : i32 to index
        %get3A_162 = arith.index_cast %mul3A_10 : i32 to index
        %get3A_163 = tpu.vector_load %arg5[%get3A_161, %get3A_162] {strides = array<i32>} : memref<64x256xf32, #tpu.memory_space<vmem>>, vector<1x16xf32>,
        %get3A_164 = vector.shape_cast %get3A_163 : vector<1x16xf32> to vector<16xf32>
        %sub3A_165 = arith.subf %get3A_164, %select_n3A_86 : vector<16xf32>
        %exp3A_166 = math.exp %sub3A_165 : vector<16xf32>
        %add3A_167 = arith.addf %add3A_158, %exp3A_166 : vector<16xf32>
        %scan3A_168 = arith.constant 7 : i32
        %scan3A_169 = arith.addi %scan3A_107, %scan3A_168 : i32
        %get3A_170 = arith.index_cast %scan3A_169 : i32 to index
        %get3A_171 = arith.index_cast %mul3A_10 : i32 to index
        %get3A_172 = tpu.vector_load %arg5[%get3A_170, %get3A_171] {strides = array<i32>} : memref<64x256xf32, #tpu.memory_space<vmem>>, vector<1x16xf32>,
        %get3A_173 = vector.shape_cast %get3A_172 : vector<1x16xf32> to vector<16xf32>
        %sub3A_174 = arith.subf %get3A_173, %select_n3A_86 : vector<16xf32>
        %exp3A_175 = math.exp %sub3A_174 : vector<16xf32>
        %add3A_176 = arith.addf %add3A_167, %exp3A_175 : vector<16xf32>
        scf.yield %add3A_176 : vector<16xf32>
      }
      %scan3A_97 = arith.constant 64 : i32
      %swap3A = arith.index_cast %mul3A_10 : i32 to index
      %swap3A_98 = tpu.vector_load %arg6[%swap3A] {strides = array<i32>} : memref<256xi32, #tpu.memory_space<vmem>>, vector<16xi32>,
      %swap3A_99 = vector.shape_cast %swap3A_98 : vector<16xi32> to vector<16xi32>
      %swap3A_100 = vector.shape_cast %select_n3A_88 : vector<16xi32> to vector<16xi32>
      tpu.vector_store %arg6[%swap3A], %swap3A_100 {strides = array<i32>} : memref<256xi32, #tpu.memory_space<vmem>>, vector<16xi32>,
      %div3A = arith.constant 1.000000e+00 : f32
      %div3A_101 = vector.broadcast %div3A : f32 to vector<16xf32>
      %div3A_102 = arith.divf %div3A_101, %scan3A_96 : vector<16xf32>
      %swap3A_103 = arith.index_cast %mul3A_10 : i32 to index
      %swap3A_104 = tpu.vector_load %arg7[%swap3A_103] {strides = array<i32>} : memref<256xf32, #tpu.memory_space<vmem>>, vector<16xf32>,
      %swap3A_105 = vector.shape_cast %swap3A_104 : vector<16xf32> to vector<16xf32>
      %swap3A_106 = vector.shape_cast %div3A_102 : vector<16xf32> to vector<16xf32>
      tpu.vector_store %arg7[%swap3A_103], %swap3A_106 {strides = array<i32>} : memref<256xf32, #tpu.memory_space<vmem>>, vector<16xf32>,
    }
    %scan3A_7 = arith.constant 16 : i32
    "tpu.region"() ({
      %run_scoped3A = tpu.sem_alloc : memref<!tpu.dma_semaphore, #tpu.memory_space<semaphore_mem>>
      %dma_start3A = tpu.memref_slice %arg3[%mul3A_2] : memref<8192xi32, #tpu.memory_space<hbm>> -> memref<256xi32, #tpu.memory_space<hbm>>
      %dma_start3A_8 = tpu.memref_slice %arg3[%mul3A_2] : memref<8192xi32, #tpu.memory_space<hbm>> -> memref<256xi32, #tpu.memory_space<hbm>>
      tpu.enqueue_dma source(%arg6 : memref<256xi32, #tpu.memory_space<vmem>>) target(%dma_start3A_8 : memref<256xi32, #tpu.memory_space<hbm>>) target_semaphore(%run_scoped3A : memref<!tpu.dma_semaphore, #tpu.memory_space<semaphore_mem>>)
      %dma_wait3A = tpu.memref_slice %arg3[%mul3A_2] : memref<8192xi32, #tpu.memory_space<hbm>> -> memref<256xi32, #tpu.memory_space<hbm>>
      %dma_wait3A_9 = tpu.memref_slice %arg3[%mul3A_2] : memref<8192xi32, #tpu.memory_space<hbm>> -> memref<256xi32, #tpu.memory_space<hbm>>
      tpu.wait_dma2 semaphore(%run_scoped3A : memref<!tpu.dma_semaphore, #tpu.memory_space<semaphore_mem>>) src(%arg6 : memref<256xi32, #tpu.memory_space<vmem>>) dst(%dma_wait3A_9 : memref<256xi32, #tpu.memory_space<hbm>>)
      tpu.yield
    }) : () -> ()
    "tpu.region"() ({
      %run_scoped3A = tpu.sem_alloc : memref<!tpu.dma_semaphore, #tpu.memory_space<semaphore_mem>>
      %dma_start3A = tpu.memref_slice %arg4[%mul3A_2] : memref<8192xf32, #tpu.memory_space<hbm>> -> memref<256xf32, #tpu.memory_space<hbm>>
      %dma_start3A_8 = tpu.memref_slice %arg4[%mul3A_2] : memref<8192xf32, #tpu.memory_space<hbm>> -> memref<256xf32, #tpu.memory_space<hbm>>
      tpu.enqueue_dma source(%arg7 : memref<256xf32, #tpu.memory_space<vmem>>) target(%dma_start3A_8 : memref<256xf32, #tpu.memory_space<hbm>>) target_semaphore(%run_scoped3A : memref<!tpu.dma_semaphore, #tpu.memory_space<semaphore_mem>>)
      %dma_wait3A = tpu.memref_slice %arg4[%mul3A_2] : memref<8192xf32, #tpu.memory_space<hbm>> -> memref<256xf32, #tpu.memory_space<hbm>>
      %dma_wait3A_9 = tpu.memref_slice %arg4[%mul3A_2] : memref<8192xf32, #tpu.memory_space<hbm>> -> memref<256xf32, #tpu.memory_space<hbm>>
      tpu.wait_dma2 semaphore(%run_scoped3A : memref<!tpu.dma_semaphore, #tpu.memory_space<semaphore_mem>>) src(%arg7 : memref<256xf32, #tpu.memory_space<vmem>>) dst(%dma_wait3A_9 : memref<256xf32, #tpu.memory_space<hbm>>)
      tpu.yield
    }) : () -> ()
    return
  }
}

#map = affine_map<(d0, d1) -> (0, 0)>
#map1 = affine_map<(d0, d1) -> (0)>
module attributes {stable_mosaic.version = 14 : i64} {
  func.func @_route_body(%arg0: i32, %arg1: i32, %arg2: memref<64x8192xf32, #tpu.memory_space<hbm>>, %arg3: memref<8192xi32, #tpu.memory_space<hbm>>, %arg4: memref<8192xf32, #tpu.memory_space<hbm>>, %arg5: memref<64x256xf32, #tpu.memory_space<vmem>>, %arg6: memref<256xi32, #tpu.memory_space<vmem>>, %arg7: memref<256xf32, #tpu.memory_space<vmem>>) attributes {dimension_semantics = [#tpu.dimension_semantics<core_parallel>, #tpu.dimension_semantics<subcore_parallel>], iteration_bounds = array<i64: 2, 16>, scalar_prefetch = 0 : i64, scratch_operands = 3 : i64, tpu.core_type = #tpu.core_type<sc_vector_subcore>, window_params = [{transform_indices = #map}, {transform_indices = #map1}, {transform_indices = #map1}]} {
    %mul3A = arith.constant 2 : i32
    %mul3A_0 = arith.muli %arg1, %mul3A : i32
    %add3A = arith.addi %mul3A_0, %arg0 : i32
    %mul3A_1 = arith.constant 256 : i32
    %mul3A_2 = arith.muli %add3A, %mul3A_1 : i32
    "tpu.region"() ({
      %run_scoped3A = tpu.sem_alloc : memref<!tpu.dma_semaphore, #tpu.memory_space<semaphore_mem>>
      %dma_start3A = arith.constant 0 : i32
      %dma_start3A_8 = tpu.memref_slice %arg2[%dma_start3A, %mul3A_2] : memref<64x8192xf32, #tpu.memory_space<hbm>> -> memref<64x256xf32, #tpu.memory_space<hbm>>
      %dma_start3A_9 = arith.constant 0 : i32
      %dma_start3A_10 = tpu.memref_slice %arg2[%dma_start3A_9, %mul3A_2] : memref<64x8192xf32, #tpu.memory_space<hbm>> -> memref<64x256xf32, #tpu.memory_space<hbm>>
      tpu.enqueue_dma source(%dma_start3A_10 : memref<64x256xf32, #tpu.memory_space<hbm>>) target(%arg5 : memref<64x256xf32, #tpu.memory_space<vmem>>) target_semaphore(%run_scoped3A : memref<!tpu.dma_semaphore, #tpu.memory_space<semaphore_mem>>)
      %dma_wait3A = arith.constant 0 : i32
      %dma_wait3A_11 = tpu.memref_slice %arg2[%dma_wait3A, %mul3A_2] : memref<64x8192xf32, #tpu.memory_space<hbm>> -> memref<64x256xf32, #tpu.memory_space<hbm>>
      %dma_wait3A_12 = arith.constant 0 : i32
      %dma_wait3A_13 = tpu.memref_slice %arg2[%dma_wait3A_12, %mul3A_2] : memref<64x8192xf32, #tpu.memory_space<hbm>> -> memref<64x256xf32, #tpu.memory_space<hbm>>
      tpu.wait_dma2 semaphore(%run_scoped3A : memref<!tpu.dma_semaphore, #tpu.memory_space<semaphore_mem>>) src(%dma_wait3A_13 : memref<64x256xf32, #tpu.memory_space<hbm>>) dst(%arg5 : memref<64x256xf32, #tpu.memory_space<vmem>>)
      tpu.yield
    }) : () -> ()
    %scan3A = arith.constant 0 : i32
    %scan3A_3 = arith.constant 0 : i32
    %scan3A_4 = arith.constant 16 : i32
    %scan3A_5 = arith.addi %scan3A_3, %scan3A_4 : i32
    %scan3A_6 = arith.constant 1 : i32
    scf.for %scan3A_8 = %scan3A_3 to %scan3A_5 step %scan3A_6  : i32 {
      %mul3A_9 = arith.constant 16 : i32
      %mul3A_10 = arith.muli %scan3A_8, %mul3A_9 : i32
      %get3A = arith.constant 0 : i32
      %get3A_11 = arith.index_cast %get3A : i32 to index
      %get3A_12 = arith.index_cast %mul3A_10 : i32 to index
      %get3A_13 = tpu.vector_load %arg5[%get3A_11, %get3A_12] {strides = array<i32>} : memref<64x256xf32, #tpu.memory_space<vmem>>, vector<1x16xf32>,
      %get3A_14 = vector.shape_cast %get3A_13 : vector<1x16xf32> to vector<16xf32>
      %broadcast_in_dim3A = arith.constant 0 : i32
      %broadcast_in_dim3A_15 = vector.broadcast %broadcast_in_dim3A : i32 to vector<16xi32>
      %scan3A_16 = arith.constant 1 : i32
      %scan3A_17 = arith.constant 56 : i32
      %scan3A_18 = arith.addi %scan3A_16, %scan3A_17 : i32
      %scan3A_19 = arith.constant 8 : i32
      %scan3A_20:2 = scf.for %scan3A_107 = %scan3A_16 to %scan3A_18 step %scan3A_19 iter_args(%scan3A_108 = %get3A_14, %scan3A_109 = %broadcast_in_dim3A_15) -> (vector<16xf32>, vector<16xi32>)  : i32 {
        %get3A_110 = arith.index_cast %scan3A_107 : i32 to index
        %get3A_111 = arith.index_cast %mul3A_10 : i32 to index
        %get3A_112 = tpu.vector_load %arg5[%get3A_110, %get3A_111] {strides = array<i32>} : memref<64x256xf32, #tpu.memory_space<vmem>>, vector<1x16xf32>,
        %get3A_113 = vector.shape_cast %get3A_112 : vector<1x16xf32> to vector<16xf32>
        %gt3A_114 = arith.cmpf ogt, %get3A_113, %scan3A_108 : vector<16xf32>
        %select_n3A_115 = arith.select %gt3A_114, %get3A_113, %scan3A_108 : vector<16xi1>, vector<16xf32>
        %broadcast_in_dim3A_116 = vector.broadcast %scan3A_107 : i32 to vector<16xi32>
        %select_n3A_117 = arith.select %gt3A_114, %broadcast_in_dim3A_116, %scan3A_109 : vector<16xi1>, vector<16xi32>
        %scan3A_118 = arith.constant 1 : i32
        %scan3A_119 = arith.addi %scan3A_107, %scan3A_118 : i32
        %get3A_120 = arith.index_cast %scan3A_119 : i32 to index
        %get3A_121 = arith.index_cast %mul3A_10 : i32 to index
        %get3A_122 = tpu.vector_load %arg5[%get3A_120, %get3A_121] {strides = array<i32>} : memref<64x256xf32, #tpu.memory_space<vmem>>, vector<1x16xf32>,
        %get3A_123 = vector.shape_cast %get3A_122 : vector<1x16xf32> to vector<16xf32>
        %gt3A_124 = arith.cmpf ogt, %get3A_123, %select_n3A_115 : vector<16xf32>
        %select_n3A_125 = arith.select %gt3A_124, %get3A_123, %select_n3A_115 : vector<16xi1>, vector<16xf32>
        %broadcast_in_dim3A_126 = vector.broadcast %scan3A_119 : i32 to vector<16xi32>
        %select_n3A_127 = arith.select %gt3A_124, %broadcast_in_dim3A_126, %select_n3A_117 : vector<16xi1>, vector<16xi32>
        %scan3A_128 = arith.constant 2 : i32
        %scan3A_129 = arith.addi %scan3A_107, %scan3A_128 : i32
        %get3A_130 = arith.index_cast %scan3A_129 : i32 to index
        %get3A_131 = arith.index_cast %mul3A_10 : i32 to index
        %get3A_132 = tpu.vector_load %arg5[%get3A_130, %get3A_131] {strides = array<i32>} : memref<64x256xf32, #tpu.memory_space<vmem>>, vector<1x16xf32>,
        %get3A_133 = vector.shape_cast %get3A_132 : vector<1x16xf32> to vector<16xf32>
        %gt3A_134 = arith.cmpf ogt, %get3A_133, %select_n3A_125 : vector<16xf32>
        %select_n3A_135 = arith.select %gt3A_134, %get3A_133, %select_n3A_125 : vector<16xi1>, vector<16xf32>
        %broadcast_in_dim3A_136 = vector.broadcast %scan3A_129 : i32 to vector<16xi32>
        %select_n3A_137 = arith.select %gt3A_134, %broadcast_in_dim3A_136, %select_n3A_127 : vector<16xi1>, vector<16xi32>
        %scan3A_138 = arith.constant 3 : i32
        %scan3A_139 = arith.addi %scan3A_107, %scan3A_138 : i32
        %get3A_140 = arith.index_cast %scan3A_139 : i32 to index
        %get3A_141 = arith.index_cast %mul3A_10 : i32 to index
        %get3A_142 = tpu.vector_load %arg5[%get3A_140, %get3A_141] {strides = array<i32>} : memref<64x256xf32, #tpu.memory_space<vmem>>, vector<1x16xf32>,
        %get3A_143 = vector.shape_cast %get3A_142 : vector<1x16xf32> to vector<16xf32>
        %gt3A_144 = arith.cmpf ogt, %get3A_143, %select_n3A_135 : vector<16xf32>
        %select_n3A_145 = arith.select %gt3A_144, %get3A_143, %select_n3A_135 : vector<16xi1>, vector<16xf32>
        %broadcast_in_dim3A_146 = vector.broadcast %scan3A_139 : i32 to vector<16xi32>
        %select_n3A_147 = arith.select %gt3A_144, %broadcast_in_dim3A_146, %select_n3A_137 : vector<16xi1>, vector<16xi32>
        %scan3A_148 = arith.constant 4 : i32
        %scan3A_149 = arith.addi %scan3A_107, %scan3A_148 : i32
        %get3A_150 = arith.index_cast %scan3A_149 : i32 to index
        %get3A_151 = arith.index_cast %mul3A_10 : i32 to index
        %get3A_152 = tpu.vector_load %arg5[%get3A_150, %get3A_151] {strides = array<i32>} : memref<64x256xf32, #tpu.memory_space<vmem>>, vector<1x16xf32>,
        %get3A_153 = vector.shape_cast %get3A_152 : vector<1x16xf32> to vector<16xf32>
        %gt3A_154 = arith.cmpf ogt, %get3A_153, %select_n3A_145 : vector<16xf32>
        %select_n3A_155 = arith.select %gt3A_154, %get3A_153, %select_n3A_145 : vector<16xi1>, vector<16xf32>
        %broadcast_in_dim3A_156 = vector.broadcast %scan3A_149 : i32 to vector<16xi32>
        %select_n3A_157 = arith.select %gt3A_154, %broadcast_in_dim3A_156, %select_n3A_147 : vector<16xi1>, vector<16xi32>
        %scan3A_158 = arith.constant 5 : i32
        %scan3A_159 = arith.addi %scan3A_107, %scan3A_158 : i32
        %get3A_160 = arith.index_cast %scan3A_159 : i32 to index
        %get3A_161 = arith.index_cast %mul3A_10 : i32 to index
        %get3A_162 = tpu.vector_load %arg5[%get3A_160, %get3A_161] {strides = array<i32>} : memref<64x256xf32, #tpu.memory_space<vmem>>, vector<1x16xf32>,
        %get3A_163 = vector.shape_cast %get3A_162 : vector<1x16xf32> to vector<16xf32>
        %gt3A_164 = arith.cmpf ogt, %get3A_163, %select_n3A_155 : vector<16xf32>
        %select_n3A_165 = arith.select %gt3A_164, %get3A_163, %select_n3A_155 : vector<16xi1>, vector<16xf32>
        %broadcast_in_dim3A_166 = vector.broadcast %scan3A_159 : i32 to vector<16xi32>
        %select_n3A_167 = arith.select %gt3A_164, %broadcast_in_dim3A_166, %select_n3A_157 : vector<16xi1>, vector<16xi32>
        %scan3A_168 = arith.constant 6 : i32
        %scan3A_169 = arith.addi %scan3A_107, %scan3A_168 : i32
        %get3A_170 = arith.index_cast %scan3A_169 : i32 to index
        %get3A_171 = arith.index_cast %mul3A_10 : i32 to index
        %get3A_172 = tpu.vector_load %arg5[%get3A_170, %get3A_171] {strides = array<i32>} : memref<64x256xf32, #tpu.memory_space<vmem>>, vector<1x16xf32>,
        %get3A_173 = vector.shape_cast %get3A_172 : vector<1x16xf32> to vector<16xf32>
        %gt3A_174 = arith.cmpf ogt, %get3A_173, %select_n3A_165 : vector<16xf32>
        %select_n3A_175 = arith.select %gt3A_174, %get3A_173, %select_n3A_165 : vector<16xi1>, vector<16xf32>
        %broadcast_in_dim3A_176 = vector.broadcast %scan3A_169 : i32 to vector<16xi32>
        %select_n3A_177 = arith.select %gt3A_174, %broadcast_in_dim3A_176, %select_n3A_167 : vector<16xi1>, vector<16xi32>
        %scan3A_178 = arith.constant 7 : i32
        %scan3A_179 = arith.addi %scan3A_107, %scan3A_178 : i32
        %get3A_180 = arith.index_cast %scan3A_179 : i32 to index
        %get3A_181 = arith.index_cast %mul3A_10 : i32 to index
        %get3A_182 = tpu.vector_load %arg5[%get3A_180, %get3A_181] {strides = array<i32>} : memref<64x256xf32, #tpu.memory_space<vmem>>, vector<1x16xf32>,
        %get3A_183 = vector.shape_cast %get3A_182 : vector<1x16xf32> to vector<16xf32>
        %gt3A_184 = arith.cmpf ogt, %get3A_183, %select_n3A_175 : vector<16xf32>
        %select_n3A_185 = arith.select %gt3A_184, %get3A_183, %select_n3A_175 : vector<16xi1>, vector<16xf32>
        %broadcast_in_dim3A_186 = vector.broadcast %scan3A_179 : i32 to vector<16xi32>
        %select_n3A_187 = arith.select %gt3A_184, %broadcast_in_dim3A_186, %select_n3A_177 : vector<16xi1>, vector<16xi32>
        scf.yield %select_n3A_185, %select_n3A_187 : vector<16xf32>, vector<16xi32>
      }
      %scan3A_21 = arith.constant 56 : i32
      %scan3A_22 = arith.addi %scan3A_16, %scan3A_21 : i32
      %get3A_23 = arith.index_cast %scan3A_22 : i32 to index
      %get3A_24 = arith.index_cast %mul3A_10 : i32 to index
      %get3A_25 = tpu.vector_load %arg5[%get3A_23, %get3A_24] {strides = array<i32>} : memref<64x256xf32, #tpu.memory_space<vmem>>, vector<1x16xf32>,
      %get3A_26 = vector.shape_cast %get3A_25 : vector<1x16xf32> to vector<16xf32>
      %gt3A = arith.cmpf ogt, %get3A_26, %scan3A_20#0 : vector<16xf32>
      %select_n3A = arith.select %gt3A, %get3A_26, %scan3A_20#0 : vector<16xi1>, vector<16xf32>
      %broadcast_in_dim3A_27 = vector.broadcast %scan3A_22 : i32 to vector<16xi32>
      %select_n3A_28 = arith.select %gt3A, %broadcast_in_dim3A_27, %scan3A_20#1 : vector<16xi1>, vector<16xi32>
      %scan3A_29 = arith.constant 57 : i32
      %scan3A_30 = arith.addi %scan3A_16, %scan3A_29 : i32
      %get3A_31 = arith.index_cast %scan3A_30 : i32 to index
      %get3A_32 = arith.index_cast %mul3A_10 : i32 to index
      %get3A_33 = tpu.vector_load %arg5[%get3A_31, %get3A_32] {strides = array<i32>} : memref<64x256xf32, #tpu.memory_space<vmem>>, vector<1x16xf32>,
      %get3A_34 = vector.shape_cast %get3A_33 : vector<1x16xf32> to vector<16xf32>
      %gt3A_35 = arith.cmpf ogt, %get3A_34, %select_n3A : vector<16xf32>
      %select_n3A_36 = arith.select %gt3A_35, %get3A_34, %select_n3A : vector<16xi1>, vector<16xf32>
      %broadcast_in_dim3A_37 = vector.broadcast %scan3A_30 : i32 to vector<16xi32>
      %select_n3A_38 = arith.select %gt3A_35, %broadcast_in_dim3A_37, %select_n3A_28 : vector<16xi1>, vector<16xi32>
      %scan3A_39 = arith.constant 58 : i32
      %scan3A_40 = arith.addi %scan3A_16, %scan3A_39 : i32
      %get3A_41 = arith.index_cast %scan3A_40 : i32 to index
      %get3A_42 = arith.index_cast %mul3A_10 : i32 to index
      %get3A_43 = tpu.vector_load %arg5[%get3A_41, %get3A_42] {strides = array<i32>} : memref<64x256xf32, #tpu.memory_space<vmem>>, vector<1x16xf32>,
      %get3A_44 = vector.shape_cast %get3A_43 : vector<1x16xf32> to vector<16xf32>
      %gt3A_45 = arith.cmpf ogt, %get3A_44, %select_n3A_36 : vector<16xf32>
      %select_n3A_46 = arith.select %gt3A_45, %get3A_44, %select_n3A_36 : vector<16xi1>, vector<16xf32>
      %broadcast_in_dim3A_47 = vector.broadcast %scan3A_40 : i32 to vector<16xi32>
      %select_n3A_48 = arith.select %gt3A_45, %broadcast_in_dim3A_47, %select_n3A_38 : vector<16xi1>, vector<16xi32>
      %scan3A_49 = arith.constant 59 : i32
      %scan3A_50 = arith.addi %scan3A_16, %scan3A_49 : i32
      %get3A_51 = arith.index_cast %scan3A_50 : i32 to index
      %get3A_52 = arith.index_cast %mul3A_10 : i32 to index
      %get3A_53 = tpu.vector_load %arg5[%get3A_51, %get3A_52] {strides = array<i32>} : memref<64x256xf32, #tpu.memory_space<vmem>>, vector<1x16xf32>,
      %get3A_54 = vector.shape_cast %get3A_53 : vector<1x16xf32> to vector<16xf32>
      %gt3A_55 = arith.cmpf ogt, %get3A_54, %select_n3A_46 : vector<16xf32>
      %select_n3A_56 = arith.select %gt3A_55, %get3A_54, %select_n3A_46 : vector<16xi1>, vector<16xf32>
      %broadcast_in_dim3A_57 = vector.broadcast %scan3A_50 : i32 to vector<16xi32>
      %select_n3A_58 = arith.select %gt3A_55, %broadcast_in_dim3A_57, %select_n3A_48 : vector<16xi1>, vector<16xi32>
      %scan3A_59 = arith.constant 60 : i32
      %scan3A_60 = arith.addi %scan3A_16, %scan3A_59 : i32
      %get3A_61 = arith.index_cast %scan3A_60 : i32 to index
      %get3A_62 = arith.index_cast %mul3A_10 : i32 to index
      %get3A_63 = tpu.vector_load %arg5[%get3A_61, %get3A_62] {strides = array<i32>} : memref<64x256xf32, #tpu.memory_space<vmem>>, vector<1x16xf32>,
      %get3A_64 = vector.shape_cast %get3A_63 : vector<1x16xf32> to vector<16xf32>
      %gt3A_65 = arith.cmpf ogt, %get3A_64, %select_n3A_56 : vector<16xf32>
      %select_n3A_66 = arith.select %gt3A_65, %get3A_64, %select_n3A_56 : vector<16xi1>, vector<16xf32>
      %broadcast_in_dim3A_67 = vector.broadcast %scan3A_60 : i32 to vector<16xi32>
      %select_n3A_68 = arith.select %gt3A_65, %broadcast_in_dim3A_67, %select_n3A_58 : vector<16xi1>, vector<16xi32>
      %scan3A_69 = arith.constant 61 : i32
      %scan3A_70 = arith.addi %scan3A_16, %scan3A_69 : i32
      %get3A_71 = arith.index_cast %scan3A_70 : i32 to index
      %get3A_72 = arith.index_cast %mul3A_10 : i32 to index
      %get3A_73 = tpu.vector_load %arg5[%get3A_71, %get3A_72] {strides = array<i32>} : memref<64x256xf32, #tpu.memory_space<vmem>>, vector<1x16xf32>,
      %get3A_74 = vector.shape_cast %get3A_73 : vector<1x16xf32> to vector<16xf32>
      %gt3A_75 = arith.cmpf ogt, %get3A_74, %select_n3A_66 : vector<16xf32>
      %select_n3A_76 = arith.select %gt3A_75, %get3A_74, %select_n3A_66 : vector<16xi1>, vector<16xf32>
      %broadcast_in_dim3A_77 = vector.broadcast %scan3A_70 : i32 to vector<16xi32>
      %select_n3A_78 = arith.select %gt3A_75, %broadcast_in_dim3A_77, %select_n3A_68 : vector<16xi1>, vector<16xi32>
      %scan3A_79 = arith.constant 62 : i32
      %scan3A_80 = arith.addi %scan3A_16, %scan3A_79 : i32
      %get3A_81 = arith.index_cast %scan3A_80 : i32 to index
      %get3A_82 = arith.index_cast %mul3A_10 : i32 to index
      %get3A_83 = tpu.vector_load %arg5[%get3A_81, %get3A_82] {strides = array<i32>} : memref<64x256xf32, #tpu.memory_space<vmem>>, vector<1x16xf32>,
      %get3A_84 = vector.shape_cast %get3A_83 : vector<1x16xf32> to vector<16xf32>
      %gt3A_85 = arith.cmpf ogt, %get3A_84, %select_n3A_76 : vector<16xf32>
      %select_n3A_86 = arith.select %gt3A_85, %get3A_84, %select_n3A_76 : vector<16xi1>, vector<16xf32>
      %broadcast_in_dim3A_87 = vector.broadcast %scan3A_80 : i32 to vector<16xi32>
      %select_n3A_88 = arith.select %gt3A_85, %broadcast_in_dim3A_87, %select_n3A_78 : vector<16xi1>, vector<16xi32>
      %scan3A_89 = arith.constant 63 : i32
      %broadcast_in_dim3A_90 = arith.constant 0.000000e+00 : f32
      %broadcast_in_dim3A_91 = vector.broadcast %broadcast_in_dim3A_90 : f32 to vector<16xf32>
      %scan3A_92 = arith.constant 0 : i32
      %scan3A_93 = arith.constant 64 : i32
      %scan3A_94 = arith.addi %scan3A_92, %scan3A_93 : i32
      %scan3A_95 = arith.constant 8 : i32
      %scan3A_96 = scf.for %scan3A_107 = %scan3A_92 to %scan3A_94 step %scan3A_95 iter_args(%scan3A_108 = %broadcast_in_dim3A_91) -> (vector<16xf32>)  : i32 {
        %get3A_109 = arith.index_cast %scan3A_107 : i32 to index
        %get3A_110 = arith.index_cast %mul3A_10 : i32 to index
        %get3A_111 = tpu.vector_load %arg5[%get3A_109, %get3A_110] {strides = array<i32>} : memref<64x256xf32, #tpu.memory_space<vmem>>, vector<1x16xf32>,
        %get3A_112 = vector.shape_cast %get3A_111 : vector<1x16xf32> to vector<16xf32>
        %sub3A = arith.subf %get3A_112, %select_n3A_86 : vector<16xf32>
        %exp3A = math.exp %sub3A : vector<16xf32>
        %add3A_113 = arith.addf %scan3A_108, %exp3A : vector<16xf32>
        %scan3A_114 = arith.constant 1 : i32
        %scan3A_115 = arith.addi %scan3A_107, %scan3A_114 : i32
        %get3A_116 = arith.index_cast %scan3A_115 : i32 to index
        %get3A_117 = arith.index_cast %mul3A_10 : i32 to index
        %get3A_118 = tpu.vector_load %arg5[%get3A_116, %get3A_117] {strides = array<i32>} : memref<64x256xf32, #tpu.memory_space<vmem>>, vector<1x16xf32>,
        %get3A_119 = vector.shape_cast %get3A_118 : vector<1x16xf32> to vector<16xf32>
        %sub3A_120 = arith.subf %get3A_119, %select_n3A_86 : vector<16xf32>
        %exp3A_121 = math.exp %sub3A_120 : vector<16xf32>
        %add3A_122 = arith.addf %add3A_113, %exp3A_121 : vector<16xf32>
        %scan3A_123 = arith.constant 2 : i32
        %scan3A_124 = arith.addi %scan3A_107, %scan3A_123 : i32
        %get3A_125 = arith.index_cast %scan3A_124 : i32 to index
        %get3A_126 = arith.index_cast %mul3A_10 : i32 to index
        %get3A_127 = tpu.vector_load %arg5[%get3A_125, %get3A_126] {strides = array<i32>} : memref<64x256xf32, #tpu.memory_space<vmem>>, vector<1x16xf32>,
        %get3A_128 = vector.shape_cast %get3A_127 : vector<1x16xf32> to vector<16xf32>
        %sub3A_129 = arith.subf %get3A_128, %select_n3A_86 : vector<16xf32>
        %exp3A_130 = math.exp %sub3A_129 : vector<16xf32>
        %add3A_131 = arith.addf %add3A_122, %exp3A_130 : vector<16xf32>
        %scan3A_132 = arith.constant 3 : i32
        %scan3A_133 = arith.addi %scan3A_107, %scan3A_132 : i32
        %get3A_134 = arith.index_cast %scan3A_133 : i32 to index
        %get3A_135 = arith.index_cast %mul3A_10 : i32 to index
        %get3A_136 = tpu.vector_load %arg5[%get3A_134, %get3A_135] {strides = array<i32>} : memref<64x256xf32, #tpu.memory_space<vmem>>, vector<1x16xf32>,
        %get3A_137 = vector.shape_cast %get3A_136 : vector<1x16xf32> to vector<16xf32>
        %sub3A_138 = arith.subf %get3A_137, %select_n3A_86 : vector<16xf32>
        %exp3A_139 = math.exp %sub3A_138 : vector<16xf32>
        %add3A_140 = arith.addf %add3A_131, %exp3A_139 : vector<16xf32>
        %scan3A_141 = arith.constant 4 : i32
        %scan3A_142 = arith.addi %scan3A_107, %scan3A_141 : i32
        %get3A_143 = arith.index_cast %scan3A_142 : i32 to index
        %get3A_144 = arith.index_cast %mul3A_10 : i32 to index
        %get3A_145 = tpu.vector_load %arg5[%get3A_143, %get3A_144] {strides = array<i32>} : memref<64x256xf32, #tpu.memory_space<vmem>>, vector<1x16xf32>,
        %get3A_146 = vector.shape_cast %get3A_145 : vector<1x16xf32> to vector<16xf32>
        %sub3A_147 = arith.subf %get3A_146, %select_n3A_86 : vector<16xf32>
        %exp3A_148 = math.exp %sub3A_147 : vector<16xf32>
        %add3A_149 = arith.addf %add3A_140, %exp3A_148 : vector<16xf32>
        %scan3A_150 = arith.constant 5 : i32
        %scan3A_151 = arith.addi %scan3A_107, %scan3A_150 : i32
        %get3A_152 = arith.index_cast %scan3A_151 : i32 to index
        %get3A_153 = arith.index_cast %mul3A_10 : i32 to index
        %get3A_154 = tpu.vector_load %arg5[%get3A_152, %get3A_153] {strides = array<i32>} : memref<64x256xf32, #tpu.memory_space<vmem>>, vector<1x16xf32>,
        %get3A_155 = vector.shape_cast %get3A_154 : vector<1x16xf32> to vector<16xf32>
        %sub3A_156 = arith.subf %get3A_155, %select_n3A_86 : vector<16xf32>
        %exp3A_157 = math.exp %sub3A_156 : vector<16xf32>
        %add3A_158 = arith.addf %add3A_149, %exp3A_157 : vector<16xf32>
        %scan3A_159 = arith.constant 6 : i32
        %scan3A_160 = arith.addi %scan3A_107, %scan3A_159 : i32
        %get3A_161 = arith.index_cast %scan3A_160 : i32 to index
        %get3A_162 = arith.index_cast %mul3A_10 : i32 to index
        %get3A_163 = tpu.vector_load %arg5[%get3A_161, %get3A_162] {strides = array<i32>} : memref<64x256xf32, #tpu.memory_space<vmem>>, vector<1x16xf32>,
        %get3A_164 = vector.shape_cast %get3A_163 : vector<1x16xf32> to vector<16xf32>
        %sub3A_165 = arith.subf %get3A_164, %select_n3A_86 : vector<16xf32>
        %exp3A_166 = math.exp %sub3A_165 : vector<16xf32>
        %add3A_167 = arith.addf %add3A_158, %exp3A_166 : vector<16xf32>
        %scan3A_168 = arith.constant 7 : i32
        %scan3A_169 = arith.addi %scan3A_107, %scan3A_168 : i32
        %get3A_170 = arith.index_cast %scan3A_169 : i32 to index
        %get3A_171 = arith.index_cast %mul3A_10 : i32 to index
        %get3A_172 = tpu.vector_load %arg5[%get3A_170, %get3A_171] {strides = array<i32>} : memref<64x256xf32, #tpu.memory_space<vmem>>, vector<1x16xf32>,
        %get3A_173 = vector.shape_cast %get3A_172 : vector<1x16xf32> to vector<16xf32>
        %sub3A_174 = arith.subf %get3A_173, %select_n3A_86 : vector<16xf32>
        %exp3A_175 = math.exp %sub3A_174 : vector<16xf32>
        %add3A_176 = arith.addf %add3A_167, %exp3A_175 : vector<16xf32>
        scf.yield %add3A_176 : vector<16xf32>
      }
      %scan3A_97 = arith.constant 64 : i32
      %swap3A = arith.index_cast %mul3A_10 : i32 to index
      %swap3A_98 = tpu.vector_load %arg6[%swap3A] {strides = array<i32>} : memref<256xi32, #tpu.memory_space<vmem>>, vector<16xi32>,
      %swap3A_99 = vector.shape_cast %swap3A_98 : vector<16xi32> to vector<16xi32>
      %swap3A_100 = vector.shape_cast %select_n3A_88 : vector<16xi32> to vector<16xi32>
      tpu.vector_store %arg6[%swap3A], %swap3A_100 {strides = array<i32>} : memref<256xi32, #tpu.memory_space<vmem>>, vector<16xi32>,
      %div3A = arith.constant 1.000000e+00 : f32
      %div3A_101 = vector.broadcast %div3A : f32 to vector<16xf32>
      %div3A_102 = arith.divf %div3A_101, %scan3A_96 : vector<16xf32>
      %swap3A_103 = arith.index_cast %mul3A_10 : i32 to index
      %swap3A_104 = tpu.vector_load %arg7[%swap3A_103] {strides = array<i32>} : memref<256xf32, #tpu.memory_space<vmem>>, vector<16xf32>,
      %swap3A_105 = vector.shape_cast %swap3A_104 : vector<16xf32> to vector<16xf32>
      %swap3A_106 = vector.shape_cast %div3A_102 : vector<16xf32> to vector<16xf32>
      tpu.vector_store %arg7[%swap3A_103], %swap3A_106 {strides = array<i32>} : memref<256xf32, #tpu.memory_space<vmem>>, vector<16xf32>,
    }
    %scan3A_7 = arith.constant 16 : i32
    "tpu.region"() ({
      %run_scoped3A = tpu.sem_alloc : memref<!tpu.dma_semaphore, #tpu.memory_space<semaphore_mem>>
      %dma_start3A = tpu.memref_slice %arg3[%mul3A_2] : memref<8192xi32, #tpu.memory_space<hbm>> -> memref<256xi32, #tpu.memory_space<hbm>>
      %dma_start3A_8 = tpu.memref_slice %arg3[%mul3A_2] : memref<8192xi32, #tpu.memory_space<hbm>> -> memref<256xi32, #tpu.memory_space<hbm>>
      tpu.enqueue_dma source(%arg6 : memref<256xi32, #tpu.memory_space<vmem>>) target(%dma_start3A_8 : memref<256xi32, #tpu.memory_space<hbm>>) target_semaphore(%run_scoped3A : memref<!tpu.dma_semaphore, #tpu.memory_space<semaphore_mem>>)
      %dma_wait3A = tpu.memref_slice %arg3[%mul3A_2] : memref<8192xi32, #tpu.memory_space<hbm>> -> memref<256xi32, #tpu.memory_space<hbm>>
      %dma_wait3A_9 = tpu.memref_slice %arg3[%mul3A_2] : memref<8192xi32, #tpu.memory_space<hbm>> -> memref<256xi32, #tpu.memory_space<hbm>>
      tpu.wait_dma2 semaphore(%run_scoped3A : memref<!tpu.dma_semaphore, #tpu.memory_space<semaphore_mem>>) src(%arg6 : memref<256xi32, #tpu.memory_space<vmem>>) dst(%dma_wait3A_9 : memref<256xi32, #tpu.memory_space<hbm>>)
      tpu.yield
    }) : () -> ()
    "tpu.region"() ({
      %run_scoped3A = tpu.sem_alloc : memref<!tpu.dma_semaphore, #tpu.memory_space<semaphore_mem>>
      %dma_start3A = tpu.memref_slice %arg4[%mul3A_2] : memref<8192xf32, #tpu.memory_space<hbm>> -> memref<256xf32, #tpu.memory_space<hbm>>
      %dma_start3A_8 = tpu.memref_slice %arg4[%mul3A_2] : memref<8192xf32, #tpu.memory_space<hbm>> -> memref<256xf32, #tpu.memory_space<hbm>>
      tpu.enqueue_dma source(%arg7 : memref<256xf32, #tpu.memory_space<vmem>>) target(%dma_start3A_8 : memref<256xf32, #tpu.memory_space<hbm>>) target_semaphore(%run_scoped3A : memref<!tpu.dma_semaphore, #tpu.memory_space<semaphore_mem>>)
      %dma_wait3A = tpu.memref_slice %arg4[%mul3A_2] : memref<8192xf32, #tpu.memory_space<hbm>> -> memref<256xf32, #tpu.memory_space<hbm>>
      %dma_wait3A_9 = tpu.memref_slice %arg4[%mul3A_2] : memref<8192xf32, #tpu.memory_space<hbm>> -> memref<256xf32, #tpu.memory_space<hbm>>
      tpu.wait_dma2 semaphore(%run_scoped3A : memref<!tpu.dma_semaphore, #tpu.memory_space<semaphore_mem>>) src(%arg7 : memref<256xf32, #tpu.memory_space<vmem>>) dst(%dma_wait3A_9 : memref<256xf32, #tpu.memory_space<hbm>>)
      tpu.yield
    }) : () -> ()
    return
  }
}

#map = affine_map<(d0, d1) -> (0, 0)>
#map1 = affine_map<(d0, d1) -> (0)>
module attributes {stable_mosaic.version = 14 : i64} {
  func.func @_route_body(%arg0: i32, %arg1: i32, %arg2: memref<64x8192xf32, #tpu.memory_space<hbm>>, %arg3: memref<8192xi32, #tpu.memory_space<hbm>>, %arg4: memref<8192xf32, #tpu.memory_space<hbm>>, %arg5: memref<64x256xf32, #tpu.memory_space<vmem>>, %arg6: memref<256xi32, #tpu.memory_space<vmem>>, %arg7: memref<256xf32, #tpu.memory_space<vmem>>) attributes {dimension_semantics = [#tpu.dimension_semantics<core_parallel>, #tpu.dimension_semantics<subcore_parallel>], iteration_bounds = array<i64: 2, 16>, scalar_prefetch = 0 : i64, scratch_operands = 3 : i64, tpu.core_type = #tpu.core_type<sc_vector_subcore>, window_params = [{transform_indices = #map}, {transform_indices = #map1}, {transform_indices = #map1}]} {
    %mul3A = arith.constant 2 : i32
    %mul3A_0 = arith.muli %arg1, %mul3A : i32
    %add3A = arith.addi %mul3A_0, %arg0 : i32
    %mul3A_1 = arith.constant 256 : i32
    %mul3A_2 = arith.muli %add3A, %mul3A_1 : i32
    "tpu.region"() ({
      %run_scoped3A = tpu.sem_alloc : memref<!tpu.dma_semaphore, #tpu.memory_space<semaphore_mem>>
      %dma_start3A = arith.constant 0 : i32
      %dma_start3A_8 = tpu.memref_slice %arg2[%dma_start3A, %mul3A_2] : memref<64x8192xf32, #tpu.memory_space<hbm>> -> memref<64x256xf32, #tpu.memory_space<hbm>>
      %dma_start3A_9 = arith.constant 0 : i32
      %dma_start3A_10 = tpu.memref_slice %arg2[%dma_start3A_9, %mul3A_2] : memref<64x8192xf32, #tpu.memory_space<hbm>> -> memref<64x256xf32, #tpu.memory_space<hbm>>
      tpu.enqueue_dma source(%dma_start3A_10 : memref<64x256xf32, #tpu.memory_space<hbm>>) target(%arg5 : memref<64x256xf32, #tpu.memory_space<vmem>>) target_semaphore(%run_scoped3A : memref<!tpu.dma_semaphore, #tpu.memory_space<semaphore_mem>>)
      %dma_wait3A = arith.constant 0 : i32
      %dma_wait3A_11 = tpu.memref_slice %arg2[%dma_wait3A, %mul3A_2] : memref<64x8192xf32, #tpu.memory_space<hbm>> -> memref<64x256xf32, #tpu.memory_space<hbm>>
      %dma_wait3A_12 = arith.constant 0 : i32
      %dma_wait3A_13 = tpu.memref_slice %arg2[%dma_wait3A_12, %mul3A_2] : memref<64x8192xf32, #tpu.memory_space<hbm>> -> memref<64x256xf32, #tpu.memory_space<hbm>>
      tpu.wait_dma2 semaphore(%run_scoped3A : memref<!tpu.dma_semaphore, #tpu.memory_space<semaphore_mem>>) src(%dma_wait3A_13 : memref<64x256xf32, #tpu.memory_space<hbm>>) dst(%arg5 : memref<64x256xf32, #tpu.memory_space<vmem>>)
      tpu.yield
    }) : () -> ()
    %scan3A = arith.constant 0 : i32
    %scan3A_3 = arith.constant 0 : i32
    %scan3A_4 = arith.constant 16 : i32
    %scan3A_5 = arith.addi %scan3A_3, %scan3A_4 : i32
    %scan3A_6 = arith.constant 1 : i32
    scf.for %scan3A_8 = %scan3A_3 to %scan3A_5 step %scan3A_6  : i32 {
      %mul3A_9 = arith.constant 16 : i32
      %mul3A_10 = arith.muli %scan3A_8, %mul3A_9 : i32
      %get3A = arith.constant 0 : i32
      %get3A_11 = arith.index_cast %get3A : i32 to index
      %get3A_12 = arith.index_cast %mul3A_10 : i32 to index
      %get3A_13 = tpu.vector_load %arg5[%get3A_11, %get3A_12] {strides = array<i32>} : memref<64x256xf32, #tpu.memory_space<vmem>>, vector<1x16xf32>,
      %get3A_14 = vector.shape_cast %get3A_13 : vector<1x16xf32> to vector<16xf32>
      %broadcast_in_dim3A = arith.constant 0 : i32
      %broadcast_in_dim3A_15 = vector.broadcast %broadcast_in_dim3A : i32 to vector<16xi32>
      %scan3A_16 = arith.constant 1 : i32
      %scan3A_17 = arith.constant 56 : i32
      %scan3A_18 = arith.addi %scan3A_16, %scan3A_17 : i32
      %scan3A_19 = arith.constant 8 : i32
      %scan3A_20:2 = scf.for %scan3A_107 = %scan3A_16 to %scan3A_18 step %scan3A_19 iter_args(%scan3A_108 = %get3A_14, %scan3A_109 = %broadcast_in_dim3A_15) -> (vector<16xf32>, vector<16xi32>)  : i32 {
        %get3A_110 = arith.index_cast %scan3A_107 : i32 to index
        %get3A_111 = arith.index_cast %mul3A_10 : i32 to index
        %get3A_112 = tpu.vector_load %arg5[%get3A_110, %get3A_111] {strides = array<i32>} : memref<64x256xf32, #tpu.memory_space<vmem>>, vector<1x16xf32>,
        %get3A_113 = vector.shape_cast %get3A_112 : vector<1x16xf32> to vector<16xf32>
        %gt3A_114 = arith.cmpf ogt, %get3A_113, %scan3A_108 : vector<16xf32>
        %select_n3A_115 = arith.select %gt3A_114, %get3A_113, %scan3A_108 : vector<16xi1>, vector<16xf32>
        %broadcast_in_dim3A_116 = vector.broadcast %scan3A_107 : i32 to vector<16xi32>
        %select_n3A_117 = arith.select %gt3A_114, %broadcast_in_dim3A_116, %scan3A_109 : vector<16xi1>, vector<16xi32>
        %scan3A_118 = arith.constant 1 : i32
        %scan3A_119 = arith.addi %scan3A_107, %scan3A_118 : i32
        %get3A_120 = arith.index_cast %scan3A_119 : i32 to index
        %get3A_121 = arith.index_cast %mul3A_10 : i32 to index
        %get3A_122 = tpu.vector_load %arg5[%get3A_120, %get3A_121] {strides = array<i32>} : memref<64x256xf32, #tpu.memory_space<vmem>>, vector<1x16xf32>,
        %get3A_123 = vector.shape_cast %get3A_122 : vector<1x16xf32> to vector<16xf32>
        %gt3A_124 = arith.cmpf ogt, %get3A_123, %select_n3A_115 : vector<16xf32>
        %select_n3A_125 = arith.select %gt3A_124, %get3A_123, %select_n3A_115 : vector<16xi1>, vector<16xf32>
        %broadcast_in_dim3A_126 = vector.broadcast %scan3A_119 : i32 to vector<16xi32>
        %select_n3A_127 = arith.select %gt3A_124, %broadcast_in_dim3A_126, %select_n3A_117 : vector<16xi1>, vector<16xi32>
        %scan3A_128 = arith.constant 2 : i32
        %scan3A_129 = arith.addi %scan3A_107, %scan3A_128 : i32
        %get3A_130 = arith.index_cast %scan3A_129 : i32 to index
        %get3A_131 = arith.index_cast %mul3A_10 : i32 to index
        %get3A_132 = tpu.vector_load %arg5[%get3A_130, %get3A_131] {strides = array<i32>} : memref<64x256xf32, #tpu.memory_space<vmem>>, vector<1x16xf32>,
        %get3A_133 = vector.shape_cast %get3A_132 : vector<1x16xf32> to vector<16xf32>
        %gt3A_134 = arith.cmpf ogt, %get3A_133, %select_n3A_125 : vector<16xf32>
        %select_n3A_135 = arith.select %gt3A_134, %get3A_133, %select_n3A_125 : vector<16xi1>, vector<16xf32>
        %broadcast_in_dim3A_136 = vector.broadcast %scan3A_129 : i32 to vector<16xi32>
        %select_n3A_137 = arith.select %gt3A_134, %broadcast_in_dim3A_136, %select_n3A_127 : vector<16xi1>, vector<16xi32>
        %scan3A_138 = arith.constant 3 : i32
        %scan3A_139 = arith.addi %scan3A_107, %scan3A_138 : i32
        %get3A_140 = arith.index_cast %scan3A_139 : i32 to index
        %get3A_141 = arith.index_cast %mul3A_10 : i32 to index
        %get3A_142 = tpu.vector_load %arg5[%get3A_140, %get3A_141] {strides = array<i32>} : memref<64x256xf32, #tpu.memory_space<vmem>>, vector<1x16xf32>,
        %get3A_143 = vector.shape_cast %get3A_142 : vector<1x16xf32> to vector<16xf32>
        %gt3A_144 = arith.cmpf ogt, %get3A_143, %select_n3A_135 : vector<16xf32>
        %select_n3A_145 = arith.select %gt3A_144, %get3A_143, %select_n3A_135 : vector<16xi1>, vector<16xf32>
        %broadcast_in_dim3A_146 = vector.broadcast %scan3A_139 : i32 to vector<16xi32>
        %select_n3A_147 = arith.select %gt3A_144, %broadcast_in_dim3A_146, %select_n3A_137 : vector<16xi1>, vector<16xi32>
        %scan3A_148 = arith.constant 4 : i32
        %scan3A_149 = arith.addi %scan3A_107, %scan3A_148 : i32
        %get3A_150 = arith.index_cast %scan3A_149 : i32 to index
        %get3A_151 = arith.index_cast %mul3A_10 : i32 to index
        %get3A_152 = tpu.vector_load %arg5[%get3A_150, %get3A_151] {strides = array<i32>} : memref<64x256xf32, #tpu.memory_space<vmem>>, vector<1x16xf32>,
        %get3A_153 = vector.shape_cast %get3A_152 : vector<1x16xf32> to vector<16xf32>
        %gt3A_154 = arith.cmpf ogt, %get3A_153, %select_n3A_145 : vector<16xf32>
        %select_n3A_155 = arith.select %gt3A_154, %get3A_153, %select_n3A_145 : vector<16xi1>, vector<16xf32>
        %broadcast_in_dim3A_156 = vector.broadcast %scan3A_149 : i32 to vector<16xi32>
        %select_n3A_157 = arith.select %gt3A_154, %broadcast_in_dim3A_156, %select_n3A_147 : vector<16xi1>, vector<16xi32>
        %scan3A_158 = arith.constant 5 : i32
        %scan3A_159 = arith.addi %scan3A_107, %scan3A_158 : i32
        %get3A_160 = arith.index_cast %scan3A_159 : i32 to index
        %get3A_161 = arith.index_cast %mul3A_10 : i32 to index
        %get3A_162 = tpu.vector_load %arg5[%get3A_160, %get3A_161] {strides = array<i32>} : memref<64x256xf32, #tpu.memory_space<vmem>>, vector<1x16xf32>,
        %get3A_163 = vector.shape_cast %get3A_162 : vector<1x16xf32> to vector<16xf32>
        %gt3A_164 = arith.cmpf ogt, %get3A_163, %select_n3A_155 : vector<16xf32>
        %select_n3A_165 = arith.select %gt3A_164, %get3A_163, %select_n3A_155 : vector<16xi1>, vector<16xf32>
        %broadcast_in_dim3A_166 = vector.broadcast %scan3A_159 : i32 to vector<16xi32>
        %select_n3A_167 = arith.select %gt3A_164, %broadcast_in_dim3A_166, %select_n3A_157 : vector<16xi1>, vector<16xi32>
        %scan3A_168 = arith.constant 6 : i32
        %scan3A_169 = arith.addi %scan3A_107, %scan3A_168 : i32
        %get3A_170 = arith.index_cast %scan3A_169 : i32 to index
        %get3A_171 = arith.index_cast %mul3A_10 : i32 to index
        %get3A_172 = tpu.vector_load %arg5[%get3A_170, %get3A_171] {strides = array<i32>} : memref<64x256xf32, #tpu.memory_space<vmem>>, vector<1x16xf32>,
        %get3A_173 = vector.shape_cast %get3A_172 : vector<1x16xf32> to vector<16xf32>
        %gt3A_174 = arith.cmpf ogt, %get3A_173, %select_n3A_165 : vector<16xf32>
        %select_n3A_175 = arith.select %gt3A_174, %get3A_173, %select_n3A_165 : vector<16xi1>, vector<16xf32>
        %broadcast_in_dim3A_176 = vector.broadcast %scan3A_169 : i32 to vector<16xi32>
        %select_n3A_177 = arith.select %gt3A_174, %broadcast_in_dim3A_176, %select_n3A_167 : vector<16xi1>, vector<16xi32>
        %scan3A_178 = arith.constant 7 : i32
        %scan3A_179 = arith.addi %scan3A_107, %scan3A_178 : i32
        %get3A_180 = arith.index_cast %scan3A_179 : i32 to index
        %get3A_181 = arith.index_cast %mul3A_10 : i32 to index
        %get3A_182 = tpu.vector_load %arg5[%get3A_180, %get3A_181] {strides = array<i32>} : memref<64x256xf32, #tpu.memory_space<vmem>>, vector<1x16xf32>,
        %get3A_183 = vector.shape_cast %get3A_182 : vector<1x16xf32> to vector<16xf32>
        %gt3A_184 = arith.cmpf ogt, %get3A_183, %select_n3A_175 : vector<16xf32>
        %select_n3A_185 = arith.select %gt3A_184, %get3A_183, %select_n3A_175 : vector<16xi1>, vector<16xf32>
        %broadcast_in_dim3A_186 = vector.broadcast %scan3A_179 : i32 to vector<16xi32>
        %select_n3A_187 = arith.select %gt3A_184, %broadcast_in_dim3A_186, %select_n3A_177 : vector<16xi1>, vector<16xi32>
        scf.yield %select_n3A_185, %select_n3A_187 : vector<16xf32>, vector<16xi32>
      }
      %scan3A_21 = arith.constant 56 : i32
      %scan3A_22 = arith.addi %scan3A_16, %scan3A_21 : i32
      %get3A_23 = arith.index_cast %scan3A_22 : i32 to index
      %get3A_24 = arith.index_cast %mul3A_10 : i32 to index
      %get3A_25 = tpu.vector_load %arg5[%get3A_23, %get3A_24] {strides = array<i32>} : memref<64x256xf32, #tpu.memory_space<vmem>>, vector<1x16xf32>,
      %get3A_26 = vector.shape_cast %get3A_25 : vector<1x16xf32> to vector<16xf32>
      %gt3A = arith.cmpf ogt, %get3A_26, %scan3A_20#0 : vector<16xf32>
      %select_n3A = arith.select %gt3A, %get3A_26, %scan3A_20#0 : vector<16xi1>, vector<16xf32>
      %broadcast_in_dim3A_27 = vector.broadcast %scan3A_22 : i32 to vector<16xi32>
      %select_n3A_28 = arith.select %gt3A, %broadcast_in_dim3A_27, %scan3A_20#1 : vector<16xi1>, vector<16xi32>
      %scan3A_29 = arith.constant 57 : i32
      %scan3A_30 = arith.addi %scan3A_16, %scan3A_29 : i32
      %get3A_31 = arith.index_cast %scan3A_30 : i32 to index
      %get3A_32 = arith.index_cast %mul3A_10 : i32 to index
      %get3A_33 = tpu.vector_load %arg5[%get3A_31, %get3A_32] {strides = array<i32>} : memref<64x256xf32, #tpu.memory_space<vmem>>, vector<1x16xf32>,
      %get3A_34 = vector.shape_cast %get3A_33 : vector<1x16xf32> to vector<16xf32>
      %gt3A_35 = arith.cmpf ogt, %get3A_34, %select_n3A : vector<16xf32>
      %select_n3A_36 = arith.select %gt3A_35, %get3A_34, %select_n3A : vector<16xi1>, vector<16xf32>
      %broadcast_in_dim3A_37 = vector.broadcast %scan3A_30 : i32 to vector<16xi32>
      %select_n3A_38 = arith.select %gt3A_35, %broadcast_in_dim3A_37, %select_n3A_28 : vector<16xi1>, vector<16xi32>
      %scan3A_39 = arith.constant 58 : i32
      %scan3A_40 = arith.addi %scan3A_16, %scan3A_39 : i32
      %get3A_41 = arith.index_cast %scan3A_40 : i32 to index
      %get3A_42 = arith.index_cast %mul3A_10 : i32 to index
      %get3A_43 = tpu.vector_load %arg5[%get3A_41, %get3A_42] {strides = array<i32>} : memref<64x256xf32, #tpu.memory_space<vmem>>, vector<1x16xf32>,
      %get3A_44 = vector.shape_cast %get3A_43 : vector<1x16xf32> to vector<16xf32>
      %gt3A_45 = arith.cmpf ogt, %get3A_44, %select_n3A_36 : vector<16xf32>
      %select_n3A_46 = arith.select %gt3A_45, %get3A_44, %select_n3A_36 : vector<16xi1>, vector<16xf32>
      %broadcast_in_dim3A_47 = vector.broadcast %scan3A_40 : i32 to vector<16xi32>
      %select_n3A_48 = arith.select %gt3A_45, %broadcast_in_dim3A_47, %select_n3A_38 : vector<16xi1>, vector<16xi32>
      %scan3A_49 = arith.constant 59 : i32
      %scan3A_50 = arith.addi %scan3A_16, %scan3A_49 : i32
      %get3A_51 = arith.index_cast %scan3A_50 : i32 to index
      %get3A_52 = arith.index_cast %mul3A_10 : i32 to index
      %get3A_53 = tpu.vector_load %arg5[%get3A_51, %get3A_52] {strides = array<i32>} : memref<64x256xf32, #tpu.memory_space<vmem>>, vector<1x16xf32>,
      %get3A_54 = vector.shape_cast %get3A_53 : vector<1x16xf32> to vector<16xf32>
      %gt3A_55 = arith.cmpf ogt, %get3A_54, %select_n3A_46 : vector<16xf32>
      %select_n3A_56 = arith.select %gt3A_55, %get3A_54, %select_n3A_46 : vector<16xi1>, vector<16xf32>
      %broadcast_in_dim3A_57 = vector.broadcast %scan3A_50 : i32 to vector<16xi32>
      %select_n3A_58 = arith.select %gt3A_55, %broadcast_in_dim3A_57, %select_n3A_48 : vector<16xi1>, vector<16xi32>
      %scan3A_59 = arith.constant 60 : i32
      %scan3A_60 = arith.addi %scan3A_16, %scan3A_59 : i32
      %get3A_61 = arith.index_cast %scan3A_60 : i32 to index
      %get3A_62 = arith.index_cast %mul3A_10 : i32 to index
      %get3A_63 = tpu.vector_load %arg5[%get3A_61, %get3A_62] {strides = array<i32>} : memref<64x256xf32, #tpu.memory_space<vmem>>, vector<1x16xf32>,
      %get3A_64 = vector.shape_cast %get3A_63 : vector<1x16xf32> to vector<16xf32>
      %gt3A_65 = arith.cmpf ogt, %get3A_64, %select_n3A_56 : vector<16xf32>
      %select_n3A_66 = arith.select %gt3A_65, %get3A_64, %select_n3A_56 : vector<16xi1>, vector<16xf32>
      %broadcast_in_dim3A_67 = vector.broadcast %scan3A_60 : i32 to vector<16xi32>
      %select_n3A_68 = arith.select %gt3A_65, %broadcast_in_dim3A_67, %select_n3A_58 : vector<16xi1>, vector<16xi32>
      %scan3A_69 = arith.constant 61 : i32
      %scan3A_70 = arith.addi %scan3A_16, %scan3A_69 : i32
      %get3A_71 = arith.index_cast %scan3A_70 : i32 to index
      %get3A_72 = arith.index_cast %mul3A_10 : i32 to index
      %get3A_73 = tpu.vector_load %arg5[%get3A_71, %get3A_72] {strides = array<i32>} : memref<64x256xf32, #tpu.memory_space<vmem>>, vector<1x16xf32>,
      %get3A_74 = vector.shape_cast %get3A_73 : vector<1x16xf32> to vector<16xf32>
      %gt3A_75 = arith.cmpf ogt, %get3A_74, %select_n3A_66 : vector<16xf32>
      %select_n3A_76 = arith.select %gt3A_75, %get3A_74, %select_n3A_66 : vector<16xi1>, vector<16xf32>
      %broadcast_in_dim3A_77 = vector.broadcast %scan3A_70 : i32 to vector<16xi32>
      %select_n3A_78 = arith.select %gt3A_75, %broadcast_in_dim3A_77, %select_n3A_68 : vector<16xi1>, vector<16xi32>
      %scan3A_79 = arith.constant 62 : i32
      %scan3A_80 = arith.addi %scan3A_16, %scan3A_79 : i32
      %get3A_81 = arith.index_cast %scan3A_80 : i32 to index
      %get3A_82 = arith.index_cast %mul3A_10 : i32 to index
      %get3A_83 = tpu.vector_load %arg5[%get3A_81, %get3A_82] {strides = array<i32>} : memref<64x256xf32, #tpu.memory_space<vmem>>, vector<1x16xf32>,
      %get3A_84 = vector.shape_cast %get3A_83 : vector<1x16xf32> to vector<16xf32>
      %gt3A_85 = arith.cmpf ogt, %get3A_84, %select_n3A_76 : vector<16xf32>
      %select_n3A_86 = arith.select %gt3A_85, %get3A_84, %select_n3A_76 : vector<16xi1>, vector<16xf32>
      %broadcast_in_dim3A_87 = vector.broadcast %scan3A_80 : i32 to vector<16xi32>
      %select_n3A_88 = arith.select %gt3A_85, %broadcast_in_dim3A_87, %select_n3A_78 : vector<16xi1>, vector<16xi32>
      %scan3A_89 = arith.constant 63 : i32
      %broadcast_in_dim3A_90 = arith.constant 0.000000e+00 : f32
      %broadcast_in_dim3A_91 = vector.broadcast %broadcast_in_dim3A_90 : f32 to vector<16xf32>
      %scan3A_92 = arith.constant 0 : i32
      %scan3A_93 = arith.constant 64 : i32
      %scan3A_94 = arith.addi %scan3A_92, %scan3A_93 : i32
      %scan3A_95 = arith.constant 8 : i32
      %scan3A_96 = scf.for %scan3A_107 = %scan3A_92 to %scan3A_94 step %scan3A_95 iter_args(%scan3A_108 = %broadcast_in_dim3A_91) -> (vector<16xf32>)  : i32 {
        %get3A_109 = arith.index_cast %scan3A_107 : i32 to index
        %get3A_110 = arith.index_cast %mul3A_10 : i32 to index
        %get3A_111 = tpu.vector_load %arg5[%get3A_109, %get3A_110] {strides = array<i32>} : memref<64x256xf32, #tpu.memory_space<vmem>>, vector<1x16xf32>,
        %get3A_112 = vector.shape_cast %get3A_111 : vector<1x16xf32> to vector<16xf32>
        %sub3A = arith.subf %get3A_112, %select_n3A_86 : vector<16xf32>
        %exp3A = math.exp %sub3A : vector<16xf32>
        %add3A_113 = arith.addf %scan3A_108, %exp3A : vector<16xf32>
        %scan3A_114 = arith.constant 1 : i32
        %scan3A_115 = arith.addi %scan3A_107, %scan3A_114 : i32
        %get3A_116 = arith.index_cast %scan3A_115 : i32 to index
        %get3A_117 = arith.index_cast %mul3A_10 : i32 to index
        %get3A_118 = tpu.vector_load %arg5[%get3A_116, %get3A_117] {strides = array<i32>} : memref<64x256xf32, #tpu.memory_space<vmem>>, vector<1x16xf32>,
        %get3A_119 = vector.shape_cast %get3A_118 : vector<1x16xf32> to vector<16xf32>
        %sub3A_120 = arith.subf %get3A_119, %select_n3A_86 : vector<16xf32>
        %exp3A_121 = math.exp %sub3A_120 : vector<16xf32>
        %add3A_122 = arith.addf %add3A_113, %exp3A_121 : vector<16xf32>
        %scan3A_123 = arith.constant 2 : i32
        %scan3A_124 = arith.addi %scan3A_107, %scan3A_123 : i32
        %get3A_125 = arith.index_cast %scan3A_124 : i32 to index
        %get3A_126 = arith.index_cast %mul3A_10 : i32 to index
        %get3A_127 = tpu.vector_load %arg5[%get3A_125, %get3A_126] {strides = array<i32>} : memref<64x256xf32, #tpu.memory_space<vmem>>, vector<1x16xf32>,
        %get3A_128 = vector.shape_cast %get3A_127 : vector<1x16xf32> to vector<16xf32>
        %sub3A_129 = arith.subf %get3A_128, %select_n3A_86 : vector<16xf32>
        %exp3A_130 = math.exp %sub3A_129 : vector<16xf32>
        %add3A_131 = arith.addf %add3A_122, %exp3A_130 : vector<16xf32>
        %scan3A_132 = arith.constant 3 : i32
        %scan3A_133 = arith.addi %scan3A_107, %scan3A_132 : i32
        %get3A_134 = arith.index_cast %scan3A_133 : i32 to index
        %get3A_135 = arith.index_cast %mul3A_10 : i32 to index
        %get3A_136 = tpu.vector_load %arg5[%get3A_134, %get3A_135] {strides = array<i32>} : memref<64x256xf32, #tpu.memory_space<vmem>>, vector<1x16xf32>,
        %get3A_137 = vector.shape_cast %get3A_136 : vector<1x16xf32> to vector<16xf32>
        %sub3A_138 = arith.subf %get3A_137, %select_n3A_86 : vector<16xf32>
        %exp3A_139 = math.exp %sub3A_138 : vector<16xf32>
        %add3A_140 = arith.addf %add3A_131, %exp3A_139 : vector<16xf32>
        %scan3A_141 = arith.constant 4 : i32
        %scan3A_142 = arith.addi %scan3A_107, %scan3A_141 : i32
        %get3A_143 = arith.index_cast %scan3A_142 : i32 to index
        %get3A_144 = arith.index_cast %mul3A_10 : i32 to index
        %get3A_145 = tpu.vector_load %arg5[%get3A_143, %get3A_144] {strides = array<i32>} : memref<64x256xf32, #tpu.memory_space<vmem>>, vector<1x16xf32>,
        %get3A_146 = vector.shape_cast %get3A_145 : vector<1x16xf32> to vector<16xf32>
        %sub3A_147 = arith.subf %get3A_146, %select_n3A_86 : vector<16xf32>
        %exp3A_148 = math.exp %sub3A_147 : vector<16xf32>
        %add3A_149 = arith.addf %add3A_140, %exp3A_148 : vector<16xf32>
        %scan3A_150 = arith.constant 5 : i32
        %scan3A_151 = arith.addi %scan3A_107, %scan3A_150 : i32
        %get3A_152 = arith.index_cast %scan3A_151 : i32 to index
        %get3A_153 = arith.index_cast %mul3A_10 : i32 to index
        %get3A_154 = tpu.vector_load %arg5[%get3A_152, %get3A_153] {strides = array<i32>} : memref<64x256xf32, #tpu.memory_space<vmem>>, vector<1x16xf32>,
        %get3A_155 = vector.shape_cast %get3A_154 : vector<1x16xf32> to vector<16xf32>
        %sub3A_156 = arith.subf %get3A_155, %select_n3A_86 : vector<16xf32>
        %exp3A_157 = math.exp %sub3A_156 : vector<16xf32>
        %add3A_158 = arith.addf %add3A_149, %exp3A_157 : vector<16xf32>
        %scan3A_159 = arith.constant 6 : i32
        %scan3A_160 = arith.addi %scan3A_107, %scan3A_159 : i32
        %get3A_161 = arith.index_cast %scan3A_160 : i32 to index
        %get3A_162 = arith.index_cast %mul3A_10 : i32 to index
        %get3A_163 = tpu.vector_load %arg5[%get3A_161, %get3A_162] {strides = array<i32>} : memref<64x256xf32, #tpu.memory_space<vmem>>, vector<1x16xf32>,
        %get3A_164 = vector.shape_cast %get3A_163 : vector<1x16xf32> to vector<16xf32>
        %sub3A_165 = arith.subf %get3A_164, %select_n3A_86 : vector<16xf32>
        %exp3A_166 = math.exp %sub3A_165 : vector<16xf32>
        %add3A_167 = arith.addf %add3A_158, %exp3A_166 : vector<16xf32>
        %scan3A_168 = arith.constant 7 : i32
        %scan3A_169 = arith.addi %scan3A_107, %scan3A_168 : i32
        %get3A_170 = arith.index_cast %scan3A_169 : i32 to index
        %get3A_171 = arith.index_cast %mul3A_10 : i32 to index
        %get3A_172 = tpu.vector_load %arg5[%get3A_170, %get3A_171] {strides = array<i32>} : memref<64x256xf32, #tpu.memory_space<vmem>>, vector<1x16xf32>,
        %get3A_173 = vector.shape_cast %get3A_172 : vector<1x16xf32> to vector<16xf32>
        %sub3A_174 = arith.subf %get3A_173, %select_n3A_86 : vector<16xf32>
        %exp3A_175 = math.exp %sub3A_174 : vector<16xf32>
        %add3A_176 = arith.addf %add3A_167, %exp3A_175 : vector<16xf32>
        scf.yield %add3A_176 : vector<16xf32>
      }
      %scan3A_97 = arith.constant 64 : i32
      %swap3A = arith.index_cast %mul3A_10 : i32 to index
      %swap3A_98 = tpu.vector_load %arg6[%swap3A] {strides = array<i32>} : memref<256xi32, #tpu.memory_space<vmem>>, vector<16xi32>,
      %swap3A_99 = vector.shape_cast %swap3A_98 : vector<16xi32> to vector<16xi32>
      %swap3A_100 = vector.shape_cast %select_n3A_88 : vector<16xi32> to vector<16xi32>
      tpu.vector_store %arg6[%swap3A], %swap3A_100 {strides = array<i32>} : memref<256xi32, #tpu.memory_space<vmem>>, vector<16xi32>,
      %div3A = arith.constant 1.000000e+00 : f32
      %div3A_101 = vector.broadcast %div3A : f32 to vector<16xf32>
      %div3A_102 = arith.divf %div3A_101, %scan3A_96 : vector<16xf32>
      %swap3A_103 = arith.index_cast %mul3A_10 : i32 to index
      %swap3A_104 = tpu.vector_load %arg7[%swap3A_103] {strides = array<i32>} : memref<256xf32, #tpu.memory_space<vmem>>, vector<16xf32>,
      %swap3A_105 = vector.shape_cast %swap3A_104 : vector<16xf32> to vector<16xf32>
      %swap3A_106 = vector.shape_cast %div3A_102 : vector<16xf32> to vector<16xf32>
      tpu.vector_store %arg7[%swap3A_103], %swap3A_106 {strides = array<i32>} : memref<256xf32, #tpu.memory_space<vmem>>, vector<16xf32>,
    }
    %scan3A_7 = arith.constant 16 : i32
    "tpu.region"() ({
      %run_scoped3A = tpu.sem_alloc : memref<!tpu.dma_semaphore, #tpu.memory_space<semaphore_mem>>
      %dma_start3A = tpu.memref_slice %arg3[%mul3A_2] : memref<8192xi32, #tpu.memory_space<hbm>> -> memref<256xi32, #tpu.memory_space<hbm>>
      %dma_start3A_8 = tpu.memref_slice %arg3[%mul3A_2] : memref<8192xi32, #tpu.memory_space<hbm>> -> memref<256xi32, #tpu.memory_space<hbm>>
      tpu.enqueue_dma source(%arg6 : memref<256xi32, #tpu.memory_space<vmem>>) target(%dma_start3A_8 : memref<256xi32, #tpu.memory_space<hbm>>) target_semaphore(%run_scoped3A : memref<!tpu.dma_semaphore, #tpu.memory_space<semaphore_mem>>)
      %dma_wait3A = tpu.memref_slice %arg3[%mul3A_2] : memref<8192xi32, #tpu.memory_space<hbm>> -> memref<256xi32, #tpu.memory_space<hbm>>
      %dma_wait3A_9 = tpu.memref_slice %arg3[%mul3A_2] : memref<8192xi32, #tpu.memory_space<hbm>> -> memref<256xi32, #tpu.memory_space<hbm>>
      tpu.wait_dma2 semaphore(%run_scoped3A : memref<!tpu.dma_semaphore, #tpu.memory_space<semaphore_mem>>) src(%arg6 : memref<256xi32, #tpu.memory_space<vmem>>) dst(%dma_wait3A_9 : memref<256xi32, #tpu.memory_space<hbm>>)
      tpu.yield
    }) : () -> ()
    "tpu.region"() ({
      %run_scoped3A = tpu.sem_alloc : memref<!tpu.dma_semaphore, #tpu.memory_space<semaphore_mem>>
      %dma_start3A = tpu.memref_slice %arg4[%mul3A_2] : memref<8192xf32, #tpu.memory_space<hbm>> -> memref<256xf32, #tpu.memory_space<hbm>>
      %dma_start3A_8 = tpu.memref_slice %arg4[%mul3A_2] : memref<8192xf32, #tpu.memory_space<hbm>> -> memref<256xf32, #tpu.memory_space<hbm>>
      tpu.enqueue_dma source(%arg7 : memref<256xf32, #tpu.memory_space<vmem>>) target(%dma_start3A_8 : memref<256xf32, #tpu.memory_space<hbm>>) target_semaphore(%run_scoped3A : memref<!tpu.dma_semaphore, #tpu.memory_space<semaphore_mem>>)
      %dma_wait3A = tpu.memref_slice %arg4[%mul3A_2] : memref<8192xf32, #tpu.memory_space<hbm>> -> memref<256xf32, #tpu.memory_space<hbm>>
      %dma_wait3A_9 = tpu.memref_slice %arg4[%mul3A_2] : memref<8192xf32, #tpu.memory_space<hbm>> -> memref<256xf32, #tpu.memory_space<hbm>>
      tpu.wait_dma2 semaphore(%run_scoped3A : memref<!tpu.dma_semaphore, #tpu.memory_space<semaphore_mem>>) src(%arg7 : memref<256xf32, #tpu.memory_space<vmem>>) dst(%dma_wait3A_9 : memref<256xf32, #tpu.memory_space<hbm>>)
      tpu.yield
    }) : () -> ()
    return
  }
}

#map = affine_map<(d0, d1) -> (0, 0)>
#map1 = affine_map<(d0, d1) -> (0)>
module attributes {stable_mosaic.version = 14 : i64} {
  func.func @_route_body(%arg0: i32, %arg1: i32, %arg2: memref<64x8192xf32, #tpu.memory_space<hbm>>, %arg3: memref<8192xi32, #tpu.memory_space<hbm>>, %arg4: memref<8192xf32, #tpu.memory_space<hbm>>, %arg5: memref<64x256xf32, #tpu.memory_space<vmem>>, %arg6: memref<256xi32, #tpu.memory_space<vmem>>, %arg7: memref<256xf32, #tpu.memory_space<vmem>>) attributes {dimension_semantics = [#tpu.dimension_semantics<core_parallel>, #tpu.dimension_semantics<subcore_parallel>], iteration_bounds = array<i64: 2, 16>, scalar_prefetch = 0 : i64, scratch_operands = 3 : i64, tpu.core_type = #tpu.core_type<sc_vector_subcore>, window_params = [{transform_indices = #map}, {transform_indices = #map1}, {transform_indices = #map1}]} {
    %mul3A = arith.constant 2 : i32
    %mul3A_0 = arith.muli %arg1, %mul3A : i32
    %add3A = arith.addi %mul3A_0, %arg0 : i32
    %mul3A_1 = arith.constant 256 : i32
    %mul3A_2 = arith.muli %add3A, %mul3A_1 : i32
    "tpu.region"() ({
      %run_scoped3A = tpu.sem_alloc : memref<!tpu.dma_semaphore, #tpu.memory_space<semaphore_mem>>
      %dma_start3A = arith.constant 0 : i32
      %dma_start3A_8 = tpu.memref_slice %arg2[%dma_start3A, %mul3A_2] : memref<64x8192xf32, #tpu.memory_space<hbm>> -> memref<64x256xf32, #tpu.memory_space<hbm>>
      %dma_start3A_9 = arith.constant 0 : i32
      %dma_start3A_10 = tpu.memref_slice %arg2[%dma_start3A_9, %mul3A_2] : memref<64x8192xf32, #tpu.memory_space<hbm>> -> memref<64x256xf32, #tpu.memory_space<hbm>>
      tpu.enqueue_dma source(%dma_start3A_10 : memref<64x256xf32, #tpu.memory_space<hbm>>) target(%arg5 : memref<64x256xf32, #tpu.memory_space<vmem>>) target_semaphore(%run_scoped3A : memref<!tpu.dma_semaphore, #tpu.memory_space<semaphore_mem>>)
      %dma_wait3A = arith.constant 0 : i32
      %dma_wait3A_11 = tpu.memref_slice %arg2[%dma_wait3A, %mul3A_2] : memref<64x8192xf32, #tpu.memory_space<hbm>> -> memref<64x256xf32, #tpu.memory_space<hbm>>
      %dma_wait3A_12 = arith.constant 0 : i32
      %dma_wait3A_13 = tpu.memref_slice %arg2[%dma_wait3A_12, %mul3A_2] : memref<64x8192xf32, #tpu.memory_space<hbm>> -> memref<64x256xf32, #tpu.memory_space<hbm>>
      tpu.wait_dma2 semaphore(%run_scoped3A : memref<!tpu.dma_semaphore, #tpu.memory_space<semaphore_mem>>) src(%dma_wait3A_13 : memref<64x256xf32, #tpu.memory_space<hbm>>) dst(%arg5 : memref<64x256xf32, #tpu.memory_space<vmem>>)
      tpu.yield
    }) : () -> ()
    %scan3A = arith.constant 0 : i32
    %scan3A_3 = arith.constant 0 : i32
    %scan3A_4 = arith.constant 16 : i32
    %scan3A_5 = arith.addi %scan3A_3, %scan3A_4 : i32
    %scan3A_6 = arith.constant 1 : i32
    scf.for %scan3A_8 = %scan3A_3 to %scan3A_5 step %scan3A_6  : i32 {
      %mul3A_9 = arith.constant 16 : i32
      %mul3A_10 = arith.muli %scan3A_8, %mul3A_9 : i32
      %get3A = arith.constant 0 : i32
      %get3A_11 = arith.index_cast %get3A : i32 to index
      %get3A_12 = arith.index_cast %mul3A_10 : i32 to index
      %get3A_13 = tpu.vector_load %arg5[%get3A_11, %get3A_12] {strides = array<i32>} : memref<64x256xf32, #tpu.memory_space<vmem>>, vector<1x16xf32>,
      %get3A_14 = vector.shape_cast %get3A_13 : vector<1x16xf32> to vector<16xf32>
      %broadcast_in_dim3A = arith.constant 0 : i32
      %broadcast_in_dim3A_15 = vector.broadcast %broadcast_in_dim3A : i32 to vector<16xi32>
      %scan3A_16 = arith.constant 1 : i32
      %scan3A_17 = arith.constant 56 : i32
      %scan3A_18 = arith.addi %scan3A_16, %scan3A_17 : i32
      %scan3A_19 = arith.constant 8 : i32
      %scan3A_20:2 = scf.for %scan3A_107 = %scan3A_16 to %scan3A_18 step %scan3A_19 iter_args(%scan3A_108 = %get3A_14, %scan3A_109 = %broadcast_in_dim3A_15) -> (vector<16xf32>, vector<16xi32>)  : i32 {
        %get3A_110 = arith.index_cast %scan3A_107 : i32 to index
        %get3A_111 = arith.index_cast %mul3A_10 : i32 to index
        %get3A_112 = tpu.vector_load %arg5[%get3A_110, %get3A_111] {strides = array<i32>} : memref<64x256xf32, #tpu.memory_space<vmem>>, vector<1x16xf32>,
        %get3A_113 = vector.shape_cast %get3A_112 : vector<1x16xf32> to vector<16xf32>
        %gt3A_114 = arith.cmpf ogt, %get3A_113, %scan3A_108 : vector<16xf32>
        %select_n3A_115 = arith.select %gt3A_114, %get3A_113, %scan3A_108 : vector<16xi1>, vector<16xf32>
        %broadcast_in_dim3A_116 = vector.broadcast %scan3A_107 : i32 to vector<16xi32>
        %select_n3A_117 = arith.select %gt3A_114, %broadcast_in_dim3A_116, %scan3A_109 : vector<16xi1>, vector<16xi32>
        %scan3A_118 = arith.constant 1 : i32
        %scan3A_119 = arith.addi %scan3A_107, %scan3A_118 : i32
        %get3A_120 = arith.index_cast %scan3A_119 : i32 to index
        %get3A_121 = arith.index_cast %mul3A_10 : i32 to index
        %get3A_122 = tpu.vector_load %arg5[%get3A_120, %get3A_121] {strides = array<i32>} : memref<64x256xf32, #tpu.memory_space<vmem>>, vector<1x16xf32>,
        %get3A_123 = vector.shape_cast %get3A_122 : vector<1x16xf32> to vector<16xf32>
        %gt3A_124 = arith.cmpf ogt, %get3A_123, %select_n3A_115 : vector<16xf32>
        %select_n3A_125 = arith.select %gt3A_124, %get3A_123, %select_n3A_115 : vector<16xi1>, vector<16xf32>
        %broadcast_in_dim3A_126 = vector.broadcast %scan3A_119 : i32 to vector<16xi32>
        %select_n3A_127 = arith.select %gt3A_124, %broadcast_in_dim3A_126, %select_n3A_117 : vector<16xi1>, vector<16xi32>
        %scan3A_128 = arith.constant 2 : i32
        %scan3A_129 = arith.addi %scan3A_107, %scan3A_128 : i32
        %get3A_130 = arith.index_cast %scan3A_129 : i32 to index
        %get3A_131 = arith.index_cast %mul3A_10 : i32 to index
        %get3A_132 = tpu.vector_load %arg5[%get3A_130, %get3A_131] {strides = array<i32>} : memref<64x256xf32, #tpu.memory_space<vmem>>, vector<1x16xf32>,
        %get3A_133 = vector.shape_cast %get3A_132 : vector<1x16xf32> to vector<16xf32>
        %gt3A_134 = arith.cmpf ogt, %get3A_133, %select_n3A_125 : vector<16xf32>
        %select_n3A_135 = arith.select %gt3A_134, %get3A_133, %select_n3A_125 : vector<16xi1>, vector<16xf32>
        %broadcast_in_dim3A_136 = vector.broadcast %scan3A_129 : i32 to vector<16xi32>
        %select_n3A_137 = arith.select %gt3A_134, %broadcast_in_dim3A_136, %select_n3A_127 : vector<16xi1>, vector<16xi32>
        %scan3A_138 = arith.constant 3 : i32
        %scan3A_139 = arith.addi %scan3A_107, %scan3A_138 : i32
        %get3A_140 = arith.index_cast %scan3A_139 : i32 to index
        %get3A_141 = arith.index_cast %mul3A_10 : i32 to index
        %get3A_142 = tpu.vector_load %arg5[%get3A_140, %get3A_141] {strides = array<i32>} : memref<64x256xf32, #tpu.memory_space<vmem>>, vector<1x16xf32>,
        %get3A_143 = vector.shape_cast %get3A_142 : vector<1x16xf32> to vector<16xf32>
        %gt3A_144 = arith.cmpf ogt, %get3A_143, %select_n3A_135 : vector<16xf32>
        %select_n3A_145 = arith.select %gt3A_144, %get3A_143, %select_n3A_135 : vector<16xi1>, vector<16xf32>
        %broadcast_in_dim3A_146 = vector.broadcast %scan3A_139 : i32 to vector<16xi32>
        %select_n3A_147 = arith.select %gt3A_144, %broadcast_in_dim3A_146, %select_n3A_137 : vector<16xi1>, vector<16xi32>
        %scan3A_148 = arith.constant 4 : i32
        %scan3A_149 = arith.addi %scan3A_107, %scan3A_148 : i32
        %get3A_150 = arith.index_cast %scan3A_149 : i32 to index
        %get3A_151 = arith.index_cast %mul3A_10 : i32 to index
        %get3A_152 = tpu.vector_load %arg5[%get3A_150, %get3A_151] {strides = array<i32>} : memref<64x256xf32, #tpu.memory_space<vmem>>, vector<1x16xf32>,
        %get3A_153 = vector.shape_cast %get3A_152 : vector<1x16xf32> to vector<16xf32>
        %gt3A_154 = arith.cmpf ogt, %get3A_153, %select_n3A_145 : vector<16xf32>
        %select_n3A_155 = arith.select %gt3A_154, %get3A_153, %select_n3A_145 : vector<16xi1>, vector<16xf32>
        %broadcast_in_dim3A_156 = vector.broadcast %scan3A_149 : i32 to vector<16xi32>
        %select_n3A_157 = arith.select %gt3A_154, %broadcast_in_dim3A_156, %select_n3A_147 : vector<16xi1>, vector<16xi32>
        %scan3A_158 = arith.constant 5 : i32
        %scan3A_159 = arith.addi %scan3A_107, %scan3A_158 : i32
        %get3A_160 = arith.index_cast %scan3A_159 : i32 to index
        %get3A_161 = arith.index_cast %mul3A_10 : i32 to index
        %get3A_162 = tpu.vector_load %arg5[%get3A_160, %get3A_161] {strides = array<i32>} : memref<64x256xf32, #tpu.memory_space<vmem>>, vector<1x16xf32>,
        %get3A_163 = vector.shape_cast %get3A_162 : vector<1x16xf32> to vector<16xf32>
        %gt3A_164 = arith.cmpf ogt, %get3A_163, %select_n3A_155 : vector<16xf32>
        %select_n3A_165 = arith.select %gt3A_164, %get3A_163, %select_n3A_155 : vector<16xi1>, vector<16xf32>
        %broadcast_in_dim3A_166 = vector.broadcast %scan3A_159 : i32 to vector<16xi32>
        %select_n3A_167 = arith.select %gt3A_164, %broadcast_in_dim3A_166, %select_n3A_157 : vector<16xi1>, vector<16xi32>
        %scan3A_168 = arith.constant 6 : i32
        %scan3A_169 = arith.addi %scan3A_107, %scan3A_168 : i32
        %get3A_170 = arith.index_cast %scan3A_169 : i32 to index
        %get3A_171 = arith.index_cast %mul3A_10 : i32 to index
        %get3A_172 = tpu.vector_load %arg5[%get3A_170, %get3A_171] {strides = array<i32>} : memref<64x256xf32, #tpu.memory_space<vmem>>, vector<1x16xf32>,
        %get3A_173 = vector.shape_cast %get3A_172 : vector<1x16xf32> to vector<16xf32>
        %gt3A_174 = arith.cmpf ogt, %get3A_173, %select_n3A_165 : vector<16xf32>
        %select_n3A_175 = arith.select %gt3A_174, %get3A_173, %select_n3A_165 : vector<16xi1>, vector<16xf32>
        %broadcast_in_dim3A_176 = vector.broadcast %scan3A_169 : i32 to vector<16xi32>
        %select_n3A_177 = arith.select %gt3A_174, %broadcast_in_dim3A_176, %select_n3A_167 : vector<16xi1>, vector<16xi32>
        %scan3A_178 = arith.constant 7 : i32
        %scan3A_179 = arith.addi %scan3A_107, %scan3A_178 : i32
        %get3A_180 = arith.index_cast %scan3A_179 : i32 to index
        %get3A_181 = arith.index_cast %mul3A_10 : i32 to index
        %get3A_182 = tpu.vector_load %arg5[%get3A_180, %get3A_181] {strides = array<i32>} : memref<64x256xf32, #tpu.memory_space<vmem>>, vector<1x16xf32>,
        %get3A_183 = vector.shape_cast %get3A_182 : vector<1x16xf32> to vector<16xf32>
        %gt3A_184 = arith.cmpf ogt, %get3A_183, %select_n3A_175 : vector<16xf32>
        %select_n3A_185 = arith.select %gt3A_184, %get3A_183, %select_n3A_175 : vector<16xi1>, vector<16xf32>
        %broadcast_in_dim3A_186 = vector.broadcast %scan3A_179 : i32 to vector<16xi32>
        %select_n3A_187 = arith.select %gt3A_184, %broadcast_in_dim3A_186, %select_n3A_177 : vector<16xi1>, vector<16xi32>
        scf.yield %select_n3A_185, %select_n3A_187 : vector<16xf32>, vector<16xi32>
      }
      %scan3A_21 = arith.constant 56 : i32
      %scan3A_22 = arith.addi %scan3A_16, %scan3A_21 : i32
      %get3A_23 = arith.index_cast %scan3A_22 : i32 to index
      %get3A_24 = arith.index_cast %mul3A_10 : i32 to index
      %get3A_25 = tpu.vector_load %arg5[%get3A_23, %get3A_24] {strides = array<i32>} : memref<64x256xf32, #tpu.memory_space<vmem>>, vector<1x16xf32>,
      %get3A_26 = vector.shape_cast %get3A_25 : vector<1x16xf32> to vector<16xf32>
      %gt3A = arith.cmpf ogt, %get3A_26, %scan3A_20#0 : vector<16xf32>
      %select_n3A = arith.select %gt3A, %get3A_26, %scan3A_20#0 : vector<16xi1>, vector<16xf32>
      %broadcast_in_dim3A_27 = vector.broadcast %scan3A_22 : i32 to vector<16xi32>
      %select_n3A_28 = arith.select %gt3A, %broadcast_in_dim3A_27, %scan3A_20#1 : vector<16xi1>, vector<16xi32>
      %scan3A_29 = arith.constant 57 : i32
      %scan3A_30 = arith.addi %scan3A_16, %scan3A_29 : i32
      %get3A_31 = arith.index_cast %scan3A_30 : i32 to index
      %get3A_32 = arith.index_cast %mul3A_10 : i32 to index
      %get3A_33 = tpu.vector_load %arg5[%get3A_31, %get3A_32] {strides = array<i32>} : memref<64x256xf32, #tpu.memory_space<vmem>>, vector<1x16xf32>,
      %get3A_34 = vector.shape_cast %get3A_33 : vector<1x16xf32> to vector<16xf32>
      %gt3A_35 = arith.cmpf ogt, %get3A_34, %select_n3A : vector<16xf32>
      %select_n3A_36 = arith.select %gt3A_35, %get3A_34, %select_n3A : vector<16xi1>, vector<16xf32>
      %broadcast_in_dim3A_37 = vector.broadcast %scan3A_30 : i32 to vector<16xi32>
      %select_n3A_38 = arith.select %gt3A_35, %broadcast_in_dim3A_37, %select_n3A_28 : vector<16xi1>, vector<16xi32>
      %scan3A_39 = arith.constant 58 : i32
      %scan3A_40 = arith.addi %scan3A_16, %scan3A_39 : i32
      %get3A_41 = arith.index_cast %scan3A_40 : i32 to index
      %get3A_42 = arith.index_cast %mul3A_10 : i32 to index
      %get3A_43 = tpu.vector_load %arg5[%get3A_41, %get3A_42] {strides = array<i32>} : memref<64x256xf32, #tpu.memory_space<vmem>>, vector<1x16xf32>,
      %get3A_44 = vector.shape_cast %get3A_43 : vector<1x16xf32> to vector<16xf32>
      %gt3A_45 = arith.cmpf ogt, %get3A_44, %select_n3A_36 : vector<16xf32>
      %select_n3A_46 = arith.select %gt3A_45, %get3A_44, %select_n3A_36 : vector<16xi1>, vector<16xf32>
      %broadcast_in_dim3A_47 = vector.broadcast %scan3A_40 : i32 to vector<16xi32>
      %select_n3A_48 = arith.select %gt3A_45, %broadcast_in_dim3A_47, %select_n3A_38 : vector<16xi1>, vector<16xi32>
      %scan3A_49 = arith.constant 59 : i32
      %scan3A_50 = arith.addi %scan3A_16, %scan3A_49 : i32
      %get3A_51 = arith.index_cast %scan3A_50 : i32 to index
      %get3A_52 = arith.index_cast %mul3A_10 : i32 to index
      %get3A_53 = tpu.vector_load %arg5[%get3A_51, %get3A_52] {strides = array<i32>} : memref<64x256xf32, #tpu.memory_space<vmem>>, vector<1x16xf32>,
      %get3A_54 = vector.shape_cast %get3A_53 : vector<1x16xf32> to vector<16xf32>
      %gt3A_55 = arith.cmpf ogt, %get3A_54, %select_n3A_46 : vector<16xf32>
      %select_n3A_56 = arith.select %gt3A_55, %get3A_54, %select_n3A_46 : vector<16xi1>, vector<16xf32>
      %broadcast_in_dim3A_57 = vector.broadcast %scan3A_50 : i32 to vector<16xi32>
      %select_n3A_58 = arith.select %gt3A_55, %broadcast_in_dim3A_57, %select_n3A_48 : vector<16xi1>, vector<16xi32>
      %scan3A_59 = arith.constant 60 : i32
      %scan3A_60 = arith.addi %scan3A_16, %scan3A_59 : i32
      %get3A_61 = arith.index_cast %scan3A_60 : i32 to index
      %get3A_62 = arith.index_cast %mul3A_10 : i32 to index
      %get3A_63 = tpu.vector_load %arg5[%get3A_61, %get3A_62] {strides = array<i32>} : memref<64x256xf32, #tpu.memory_space<vmem>>, vector<1x16xf32>,
      %get3A_64 = vector.shape_cast %get3A_63 : vector<1x16xf32> to vector<16xf32>
      %gt3A_65 = arith.cmpf ogt, %get3A_64, %select_n3A_56 : vector<16xf32>
      %select_n3A_66 = arith.select %gt3A_65, %get3A_64, %select_n3A_56 : vector<16xi1>, vector<16xf32>
      %broadcast_in_dim3A_67 = vector.broadcast %scan3A_60 : i32 to vector<16xi32>
      %select_n3A_68 = arith.select %gt3A_65, %broadcast_in_dim3A_67, %select_n3A_58 : vector<16xi1>, vector<16xi32>
      %scan3A_69 = arith.constant 61 : i32
      %scan3A_70 = arith.addi %scan3A_16, %scan3A_69 : i32
      %get3A_71 = arith.index_cast %scan3A_70 : i32 to index
      %get3A_72 = arith.index_cast %mul3A_10 : i32 to index
      %get3A_73 = tpu.vector_load %arg5[%get3A_71, %get3A_72] {strides = array<i32>} : memref<64x256xf32, #tpu.memory_space<vmem>>, vector<1x16xf32>,
      %get3A_74 = vector.shape_cast %get3A_73 : vector<1x16xf32> to vector<16xf32>
      %gt3A_75 = arith.cmpf ogt, %get3A_74, %select_n3A_66 : vector<16xf32>
      %select_n3A_76 = arith.select %gt3A_75, %get3A_74, %select_n3A_66 : vector<16xi1>, vector<16xf32>
      %broadcast_in_dim3A_77 = vector.broadcast %scan3A_70 : i32 to vector<16xi32>
      %select_n3A_78 = arith.select %gt3A_75, %broadcast_in_dim3A_77, %select_n3A_68 : vector<16xi1>, vector<16xi32>
      %scan3A_79 = arith.constant 62 : i32
      %scan3A_80 = arith.addi %scan3A_16, %scan3A_79 : i32
      %get3A_81 = arith.index_cast %scan3A_80 : i32 to index
      %get3A_82 = arith.index_cast %mul3A_10 : i32 to index
      %get3A_83 = tpu.vector_load %arg5[%get3A_81, %get3A_82] {strides = array<i32>} : memref<64x256xf32, #tpu.memory_space<vmem>>, vector<1x16xf32>,
      %get3A_84 = vector.shape_cast %get3A_83 : vector<1x16xf32> to vector<16xf32>
      %gt3A_85 = arith.cmpf ogt, %get3A_84, %select_n3A_76 : vector<16xf32>
      %select_n3A_86 = arith.select %gt3A_85, %get3A_84, %select_n3A_76 : vector<16xi1>, vector<16xf32>
      %broadcast_in_dim3A_87 = vector.broadcast %scan3A_80 : i32 to vector<16xi32>
      %select_n3A_88 = arith.select %gt3A_85, %broadcast_in_dim3A_87, %select_n3A_78 : vector<16xi1>, vector<16xi32>
      %scan3A_89 = arith.constant 63 : i32
      %broadcast_in_dim3A_90 = arith.constant 0.000000e+00 : f32
      %broadcast_in_dim3A_91 = vector.broadcast %broadcast_in_dim3A_90 : f32 to vector<16xf32>
      %scan3A_92 = arith.constant 0 : i32
      %scan3A_93 = arith.constant 64 : i32
      %scan3A_94 = arith.addi %scan3A_92, %scan3A_93 : i32
      %scan3A_95 = arith.constant 8 : i32
      %scan3A_96 = scf.for %scan3A_107 = %scan3A_92 to %scan3A_94 step %scan3A_95 iter_args(%scan3A_108 = %broadcast_in_dim3A_91) -> (vector<16xf32>)  : i32 {
        %get3A_109 = arith.index_cast %scan3A_107 : i32 to index
        %get3A_110 = arith.index_cast %mul3A_10 : i32 to index
        %get3A_111 = tpu.vector_load %arg5[%get3A_109, %get3A_110] {strides = array<i32>} : memref<64x256xf32, #tpu.memory_space<vmem>>, vector<1x16xf32>,
        %get3A_112 = vector.shape_cast %get3A_111 : vector<1x16xf32> to vector<16xf32>
        %sub3A = arith.subf %get3A_112, %select_n3A_86 : vector<16xf32>
        %exp3A = math.exp %sub3A : vector<16xf32>
        %add3A_113 = arith.addf %scan3A_108, %exp3A : vector<16xf32>
        %scan3A_114 = arith.constant 1 : i32
        %scan3A_115 = arith.addi %scan3A_107, %scan3A_114 : i32
        %get3A_116 = arith.index_cast %scan3A_115 : i32 to index
        %get3A_117 = arith.index_cast %mul3A_10 : i32 to index
        %get3A_118 = tpu.vector_load %arg5[%get3A_116, %get3A_117] {strides = array<i32>} : memref<64x256xf32, #tpu.memory_space<vmem>>, vector<1x16xf32>,
        %get3A_119 = vector.shape_cast %get3A_118 : vector<1x16xf32> to vector<16xf32>
        %sub3A_120 = arith.subf %get3A_119, %select_n3A_86 : vector<16xf32>
        %exp3A_121 = math.exp %sub3A_120 : vector<16xf32>
        %add3A_122 = arith.addf %add3A_113, %exp3A_121 : vector<16xf32>
        %scan3A_123 = arith.constant 2 : i32
        %scan3A_124 = arith.addi %scan3A_107, %scan3A_123 : i32
        %get3A_125 = arith.index_cast %scan3A_124 : i32 to index
        %get3A_126 = arith.index_cast %mul3A_10 : i32 to index
        %get3A_127 = tpu.vector_load %arg5[%get3A_125, %get3A_126] {strides = array<i32>} : memref<64x256xf32, #tpu.memory_space<vmem>>, vector<1x16xf32>,
        %get3A_128 = vector.shape_cast %get3A_127 : vector<1x16xf32> to vector<16xf32>
        %sub3A_129 = arith.subf %get3A_128, %select_n3A_86 : vector<16xf32>
        %exp3A_130 = math.exp %sub3A_129 : vector<16xf32>
        %add3A_131 = arith.addf %add3A_122, %exp3A_130 : vector<16xf32>
        %scan3A_132 = arith.constant 3 : i32
        %scan3A_133 = arith.addi %scan3A_107, %scan3A_132 : i32
        %get3A_134 = arith.index_cast %scan3A_133 : i32 to index
        %get3A_135 = arith.index_cast %mul3A_10 : i32 to index
        %get3A_136 = tpu.vector_load %arg5[%get3A_134, %get3A_135] {strides = array<i32>} : memref<64x256xf32, #tpu.memory_space<vmem>>, vector<1x16xf32>,
        %get3A_137 = vector.shape_cast %get3A_136 : vector<1x16xf32> to vector<16xf32>
        %sub3A_138 = arith.subf %get3A_137, %select_n3A_86 : vector<16xf32>
        %exp3A_139 = math.exp %sub3A_138 : vector<16xf32>
        %add3A_140 = arith.addf %add3A_131, %exp3A_139 : vector<16xf32>
        %scan3A_141 = arith.constant 4 : i32
        %scan3A_142 = arith.addi %scan3A_107, %scan3A_141 : i32
        %get3A_143 = arith.index_cast %scan3A_142 : i32 to index
        %get3A_144 = arith.index_cast %mul3A_10 : i32 to index
        %get3A_145 = tpu.vector_load %arg5[%get3A_143, %get3A_144] {strides = array<i32>} : memref<64x256xf32, #tpu.memory_space<vmem>>, vector<1x16xf32>,
        %get3A_146 = vector.shape_cast %get3A_145 : vector<1x16xf32> to vector<16xf32>
        %sub3A_147 = arith.subf %get3A_146, %select_n3A_86 : vector<16xf32>
        %exp3A_148 = math.exp %sub3A_147 : vector<16xf32>
        %add3A_149 = arith.addf %add3A_140, %exp3A_148 : vector<16xf32>
        %scan3A_150 = arith.constant 5 : i32
        %scan3A_151 = arith.addi %scan3A_107, %scan3A_150 : i32
        %get3A_152 = arith.index_cast %scan3A_151 : i32 to index
        %get3A_153 = arith.index_cast %mul3A_10 : i32 to index
        %get3A_154 = tpu.vector_load %arg5[%get3A_152, %get3A_153] {strides = array<i32>} : memref<64x256xf32, #tpu.memory_space<vmem>>, vector<1x16xf32>,
        %get3A_155 = vector.shape_cast %get3A_154 : vector<1x16xf32> to vector<16xf32>
        %sub3A_156 = arith.subf %get3A_155, %select_n3A_86 : vector<16xf32>
        %exp3A_157 = math.exp %sub3A_156 : vector<16xf32>
        %add3A_158 = arith.addf %add3A_149, %exp3A_157 : vector<16xf32>
        %scan3A_159 = arith.constant 6 : i32
        %scan3A_160 = arith.addi %scan3A_107, %scan3A_159 : i32
        %get3A_161 = arith.index_cast %scan3A_160 : i32 to index
        %get3A_162 = arith.index_cast %mul3A_10 : i32 to index
        %get3A_163 = tpu.vector_load %arg5[%get3A_161, %get3A_162] {strides = array<i32>} : memref<64x256xf32, #tpu.memory_space<vmem>>, vector<1x16xf32>,
        %get3A_164 = vector.shape_cast %get3A_163 : vector<1x16xf32> to vector<16xf32>
        %sub3A_165 = arith.subf %get3A_164, %select_n3A_86 : vector<16xf32>
        %exp3A_166 = math.exp %sub3A_165 : vector<16xf32>
        %add3A_167 = arith.addf %add3A_158, %exp3A_166 : vector<16xf32>
        %scan3A_168 = arith.constant 7 : i32
        %scan3A_169 = arith.addi %scan3A_107, %scan3A_168 : i32
        %get3A_170 = arith.index_cast %scan3A_169 : i32 to index
        %get3A_171 = arith.index_cast %mul3A_10 : i32 to index
        %get3A_172 = tpu.vector_load %arg5[%get3A_170, %get3A_171] {strides = array<i32>} : memref<64x256xf32, #tpu.memory_space<vmem>>, vector<1x16xf32>,
        %get3A_173 = vector.shape_cast %get3A_172 : vector<1x16xf32> to vector<16xf32>
        %sub3A_174 = arith.subf %get3A_173, %select_n3A_86 : vector<16xf32>
        %exp3A_175 = math.exp %sub3A_174 : vector<16xf32>
        %add3A_176 = arith.addf %add3A_167, %exp3A_175 : vector<16xf32>
        scf.yield %add3A_176 : vector<16xf32>
      }
      %scan3A_97 = arith.constant 64 : i32
      %swap3A = arith.index_cast %mul3A_10 : i32 to index
      %swap3A_98 = tpu.vector_load %arg6[%swap3A] {strides = array<i32>} : memref<256xi32, #tpu.memory_space<vmem>>, vector<16xi32>,
      %swap3A_99 = vector.shape_cast %swap3A_98 : vector<16xi32> to vector<16xi32>
      %swap3A_100 = vector.shape_cast %select_n3A_88 : vector<16xi32> to vector<16xi32>
      tpu.vector_store %arg6[%swap3A], %swap3A_100 {strides = array<i32>} : memref<256xi32, #tpu.memory_space<vmem>>, vector<16xi32>,
      %div3A = arith.constant 1.000000e+00 : f32
      %div3A_101 = vector.broadcast %div3A : f32 to vector<16xf32>
      %div3A_102 = arith.divf %div3A_101, %scan3A_96 : vector<16xf32>
      %swap3A_103 = arith.index_cast %mul3A_10 : i32 to index
      %swap3A_104 = tpu.vector_load %arg7[%swap3A_103] {strides = array<i32>} : memref<256xf32, #tpu.memory_space<vmem>>, vector<16xf32>,
      %swap3A_105 = vector.shape_cast %swap3A_104 : vector<16xf32> to vector<16xf32>
      %swap3A_106 = vector.shape_cast %div3A_102 : vector<16xf32> to vector<16xf32>
      tpu.vector_store %arg7[%swap3A_103], %swap3A_106 {strides = array<i32>} : memref<256xf32, #tpu.memory_space<vmem>>, vector<16xf32>,
    }
    %scan3A_7 = arith.constant 16 : i32
    "tpu.region"() ({
      %run_scoped3A = tpu.sem_alloc : memref<!tpu.dma_semaphore, #tpu.memory_space<semaphore_mem>>
      %dma_start3A = tpu.memref_slice %arg3[%mul3A_2] : memref<8192xi32, #tpu.memory_space<hbm>> -> memref<256xi32, #tpu.memory_space<hbm>>
      %dma_start3A_8 = tpu.memref_slice %arg3[%mul3A_2] : memref<8192xi32, #tpu.memory_space<hbm>> -> memref<256xi32, #tpu.memory_space<hbm>>
      tpu.enqueue_dma source(%arg6 : memref<256xi32, #tpu.memory_space<vmem>>) target(%dma_start3A_8 : memref<256xi32, #tpu.memory_space<hbm>>) target_semaphore(%run_scoped3A : memref<!tpu.dma_semaphore, #tpu.memory_space<semaphore_mem>>)
      %dma_wait3A = tpu.memref_slice %arg3[%mul3A_2] : memref<8192xi32, #tpu.memory_space<hbm>> -> memref<256xi32, #tpu.memory_space<hbm>>
      %dma_wait3A_9 = tpu.memref_slice %arg3[%mul3A_2] : memref<8192xi32, #tpu.memory_space<hbm>> -> memref<256xi32, #tpu.memory_space<hbm>>
      tpu.wait_dma2 semaphore(%run_scoped3A : memref<!tpu.dma_semaphore, #tpu.memory_space<semaphore_mem>>) src(%arg6 : memref<256xi32, #tpu.memory_space<vmem>>) dst(%dma_wait3A_9 : memref<256xi32, #tpu.memory_space<hbm>>)
      tpu.yield
    }) : () -> ()
    "tpu.region"() ({
      %run_scoped3A = tpu.sem_alloc : memref<!tpu.dma_semaphore, #tpu.memory_space<semaphore_mem>>
      %dma_start3A = tpu.memref_slice %arg4[%mul3A_2] : memref<8192xf32, #tpu.memory_space<hbm>> -> memref<256xf32, #tpu.memory_space<hbm>>
      %dma_start3A_8 = tpu.memref_slice %arg4[%mul3A_2] : memref<8192xf32, #tpu.memory_space<hbm>> -> memref<256xf32, #tpu.memory_space<hbm>>
      tpu.enqueue_dma source(%arg7 : memref<256xf32, #tpu.memory_space<vmem>>) target(%dma_start3A_8 : memref<256xf32, #tpu.memory_space<hbm>>) target_semaphore(%run_scoped3A : memref<!tpu.dma_semaphore, #tpu.memory_space<semaphore_mem>>)
      %dma_wait3A = tpu.memref_slice %arg4[%mul3A_2] : memref<8192xf32, #tpu.memory_space<hbm>> -> memref<256xf32, #tpu.memory_space<hbm>>
      %dma_wait3A_9 = tpu.memref_slice %arg4[%mul3A_2] : memref<8192xf32, #tpu.memory_space<hbm>> -> memref<256xf32, #tpu.memory_space<hbm>>
      tpu.wait_dma2 semaphore(%run_scoped3A : memref<!tpu.dma_semaphore, #tpu.memory_space<semaphore_mem>>) src(%arg7 : memref<256xf32, #tpu.memory_space<vmem>>) dst(%dma_wait3A_9 : memref<256xf32, #tpu.memory_space<hbm>>)
      tpu.yield
    }) : () -> ()
    return
  }
}

module attributes {stable_mosaic.version = 14 : i64} {
  func.func @_logits_body(%arg0: i32, %arg1: memref<4096x768xf32, #tpu.memory_space<vmem>>, %arg2: memref<64x768xf32, #tpu.memory_space<vmem>>, %arg3: memref<64x4096xf32, #tpu.memory_space<vmem>>) attributes {dimension_semantics = [#tpu.dimension_semantics<arbitrary>], iteration_bounds = array<i64: 2>, scalar_prefetch = 0 : i64, scratch_operands = 0 : i64, tpu.core_type = #tpu.core_type<tc>, window_params = [{transform_indices = @transform_0, window_bounds = array<i64: 4096, 768>}, {pipeline_mode = #tpu.pipeline_mode<synchronous>, transform_indices = @transform_1, window_bounds = array<i64: 64, 768>}, {transform_indices = @transform_2, window_bounds = array<i64: 64, 4096>}]} {
    %get3A = arith.constant 0 : index
    %get3A_0 = arith.constant 0 : index
    %get3A_1 = vector.load %arg2[%get3A, %get3A_0] : memref<64x768xf32, #tpu.memory_space<vmem>>, vector<64x768xf32>
    %get3A_2 = arith.constant 0 : index
    %get3A_3 = arith.constant 0 : index
    %get3A_4 = vector.load %arg1[%get3A_2, %get3A_3] : memref<4096x768xf32, #tpu.memory_space<vmem>>, vector<4096x768xf32>
    %dot_general3A = arith.constant dense<0.000000e+00> : vector<64x4096xf32>
    %dot_general3A_5 = tpu.matmul %get3A_1, %get3A_4, %dot_general3A {dimension_numbers = #tpu.dot_dimension_numbers<[1], [1], [0], [0], [0, 0, 1, 0], [], []>, transpose_lhs_hint = false} : vector<64x768xf32>, vector<4096x768xf32>, vector<64x4096xf32> -> vector<64x4096xf32>
    %swap3A = arith.constant 0 : index
    %swap3A_6 = arith.constant 0 : index
    %swap3A_7 = vector.load %arg3[%swap3A, %swap3A_6] : memref<64x4096xf32, #tpu.memory_space<vmem>>, vector<64x4096xf32>
    tpu.vector_store %arg3[%swap3A, %swap3A_6], %dot_general3A_5 {strides = array<i32>} : memref<64x4096xf32, #tpu.memory_space<vmem>>, vector<64x4096xf32>,
    return
  }
  func.func @transform_0(%arg0: i32) -> (i32, i32) {
    %add3A = arith.constant 6 : i32
    %add3A_0 = arith.addi %add3A, %arg0 : i32
    %c0_i32 = arith.constant 0 : i32
    %c0_i32_1 = arith.constant 0 : i32
    return %add3A_0, %c0_i32 : i32, i32
  }
  func.func @transform_1(%arg0: i32) -> (i32, i32) {
    %c0_i32 = arith.constant 0 : i32
    %c0_i32_0 = arith.constant 0 : i32
    %c0_i32_1 = arith.constant 0 : i32
    return %c0_i32, %c0_i32_0 : i32, i32
  }
  func.func @transform_2(%arg0: i32) -> (i32, i32) {
    %c0_i32 = arith.constant 0 : i32
    %c0_i32_0 = arith.constant 0 : i32
    return %c0_i32, %arg0 : i32, i32
  }
}

module attributes {stable_mosaic.version = 14 : i64} {
  func.func @_logits_body(%arg0: i32, %arg1: memref<4096x768xf32, #tpu.memory_space<vmem>>, %arg2: memref<64x768xf32, #tpu.memory_space<vmem>>, %arg3: memref<64x4096xf32, #tpu.memory_space<vmem>>) attributes {dimension_semantics = [#tpu.dimension_semantics<arbitrary>], iteration_bounds = array<i64: 2>, scalar_prefetch = 0 : i64, scratch_operands = 0 : i64, tpu.core_type = #tpu.core_type<tc>, window_params = [{transform_indices = @transform_0, window_bounds = array<i64: 4096, 768>}, {pipeline_mode = #tpu.pipeline_mode<synchronous>, transform_indices = @transform_1, window_bounds = array<i64: 64, 768>}, {transform_indices = @transform_2, window_bounds = array<i64: 64, 4096>}]} {
    %get3A = arith.constant 0 : index
    %get3A_0 = arith.constant 0 : index
    %get3A_1 = vector.load %arg2[%get3A, %get3A_0] : memref<64x768xf32, #tpu.memory_space<vmem>>, vector<64x768xf32>
    %get3A_2 = arith.constant 0 : index
    %get3A_3 = arith.constant 0 : index
    %get3A_4 = vector.load %arg1[%get3A_2, %get3A_3] : memref<4096x768xf32, #tpu.memory_space<vmem>>, vector<4096x768xf32>
    %dot_general3A = arith.constant dense<0.000000e+00> : vector<64x4096xf32>
    %dot_general3A_5 = tpu.matmul %get3A_1, %get3A_4, %dot_general3A {dimension_numbers = #tpu.dot_dimension_numbers<[1], [1], [0], [0], [0, 0, 1, 0], [], []>, transpose_lhs_hint = false} : vector<64x768xf32>, vector<4096x768xf32>, vector<64x4096xf32> -> vector<64x4096xf32>
    %swap3A = arith.constant 0 : index
    %swap3A_6 = arith.constant 0 : index
    %swap3A_7 = vector.load %arg3[%swap3A, %swap3A_6] : memref<64x4096xf32, #tpu.memory_space<vmem>>, vector<64x4096xf32>
    tpu.vector_store %arg3[%swap3A, %swap3A_6], %dot_general3A_5 {strides = array<i32>} : memref<64x4096xf32, #tpu.memory_space<vmem>>, vector<64x4096xf32>,
    return
  }
  func.func @transform_0(%arg0: i32) -> (i32, i32) {
    %add3A = arith.constant 4 : i32
    %add3A_0 = arith.addi %add3A, %arg0 : i32
    %c0_i32 = arith.constant 0 : i32
    %c0_i32_1 = arith.constant 0 : i32
    return %add3A_0, %c0_i32 : i32, i32
  }
  func.func @transform_1(%arg0: i32) -> (i32, i32) {
    %c0_i32 = arith.constant 0 : i32
    %c0_i32_0 = arith.constant 0 : i32
    %c0_i32_1 = arith.constant 0 : i32
    return %c0_i32, %c0_i32_0 : i32, i32
  }
  func.func @transform_2(%arg0: i32) -> (i32, i32) {
    %c0_i32 = arith.constant 0 : i32
    %c0_i32_0 = arith.constant 0 : i32
    return %c0_i32, %arg0 : i32, i32
  }
}

module attributes {stable_mosaic.version = 14 : i64} {
  func.func @_logits_body(%arg0: i32, %arg1: memref<4096x768xf32, #tpu.memory_space<vmem>>, %arg2: memref<64x768xf32, #tpu.memory_space<vmem>>, %arg3: memref<64x4096xf32, #tpu.memory_space<vmem>>) attributes {dimension_semantics = [#tpu.dimension_semantics<arbitrary>], iteration_bounds = array<i64: 2>, scalar_prefetch = 0 : i64, scratch_operands = 0 : i64, tpu.core_type = #tpu.core_type<tc>, window_params = [{transform_indices = @transform_0, window_bounds = array<i64: 4096, 768>}, {pipeline_mode = #tpu.pipeline_mode<synchronous>, transform_indices = @transform_1, window_bounds = array<i64: 64, 768>}, {transform_indices = @transform_2, window_bounds = array<i64: 64, 4096>}]} {
    %get3A = arith.constant 0 : index
    %get3A_0 = arith.constant 0 : index
    %get3A_1 = vector.load %arg2[%get3A, %get3A_0] : memref<64x768xf32, #tpu.memory_space<vmem>>, vector<64x768xf32>
    %get3A_2 = arith.constant 0 : index
    %get3A_3 = arith.constant 0 : index
    %get3A_4 = vector.load %arg1[%get3A_2, %get3A_3] : memref<4096x768xf32, #tpu.memory_space<vmem>>, vector<4096x768xf32>
    %dot_general3A = arith.constant dense<0.000000e+00> : vector<64x4096xf32>
    %dot_general3A_5 = tpu.matmul %get3A_1, %get3A_4, %dot_general3A {dimension_numbers = #tpu.dot_dimension_numbers<[1], [1], [0], [0], [0, 0, 1, 0], [], []>, transpose_lhs_hint = false} : vector<64x768xf32>, vector<4096x768xf32>, vector<64x4096xf32> -> vector<64x4096xf32>
    %swap3A = arith.constant 0 : index
    %swap3A_6 = arith.constant 0 : index
    %swap3A_7 = vector.load %arg3[%swap3A, %swap3A_6] : memref<64x4096xf32, #tpu.memory_space<vmem>>, vector<64x4096xf32>
    tpu.vector_store %arg3[%swap3A, %swap3A_6], %dot_general3A_5 {strides = array<i32>} : memref<64x4096xf32, #tpu.memory_space<vmem>>, vector<64x4096xf32>,
    return
  }
  func.func @transform_0(%arg0: i32) -> (i32, i32) {
    %add3A = arith.constant 0 : i32
    %add3A_0 = arith.addi %add3A, %arg0 : i32
    %c0_i32 = arith.constant 0 : i32
    %c0_i32_1 = arith.constant 0 : i32
    return %add3A_0, %c0_i32 : i32, i32
  }
  func.func @transform_1(%arg0: i32) -> (i32, i32) {
    %c0_i32 = arith.constant 0 : i32
    %c0_i32_0 = arith.constant 0 : i32
    %c0_i32_1 = arith.constant 0 : i32
    return %c0_i32, %c0_i32_0 : i32, i32
  }
  func.func @transform_2(%arg0: i32) -> (i32, i32) {
    %c0_i32 = arith.constant 0 : i32
    %c0_i32_0 = arith.constant 0 : i32
    return %c0_i32, %arg0 : i32, i32
  }
}

module attributes {stable_mosaic.version = 14 : i64} {
  func.func @_logits_body(%arg0: i32, %arg1: memref<4096x768xf32, #tpu.memory_space<vmem>>, %arg2: memref<64x768xf32, #tpu.memory_space<vmem>>, %arg3: memref<64x4096xf32, #tpu.memory_space<vmem>>) attributes {dimension_semantics = [#tpu.dimension_semantics<arbitrary>], iteration_bounds = array<i64: 2>, scalar_prefetch = 0 : i64, scratch_operands = 0 : i64, tpu.core_type = #tpu.core_type<tc>, window_params = [{transform_indices = @transform_0, window_bounds = array<i64: 4096, 768>}, {pipeline_mode = #tpu.pipeline_mode<synchronous>, transform_indices = @transform_1, window_bounds = array<i64: 64, 768>}, {transform_indices = @transform_2, window_bounds = array<i64: 64, 4096>}]} {
    %get3A = arith.constant 0 : index
    %get3A_0 = arith.constant 0 : index
    %get3A_1 = vector.load %arg2[%get3A, %get3A_0] : memref<64x768xf32, #tpu.memory_space<vmem>>, vector<64x768xf32>
    %get3A_2 = arith.constant 0 : index
    %get3A_3 = arith.constant 0 : index
    %get3A_4 = vector.load %arg1[%get3A_2, %get3A_3] : memref<4096x768xf32, #tpu.memory_space<vmem>>, vector<4096x768xf32>
    %dot_general3A = arith.constant dense<0.000000e+00> : vector<64x4096xf32>
    %dot_general3A_5 = tpu.matmul %get3A_1, %get3A_4, %dot_general3A {dimension_numbers = #tpu.dot_dimension_numbers<[1], [1], [0], [0], [0, 0, 1, 0], [], []>, transpose_lhs_hint = false} : vector<64x768xf32>, vector<4096x768xf32>, vector<64x4096xf32> -> vector<64x4096xf32>
    %swap3A = arith.constant 0 : index
    %swap3A_6 = arith.constant 0 : index
    %swap3A_7 = vector.load %arg3[%swap3A, %swap3A_6] : memref<64x4096xf32, #tpu.memory_space<vmem>>, vector<64x4096xf32>
    tpu.vector_store %arg3[%swap3A, %swap3A_6], %dot_general3A_5 {strides = array<i32>} : memref<64x4096xf32, #tpu.memory_space<vmem>>, vector<64x4096xf32>,
    return
  }
  func.func @transform_0(%arg0: i32) -> (i32, i32) {
    %add3A = arith.constant 2 : i32
    %add3A_0 = arith.addi %add3A, %arg0 : i32
    %c0_i32 = arith.constant 0 : i32
    %c0_i32_1 = arith.constant 0 : i32
    return %add3A_0, %c0_i32 : i32, i32
  }
  func.func @transform_1(%arg0: i32) -> (i32, i32) {
    %c0_i32 = arith.constant 0 : i32
    %c0_i32_0 = arith.constant 0 : i32
    %c0_i32_1 = arith.constant 0 : i32
    return %c0_i32, %c0_i32_0 : i32, i32
  }
  func.func @transform_2(%arg0: i32) -> (i32, i32) {
    %c0_i32 = arith.constant 0 : i32
    %c0_i32_0 = arith.constant 0 : i32
    return %c0_i32, %arg0 : i32, i32
  }
}

</mosaic_0001>

<sc_bundles>
// kernel: kernel.10.cloned.1.call-start
scs
__scs_entry_jumppad:
0x0: {  	(pc) =	sbr.rel $0x88, $3  }
0x1: {  	(tag) =	ssettag $0x0;
	lr =	simm.s32 $0x1  }
0x2: {  	[smem:$0x3F9F] =	sst lr;
	_ =	strace $0xD0000000  }
0x3: {  	_ = 	snop  }
0x4: {  	_ = 	snop  }
0x5: {  	_ = 	snop  }
0x6: {  	_ = 	snop  }
0x7: {  	_ = 	snop  }
__scs_overlays_trampoline_lowered:
0x8: {  	[smem:$0x3FAE] =	sst s0  }
0x9: {  	[smem:$0x3FAF] =	sst s1  }
0xa: {  	[smem:$0x3FB0] =	sst s2  }
0xb: {  	[smem:$0x3FB1] =	sst s3  }
0xc: {  	[smem:$0x3FB2] =	sst s4  }
0xd: {  	[smem:$0x3FB3] =	sst s5  }
0xe: {  	[smem:$0x3FB4] =	sst s6  }
0xf: {  	[smem:$0x3FB5] =	sst s7  }
0x10: {  	[smem:$0x3FB6] =	sst s8  }
0x11: {  	[smem:$0x3FB7] =	sst s9;
	s0 =	simm.s32 @!p0 $0x0  }
0x12: {  	s1 =	sld [smem:$0x3F9D];
	s0 =	simm.s32 @p0 $0x1  }
0x13: {  	[smem:$0x3FB8] =	sst s0;
	s0 =	simm.s32 @!p1 $0x0  }
0x14: {  	s2 =	sld [smem:$0x3F9C];
	s0 =	simm.s32 @p1 $0x1  }
0x15: {  	[smem:$0x3FB9] =	sst s0;
	s0 =	simm.s32 @!p2 $0x0  }
0x16: {  	s3 =	sld [smem:$0x3FDB];
	s0 =	simm.s32 @p2 $0x1  }
0x17: {  	s4 =	simm.s32 $0x1BF5;
	[smem:$0x3FBB] =	sst s0  }
0x18: {  	s0 =	sld [smem:$0x3F9E];
	_ =	swait.ge [sflag:s4], $0x0  }
0x19: {  	s7 =	sld [smem:$0x3F9F]  }
0x1a: {  	s8 =	sadd.s32 $0xFFFFE003, lr  }
0x1b: {  	s9 =	sadd.s32 $0xFFFFFEF7, lr;
	s5 =	simm.s32 $0xFFFFFFFF;
	p2 =	slt.u32 s8, $0xFFFFF086  }
0x1c: {  	p1 =	slt.u32 s9, $0xF7A;
	s5 =	simm.s32 @!p2 $0x0  }
0x1d: {  	s5 =	simm.s32 @p1 $0x1;
	p0 =	seq.s32 s7, s2  }
0x1e: {  	s7 =	smul.u32 @!p0 $0xF7A, s2;
	p2 =	seq.s32 @!p0 s5, $0x0  }
0x1f: {  	s9 =	smul.u32 $0xF7A, s1;
	s8 =	simm.s32 @!p0 $0x1BF5;
	p2 =	por !p2, p0  }
0x20: {  	[sflag:s8] =	ssyncset.s32 @!p0 $0xFFFFF086;
	s6 =	sadd.s32 @!p0 s3, s7;
	s7 =	simm.s32 @!p0 $0x108  }
0x21: {  	s3 =	sadd.s32 s3, s9;
	s6 =	sadd.s32 @!p0 $0x88, s6;
	s7 =	simm.s32 @p2 $0x1082  }
0x22: {  	[simem:s7], [sflag:s8] =	dma.local @!p0 [hbm:s6], $0xF7A  }
0x23: {  	s9 =	sor.u32 $0xD0000000, s2;
	s6 =	simm.s32 $0x108;
	_ =	swait.ge @!p0 [sflag:s8], $0x0  }
0x24: {  	s3 =	sadd.s32 $0x88, s3;
	s6 =	simm.s32 @!p1 $0x1082;
	[sflag:s4] =	ssyncset.s32 $0xFFFFF086  }
0x25: {  	[simem:s6], [sflag:s4] =	dma.local [hbm:s3], $0xF7A  }
0x26: {  	[smem:$0x3F9F] =	sst s1;
	(tag) =	ssettag s2;
	_ =	strace s9  }
0x27: {  	s1 =	sld [smem:$0x3FAF]  }
0x28: {  	s2 =	sld [smem:$0x3FB0]  }
0x29: {  	s4 =	sld [smem:$0x3FB2]  }
0x2a: {  	p0 =	seq.s32 s5, $0x0;
	s5 =	sld [smem:$0x3FB3]  }
0x2b: {  	s6 =	sld [smem:$0x3FB4]  }
0x2c: {  	s7 =	sld [smem:$0x3FB5]  }
0x2d: {  	s3 =	simm.s32 $0x108;
	s8 =	sld [smem:$0x3FB6]  }
0x2e: {  	s3 =	simm.s32 @!p0 $0x1082;
	s9 =	sld [smem:$0x3FB7]  }
0x2f: {  	lr =	sadd.s32 s0, s3;
	s0 =	sld [smem:$0x3FAE]  }
0x30: {  	s3 =	sld [smem:$0x3FB1]  }
0x31: {  	[smem:$0x3FBA] =	sst s10  }
0x32: {  	s10 =	sld [smem:$0x3FB8];
	_ =	sdelay $0x3  }
0x33: {  	p0 =	seq.s32 s10, $0x1;
	s10 =	sld [smem:$0x3FBA];
	_ =	sdelay $0x3  }
0x34: {  	[smem:$0x3FBA] =	sst s10  }
0x35: {  	s10 =	sld [smem:$0x3FB9];
	_ =	sdelay $0x3  }
0x36: {  	p1 =	seq.s32 s10, $0x1;
	s10 =	sld [smem:$0x3FBA];
	_ =	sdelay $0x3  }
0x37: {  	[smem:$0x3FBA] =	sst s10  }
0x38: {  	s10 =	sld [smem:$0x3FBB]  }
0x39: {  	_ = 	snop;
	(pc) =	sbr.ind lr, $3  }
0x3a: {  	_ = 	snop  }
0x3b: {  	_ = 	snop  }
0x3c: {  	p2 =	seq.s32 s10, $0x1;
	s10 =	sld [smem:$0x3FBA]  }
0x3d: {  	_ =	shalt  }
0x3e: {  	_ =	shalt  }
0x3f: {  	_ =	shalt  }
0x40: {  	_ =	shalt  }
0x41: {  	_ =	shalt  }
0x42: {  	_ =	shalt  }
0x43: {  	_ =	shalt  }
0x44: {  	_ =	shalt  }
0x45: {  	_ =	shalt  }
0x46: {  	_ =	shalt  }
0x47: {  	_ =	shalt  }
0x48: {  	_ =	shalt  }
0x49: {  	_ =	shalt  }
0x4a: {  	_ =	shalt  }
0x4b: {  	_ =	shalt  }
0x4c: {  	_ =	shalt  }
0x4d: {  	_ =	shalt  }
0x4e: {  	_ =	shalt  }
0x4f: {  	_ =	shalt  }
0x50: {  	_ =	shalt  }
0x51: {  	_ =	shalt  }
0x52: {  	_ =	shalt  }
0x53: {  	_ =	shalt  }
0x54: {  	_ =	shalt  }
0x55: {  	_ =	shalt  }
0x56: {  	_ =	shalt  }
0x57: {  	_ =	shalt  }
0x58: {  	_ =	shalt  }
0x59: {  	_ =	shalt  }
0x5a: {  	_ =	shalt  }
0x5b: {  	_ =	shalt  }
0x5c: {  	_ =	shalt  }
0x5d: {  	_ =	shalt  }
0x5e: {  	_ =	shalt  }
0x5f: {  	_ =	shalt  }
0x60: {  	_ =	shalt  }
0x61: {  	_ =	shalt  }
0x62: {  	_ =	shalt  }
0x63: {  	_ =	shalt  }
0x64: {  	_ =	shalt  }
0x65: {  	_ =	shalt  }
0x66: {  	_ =	shalt  }
0x67: {  	_ =	shalt  }
0x68: {  	_ =	shalt  }
0x69: {  	_ =	shalt  }
0x6a: {  	_ =	shalt  }
0x6b: {  	_ =	shalt  }
0x6c: {  	_ =	shalt  }
0x6d: {  	_ =	shalt  }
0x6e: {  	_ =	shalt  }
0x6f: {  	_ =	shalt  }
0x70: {  	_ =	shalt  }
0x71: {  	_ =	shalt  }
0x72: {  	_ =	shalt  }
0x73: {  	_ =	shalt  }
0x74: {  	_ =	shalt  }
0x75: {  	_ =	shalt  }
0x76: {  	_ =	shalt  }
0x77: {  	_ =	shalt  }
0x78: {  	_ =	shalt  }
0x79: {  	_ =	shalt  }
0x7a: {  	_ =	shalt  }
0x7b: {  	_ =	shalt  }
0x7c: {  	_ =	shalt  }
0x7d: {  	_ =	shalt  }
0x7e: {  	_ =	shalt  }
0x7f: {  	_ =	shalt  }
0x80: {  	_ =	shalt  }
0x81: {  	_ =	shalt  }
0x82: {  	_ =	shalt  }
0x83: {  	_ =	shalt  }
0x84: {  	_ =	shalt  }
0x85: {  	_ =	shalt  }
0x86: {  	_ =	shalt  }
0x87: {  	_ =	shalt  }
.Lfunc_end0:
.L_simem_size_0:
called_computation_lowered:
.L_overlay_start_0:
0x88: {  	s2 =	sld [smem:$0x3FD9]  }
0x89: {  	s3 =	sld [smem:$0x3FFE];
	_ =	sdelay $0x1  }
0x8a: {  	s1 =	srdreg.scid  }
0x8b: {  	s0 =	sand.u32 $0x1, s1  }
0x8c: {  	s16 =	sshll.u32 s0, $0xA;
	s2 =	sadd.s32 s3, s2  }
0x8d: {  	s2 =	sadd.s32 s2, s16  }
0x8e: {  	[smem:$0x3FC6] =	sst s2  }
0x8f: {  	_ = 	snop  }
0x90: {  	(tm) =	ssettm $0x1  }
0x91: {  	s17 =	sld [smem:$0x3FFB];
	_ =	sdelay $0x3  }
0x92: {  	_ =	strace s17  }
0x93: {  	s2 =	sld [smem:$0x3FFC];
	_ =	sdelay $0x3  }
0x94: {  	_ =	strace s2  }
0x95: {  	s2 =	sld [smem:$0x3FFD];
	_ =	sdelay $0x3  }
0x96: {  	_ =	strace s2  }
0x97: {  	_ =	strace $0x8FFFFFFF  }
0x98: {  	s18 =	sld [smem:$0x3FDB];
	_ =	sdelay $0x1  }
0x99: {  	s19 =	simm.s32 $_scs_section_size  }
0x9a: {  	s4 =	simm.s32 $_size__tile_overlayer_lowered;
	s5 =	simm.s32 $_tile_overlayer_lowered  }
0x9b: {  	s22 =	simm.s32 $0x1BFF;
	s21 =	sshll.u32 s5, $0x1;
	s2 =	sadd.s32 s19, s18  }
0x9c: {  	s6 =	simm.s32 $0x0;
	s20 =	sshll.u32 s4, $0x1;
	s4 =	sadd.s32 s21, s2  }
0x9d: {  	[timem:s6], [sflag:s22] =	dma.local [hbm:s4], s20  }
0x9e: {  	_ =	swait.ge [sflag:s22], s20  }
0x9f: {  	s3 =	ssub.s32 $0x0, s20;
	[sflag:s22] =	ssyncset.done $0x0  }
0xa0: {  	[sflag:s22] =	ssyncadd.s32 s3;
	_ =	sdelay $0x1  }
0xa1: {  	s23 =	simm.s32 $0x1B8B  }
0xa2: {  	_ =	swait.ge [sflag:s23], $0x1  }
0xa3: {  	[sflag:s23] =	ssyncset.done $0x0  }
0xa4: {  	s25 =	simm.s32 $0x1B8E;
	s24 =	sld [smem:$0x3FFE];
	[sflag:s23] =	ssyncadd.s32 $0xFFFFFFFF  }
0xa5: {  	s26 =	simm.s32 $execute0_lowered;
	[smem:$0x3FD2] =	sst s25  }
0xa6: {  	s4 =	sshll.u32 s26, $0x1;
	_ =	strace $0x80000046;
	[dreg:$0x1] =	wrdreg $0xFFFFFFFF  }
0xa7: {  	s28 =	simm.s32 $_size_execute0_lowered;
	s2 =	sadd.s32 s2, s4;
	[dreg:$0x0] =	wrdreg $0x0  }
0xa8: {  	s4 =	sshll.u32 s28, $0x1;
	[dreg:$0x2] =	wrdreg s2  }
0xa9: {  	[dreg:$0x3] =	wrdreg s4  }
0xaa: {  	[dreg:$0x4] =	wrdreg $0xC0  }
0xab: {  	_ =	task [dreg:s6], $0x5FFFF  }
0xac: {  	[dreg:$0x1] =	wrdreg $0xFFFFFFFF  }
0xad: {  	[dreg:$0x0] =	wrdreg $0x60  }
0xae: {  	[dreg:$0x2] =	wrdreg s24  }
0xaf: {  	[dreg:$0x3] =	wrdreg $0x9  }
0xb0: {  	_ =	task.clear_ibuf [dreg:s6], $0x4FFFF;
	_ =	strace $0x90000046  }
0xb1: {  	s29 =	simm.s32 $0x9;
	_ =	strace $0x80000048  }
0xb2: {  	_ =	swait.ge [sflag:s29], $0x1  }
0xb3: {  	[sflag:s29] =	ssyncadd.s32 $0xFFFFFFFF  }
0xb4: {  	_ =	strace $0x90000048  }
0xb5: {  	_ =	sfence  }
0xb6: {  	s30 =	sld [smem:$0x0];
	_ =	sdelay $0x2  }
0xb7: {  	s31 =	sshll.u32 s1, $0xD;
	s1 =	sshrl.u32 s1, $0x2  }
0xb8: {  	s3 =	sand.u32 $0x4000, s31;
	s1 =	sadd.s32 s1, s30  }
0xb9: {  	s0 =	sor.u32 s3, s0;
	s1 =	sshll.u32 s1, $0x11  }
0xba: {  	s0 =	sor.u32 s1, s0  }
0xbb: {  	s0 =	sadd.s32 $0x8F2B, s0  }
0xbc: {  	[sflag:s0] =	ssyncadd.remote.s32 $0x1  }
0xbd: {  	_ =	sfence.sel $0xFFFF  }
0xbe: {  	[dreg:$0x0] =	wrdreg $0xFFFFFFFF;
	(pc) =	sbr.abs _section_cstart, $3  }
0xbf: {  	[dreg:$0x1] =	wrdreg $0xFFFFFFFF  }
0xc0: {  	_ =	task.clear_ibuf [dreg:s6], $0x2FFFF;
	_ =	strace $0x9FFFFFFF  }
0xc1: {  	(tm) =	ssettm $0x7FFFFFFF  }
tec
execute0_lowered:
.L_overlay_start_1:
0x0: {  	(tag) =	ssettag $0x1  }
0x1: {  	s3 =	rddreg [dreg:$0x0]  }
0x2: {  	s0 =	rddreg [dreg:$0x1];
	s4 =	srdreg.scid  }
0x3: {  	s2 =	simm.s32 $0x0;
	s1 =	stileid.u32;
	s8 =	simm.s32 $0x10000  }
0x4: {  	s9 =	simm.s32 $0x1;
	s10 =	simm.s32 $0x4000;
	s11 =	simm.s32 $0x4100  }
0x5: {  	s12 =	simm.s32 $0x0;
	s4 =	sand.u32 $0x1, s4;
	[smem:$0x7FF] =	sst s2  }
0x6: {  	s5 =	sshll.u32 s1, $0x9;
	s6 =	sshll.u32 s4, $0x8;
	s4 =	ssub.s32 $0x2, s4  }
0x7: {  	_ =	strace $0x80000047;
	s5 =	sor.u32 s6, s5;
	s7 =	sshrl.u32 s4, $0x1  }
0x8: {  	s6 =	sadd.s32 s5, s3;
	s5 =	sshrl.u32 s5, $0x3;
	s7 =	ssub.s32 s4, s7  }
0x9: {  	s5 =	sadd.s32 s5, s3;
	s3 =	sadd.s32 $0x2A00, s6;
	s6 =	smax.u32 s7, $0x1  }
0xa: {  	s7 =	simm.s32 $0x800;
	s4 =	sadd.s32 $0x12A00, s5;
	s5 =	sadd.s32 $0x12E00, s5  }
.LBB2_1:
0xb: {  	[tilespmem:s2], [sflag:$0x1] =	stream.strided.gather [hbm4b:s3+s7], $0x4000, s8, s7, $0x38;
	[tilespmem:$0x4200] =	vst v63  }
0xc: {  	_ =	swait.ge [sflag:s9], $0x4000  }
0xd: {  	s13 =	simm.s32 $0x0;
	[sflag:s9] =	ssyncset.done $0x0  }
0xe: {  	s14 =	simm.s32 $0x0;
	s15 =	simm.s32 $0x0;
	[sflag:s9] =	ssyncadd.s32 $0xFFFFC000  }
.LBB2_2:
0xf: {  	s16 =	sshll.u32 s14, $0x2;
	s25 =	sand.u32 $0x7, s13;
	s19 =	sshll.u32 s15, $0x7  }
0x10: {  	s17 =	sand.u32 $0xFFFFF000, s16;
	s18 =	sshll.u32 s25, $0x6;
	s16 =	sshll.u32 s15, $0x4  }
0x11: {  	s21 =	sand.u32 $0x400, s19;
	s17 =	sor.u32 s18, s17;
	s20 =	sand.u32 $0x70, s16  }
0x12: {  	s17 =	sshrl.u32 s17, $0x2;
	s26 =	sor.u32 s20, s21  }
0x13: {  	s28 =	sadd.s32 $0x800, s17;
	v0 =	vld [tilespmem:s26+$0x0]  }
0x14: {  	v1 =	vld [tilespmem:s28+$0xFFFFF880];
	_ =	sdelay $0x1  }
0x15: {  	v2 =	vld [tilespmem:s28+$0xFFFFF900];
	_ =	sdelay $0x1  }
0x16: {  	v3 =	vld [tilespmem:s28+$0xFFFFF980]  }
0x17: {  	vm0 =	vgt.f32 v1, v0  }
0x18: {  	v0 =	vsel vm0, v1, v0;
	v1 =	vld [tilespmem:s28+$0xFFFFFA00]  }
0x19: {  	vm1 =	vgt.f32 v2, v0  }
0x1a: {  	v4 =	vld [tilespmem:s28+$0xFFFFFA80];
	v0 =	vsel vm1, v2, v0  }
0x1b: {  	s18 =	simm.s32 $0x1;
	v2 =	vimm.s32 $0x0;
	vm2 =	vgt.f32 v3, v0  }
0x1c: {  	s22 =	simm.s32 $0x2;
	v5 =	vld [tilespmem:s28+$0xFFFFFB00];
	v2 =	vsel vm0, s18, v2;
	v0 =	vsel vm2, v3, v0  }
0x1d: {  	s29 =	simm.s32 $0x3;
	v2 =	vsel vm1, s22, v2;
	vm13 =	vgt.f32 v1, v0  }
0x1e: {  	v0 =	vsel vm13, v1, v0;
	v1 =	vsel vm2, s29, v2;
	v2 =	vld [tilespmem:s28+$0xFFFFFB80]  }
0x1f: {  	s30 =	simm.s32 $0x4;
	vm14 =	vgt.f32 v4, v0  }
0x20: {  	s31 =	simm.s32 $0x5;
	v1 =	vsel vm13, s30, v1;
	v4 =	vsel vm14, v4, v0;
	v0 =	vld [tilespmem:s28+$0x0]  }
0x21: {  	s24 =	simm.s32 $0x6;
	s22 =	sadd.s32 $0x800, s28;
	v1 =	vsel vm14, s31, v1;
	vm15 =	vgt.f32 v5, v4  }
0x22: {  	s23 =	simm.s32 $0x11;
	s19 =	sor.u32 $0x200, s17;
	s17 =	simm.s32 $0x9;
	v3 =	vld [tilespmem:s22+$0xFFFFF880];
	v4 =	vsel vm15, v5, v4;
	v1 =	vsel vm15, s24, v1  }
.LBB2_3:
0x23: {  	p0 =	slt.u32 s23, $0x31;
	vm0 =	vgt.f32 v2, v4;
	s24 =	sadd.s32 $0x6, s18  }
0x24: {  	v5 =	vld [tilespmem:s22+$0xFFFFF900];
	v2 =	vsel vm0, v2, v4;
	v1 =	vsel vm0, s24, v1  }
0x25: {  	s24 =	sadd.s32 $0x7, s18;
	s18 =	smov.u32 s17;
	s17 =	smov.u32 s23;
	vm0 =	vgt.f32 v0, v2  }
0x26: {  	v4 =	vld [tilespmem:s22+$0xFFFFF980];
	v0 =	vsel vm0, v0, v2;
	v1 =	vsel vm0, s24, v1  }
0x27: {  	vm0 =	vgt.f32 v3, v0  }
0x28: {  	v0 =	vsel vm0, v3, v0;
	v1 =	vsel vm0, s18, v1;
	v2 =	vld [tilespmem:s22+$0xFFFFFA00]  }
0x29: {  	s24 =	sadd.s32 $0x1, s18;
	vm0 =	vgt.f32 v5, v0  }
0x2a: {  	v0 =	vsel vm0, v5, v0;
	v1 =	vsel vm0, s24, v1;
	v3 =	vld [tilespmem:s22+$0xFFFFFA80]  }
0x2b: {  	s24 =	sadd.s32 $0x2, s18;
	vm0 =	vgt.f32 v4, v0  }
0x2c: {  	v0 =	vsel vm0, v4, v0;
	v1 =	vsel vm0, s24, v1;
	v4 =	vld [tilespmem:s22+$0xFFFFFB00]  }
0x2d: {  	s24 =	sadd.s32 $0x3, s18;
	vm0 =	vgt.f32 v2, v0  }
.Ltmp0:
0x2e: {  	v0 =	vsel vm0, v2, v0;
	v1 =	vsel vm0, s24, v1;
	v2 =	vld [tilespmem:s22+$0xFFFFFB80];
	(pc) =	sbr.rel @p0 .LBB2_3-.Ltmp0, $4  }
0x2f: {  	s24 =	sadd.s32 $0x4, s18;
	vm0 =	vgt.f32 v3, v0  }
0x30: {  	v5 =	vsel vm0, v3, v0;
	v1 =	vsel vm0, s24, v1;
	v0 =	vld [tilespmem:s22+$0x0]  }
0x31: {  	s24 =	sadd.s32 $0x5, s18;
	s22 =	sadd.s32 $0x800, s22;
	vm0 =	vgt.f32 v4, v5  }
0x32: {  	s23 =	sadd.s32 $0x8, s23;
	v3 =	vld [tilespmem:s22+$0xFFFFF880];
	v4 =	vsel vm0, v4, v5;
	v1 =	vsel vm0, s24, v1  }
0x33: {  	vm0 =	vgt.f32 v2, v4  }
0x34: {  	v5 =	vld [tilespmem:s22+$0xFFFFF900];
	v2 =	vsel vm0, v2, v4  }
0x35: {  	vm14 =	vgt.f32 v0, v2  }
0x36: {  	v4 =	vld [tilespmem:s22+$0xFFFFF980];
	v0 =	vsel vm14, v0, v2  }
0x37: {  	vm15 =	vgt.f32 v3, v0  }
0x38: {  	v2 =	vld [tilespmem:s22+$0xFFFFFA00];
	v0 =	vsel vm15, v3, v0  }
0x39: {  	vm13 =	vgt.f32 v5, v0  }
0x3a: {  	v3 =	vld [tilespmem:s22+$0xFFFFFA80];
	v0 =	vsel vm13, v5, v0  }
0x3b: {  	vm12 =	vgt.f32 v4, v0  }
0x3c: {  	v0 =	vsel vm12, v4, v0;
	v4 =	vld [tilespmem:s22+$0xFFFFFB00]  }
0x3d: {  	vm11 =	vgt.f32 v2, v0  }
0x3e: {  	v0 =	vsel vm11, v2, v0;
	v2 =	vld [tilespmem:s22+$0xFFFFFB80]  }
0x3f: {  	vm10 =	vgt.f32 v3, v0  }
0x40: {  	v0 =	vsel vm10, v3, v0;
	v3 =	vld [tilespmem:s22+$0x0]  }
0x41: {  	s20 =	sadd.s32 s20, s21;
	vm9 =	vgt.f32 v4, v0  }
0x42: {  	v0 =	vsel vm9, v4, v0;
	v4 =	vld [tilespmem:s20+$0x3880]  }
0x43: {  	vm8 =	vgt.f32 v2, v0  }
0x44: {  	v0 =	vsel vm8, v2, v0;
	v2 =	vld [tilespmem:s20+$0x3900]  }
0x45: {  	vm7 =	vgt.f32 v3, v0  }
0x46: {  	v0 =	vsel vm7, v3, v0;
	v3 =	vld [tilespmem:s20+$0x3980]  }
0x47: {  	vm1 =	vgt.f32 v4, v0  }
0x48: {  	v5 =	vimm.s32 $0x0;
	v0 =	vsel vm1, v4, v0;
	v4 =	vld [tilespmem:s20+$0x3A00]  }
0x49: {  	v5 =	vsel vm1, $0xFFFFFFFF, v5;
	vm1 =	vgt.f32 v2, v0  }
0x4a: {  	v0 =	vsel vm1, v2, v0;
	v2 =	vld [tilespmem:s20+$0x3A80]  }
0x4b: {  	vm2 =	vgt.f32 v3, v0  }
0x4c: {  	v0 =	vsel vm2, v3, v0;
	v3 =	vld [tilespmem:s20+$0x3B00]  }
0x4d: {  	vm3 =	vgt.f32 v4, v0  }
0x4e: {  	v0 =	vsel vm3, v4, v0;
	v4 =	vld [tilespmem:s20+$0x3B80]  }
0x4f: {  	vm4 =	vgt.f32 v2, v0  }
0x50: {  	v0 =	vsel vm4, v2, v0;
	v2 =	vld [tilespmem:s19+$0xFFFFFE00]  }
0x51: {  	vm5 =	vgt.f32 v3, v0  }
0x52: {  	v0 =	vsel vm5, v3, v0;
	v3 =	vld [tilespmem:s19+$0xFFFFFE80]  }
0x53: {  	vm6 =	vgt.f32 v4, v0  }
0x54: {  	v0 =	vsel vm6, v4, v0;
	v4 =	vld [tilespmem:s19+$0xFFFFFF00]  }
0x55: {  	v2 =	vsub.f32 v2, v0  }
0x56: {  	[tilespmem:$0x1FFF0] =	vst v5;
	v5 =	vld [tilespmem:s19+$0xFFFFFF80]  }
0x57: {  	v3 =	vsub.f32 v3, v0;
	v2 =	vmul.f32 $1.442695020e+00, v2  }
0x58: {  	v6 =	vld [tilespmem:s19+$0x0]  }
0x59: {  	v4 =	vsub.f32 v4, v0;
	v3 =	vmul.f32 $1.442695020e+00, v3;
	(erf) = vpow2.f32 v2;
	v2 =	vld [tilespmem:s19+$0x80];
	_ =	sdelay $0x1  }
0x5a: {  	v5 =	vsub.f32 v5, v0;
	v4 =	vmul.f32 $1.442695020e+00, v4;
	(erf) = vpow2.f32 v3;
	v3 =	vld [tilespmem:s19+$0x100];
	_ =	sdelay $0x1  }
0x5b: {  	v5 =	vmul.f32 $1.442695020e+00, v5;
	(erf) = vpow2.f32 v4;
	v4 =	vsub.f32 v6, v0  }
0x5c: {  	v2 =	vsub.f32 v2, v0  }
0x5d: {  	(erf) = vpow2.f32 v5;
	v5 =	vld [tilespmem:s19+$0x180];
	v4 =	vmul.f32 $1.442695020e+00, v4  }
0x5e: {  	s21 =	sadd.s32 $0x6, s18;
	s24 =	sadd.s32 $0x800, s19;
	v3 =	vsub.f32 v3, v0;
	v2 =	vmul.f32 $1.442695020e+00, v2  }
0x5f: {  	v1 =	vsel vm0, s21, v1;
	s22 =	sadd.s32 $0x7, s18;
	v6 =	vld [tilespmem:s24+$0xFFFFFE00];
	(erf) = vpow2.f32 v4  }
0x60: {  	v1 =	vsel vm14, s22, v1;
	v3 =	vmul.f32 $1.442695020e+00, v3;
	(erf) = vpow2.f32 v2;
	v2 =	vld [tilespmem:s24+$0xFFFFFE80]  }
0x61: {  	v1 =	vsel vm15, s17, v1;
	v4 =	vimm.f32 $0.0e+00;
	v7 =	vpop (erf)  }
0x62: {  	s23 =	sadd.s32 $0x1, s17;
	v4 =	vadd.f32 v7, v4;
	v5 =	vsub.f32 v5, v0;
	(erf) = vpow2.f32 v3;
	v3 =	vld [tilespmem:s24+$0xFFFFFF00]  }
0x63: {  	v1 =	vsel vm13, s23, v1;
	v7 =	vpop (erf)  }
0x64: {  	s25 =	sadd.s32 $0x2, s17;
	v6 =	vsub.f32 v6, v0;
	v4 =	vadd.f32 v7, v4;
	v5 =	vmul.f32 $1.442695020e+00, v5  }
0x65: {  	v1 =	vsel vm12, s25, v1;
	v7 =	vld [tilespmem:s24+$0xFFFFFF80];
	v8 =	vpop (erf);
	v2 =	vsub.f32 v2, v0  }
0x66: {  	s26 =	sadd.s32 $0x3, s17;
	v9 =	vld [tilespmem:s24+$0x0];
	v6 =	vmul.f32 $1.442695020e+00, v6;
	v4 =	vadd.f32 v8, v4;
	v8 =	vpop (erf);
	(erf) = vpow2.f32 v5  }
0x67: {  	s28 =	sadd.s32 $0x4, s17;
	v1 =	vsel vm11, s26, v1;
	v3 =	vsub.f32 v3, v0;
	v5 =	vmul.f32 $1.442695020e+00, v2  }
0x68: {  	s29 =	sadd.s32 $0x5, s17;
	v10 =	vld [tilespmem:s24+$0x80];
	v1 =	vsel vm10, s28, v1;
	(erf) = vpow2.f32 v6;
	v4 =	vadd.f32 v8, v4  }
0x69: {  	v1 =	vsel vm9, s29, v1;
	v2 =	vpop (erf);
	v8 =	vmul.f32 $1.442695020e+00, v3  }
0x6a: {  	s30 =	sadd.s32 $0x6, s17;
	v7 =	vsub.f32 v7, v0;
	(erf) = vpow2.f32 v5;
	v11 =	vadd.f32 v2, v4;
	v2 =	vld [tilespmem:s24+$0x100]  }
0x6b: {  	v1 =	vsel vm8, s30, v1;
	v4 =	vsub.f32 v9, v0;
	v5 =	vpop (erf)  }
0x6c: {  	s31 =	sadd.s32 $0x7, s17;
	v3 =	vld [tilespmem:s24+$0x180];
	v6 =	vmul.f32 $1.442695020e+00, v7;
	(erf) = vpow2.f32 v8;
	v7 =	vadd.f32 v5, v11  }
0x6d: {  	s18 =	sadd.s32 $0x800, s24;
	s17 =	simm.s32 $0x8;
	v1 =	vsel vm7, s31, v1;
	v5 =	vsub.f32 v10, v0;
	v8 =	vpop (erf)  }
.LBB2_5:
0x6e: {  	v9 =	vld [tilespmem:s18+$0xFFFFFE00];
	v4 =	vmul.f32 $1.442695020e+00, v4;
	(erf) = vpow2.f32 v6;
	v10 =	vadd.f32 v8, v7  }
0x6f: {  	s17 =	sadd.s32 $0x8, s17;
	v2 =	vsub.f32 v2, v0;
	v7 =	vpop (erf)  }
0x70: {  	p0 =	slt.u32 s17, $0x38;
	v5 =	vmul.f32 $1.442695020e+00, v5;
	v8 =	vld [tilespmem:s18+$0xFFFFFE80];
	(erf) = vpow2.f32 v4;
	v4 =	vadd.f32 v7, v10  }
0x71: {  	v3 =	vsub.f32 v3, v0;
	v6 =	vpop (erf)  }
0x72: {  	v2 =	vmul.f32 $1.442695020e+00, v2;
	v7 =	vld [tilespmem:s18+$0xFFFFFF00];
	v4 =	vadd.f32 v6, v4;
	(erf) = vpow2.f32 v5  }
0x73: {  	v5 =	vsub.f32 v9, v0;
	v6 =	vpop (erf)  }
0x74: {  	v3 =	vmul.f32 $1.442695020e+00, v3;
	v9 =	vld [tilespmem:s18+$0xFFFFFF80];
	v4 =	vadd.f32 v6, v4;
	(erf) = vpow2.f32 v2  }
0x75: {  	v2 =	vsub.f32 v8, v0;
	v6 =	vpop (erf)  }
0x76: {  	v5 =	vmul.f32 $1.442695020e+00, v5;
	v8 =	vld [tilespmem:s18+$0x0];
	v4 =	vadd.f32 v6, v4;
	(erf) = vpow2.f32 v3  }
0x77: {  	v3 =	vsub.f32 v7, v0;
	v6 =	vpop (erf)  }
0x78: {  	v7 =	vmul.f32 $1.442695020e+00, v2;
	v10 =	vld [tilespmem:s18+$0x80];
	(erf) = vpow2.f32 v5;
	v4 =	vadd.f32 v6, v4  }
.Ltmp1:
0x79: {  	v5 =	vsub.f32 v9, v0;
	v6 =	vpop (erf);
	(pc) =	sbr.rel @p0 .LBB2_5-.Ltmp1, $4  }
0x7a: {  	v9 =	vmul.f32 $1.442695020e+00, v3;
	v2 =	vld [tilespmem:s18+$0x100];
	(erf) = vpow2.f32 v7;
	v7 =	vadd.f32 v6, v4  }
0x7b: {  	v4 =	vsub.f32 v8, v0;
	v8 =	vpop (erf)  }
0x7c: {  	v6 =	vmul.f32 $1.442695020e+00, v5;
	v3 =	vld [tilespmem:s18+$0x180];
	(erf) = vpow2.f32 v9;
	v7 =	vadd.f32 v8, v7  }
0x7d: {  	s18 =	sadd.s32 $0x800, s18;
	v5 =	vsub.f32 v10, v0;
	v8 =	vpop (erf)  }
0x7e: {  	v4 =	vmul.f32 $1.442695020e+00, v4;
	(erf) = vpow2.f32 v6;
	v50 =	vadd.f32 v8, v7  }
0x7f: {  	v2 =	vsub.f32 v2, v0;
	v51 =	vpop (erf)  }
0x80: {  	v5 =	vmul.f32 $1.442695020e+00, v5;
	(erf) = vpow2.f32 v4;
	v52 =	vadd.f32 v51, v50  }
0x81: {  	v53 =	vsub.f32 v3, v0;
	v54 =	vpop (erf)  }
0x82: {  	v2 =	vmul.f32 $1.442695020e+00, v2;
	(erf) = vpow2.f32 v5;
	v3 =	vadd.f32 v54, v52  }
0x83: {  	v55 =	vpop (erf)  }
0x84: {  	v0 =	vmul.f32 $1.442695020e+00, v53;
	(erf) = vpow2.f32 v2;
	v3 =	vadd.f32 v55, v3  }
0x85: {  	v56 =	vpop (erf)  }
0x86: {  	(erf) = vpow2.f32 v0;
	v2 =	vadd.f32 v56, v3  }
0x87: {  	v57 =	vpop (erf)  }
0x88: {  	v0 =	vadd.f32 v57, v2  }
0x89: {  	v58 =	vpop (erf)  }
0x8a: {  	v0 =	vadd.f32 v58, v0  }
0x8b: {  	v59 =	vpop (erf)  }
0x8c: {  	v0 =	vadd.f32 v59, v0  }
0x8d: {  	v60 =	vpop (erf)  }
0x8e: {  	v62 =	vld [tilespmem:$0x1FFF0];
	v0 =	vadd.f32 v60, v0  }
0x8f: {  	v61 =	vpop (erf)  }
0x90: {  	v0 =	vadd.f32 v61, v0;
	_ =	sdelay $0x1  }
0x91: {  	(erf) = vrcp.f32 v0  }
0x92: {  	vm0 =	vnez.u8 v62  }
0x93: {  	v0 =	vsel vm0, $0x39, v1  }
0x94: {  	v0 =	vsel vm1, $0x3A, v0  }
0x95: {  	s15 =	sadd.s32 $0x1, s15;
	v0 =	vsel vm2, $0x3B, v0  }
0x96: {  	p0 =	sne.s32 s15, $0x10;
	v0 =	vsel vm3, $0x3C, v0  }
.Ltmp2:
0x97: {  	v0 =	vsel vm4, $0x3D, v0;
	(pc) =	sbr.rel @p0 .LBB2_2-.Ltmp2, $4  }
0x98: {  	v0 =	vsel vm5, $0x3E, v0  }
0x99: {  	v0 =	vsel vm6, $0x3F, v0  }
0x9a: {  	[tilespmem:s16+$0x4000] =	vst v0;
	v63 =	vpop (erf)  }
0x9b: {  	s14 =	sadd.s32 $0x80, s14;
	s13 =	sadd.s32 $0x1, s13;
	[tilespmem:s16+$0x4100] =	vst v63  }
0x9c: {  	[hbm4b:s4+s2] =	stream.linear.scatter [tilespmem:s10], [sflag:$0x1], $0x100, $0x38;
	[tilespmem:$0x4200] =	vst v63  }
0x9d: {  	s12 =	sadd.s32 $0x1, s12;
	_ =	swait.ge [sflag:s9], $0x100  }
0x9e: {  	p0 =	sne.s32 s12, s6;
	[sflag:s9] =	ssyncset.done $0x0  }
.Ltmp3:
0x9f: {  	[sflag:s9] =	ssyncadd.s32 $0xFFFFFF00;
	(pc) =	sbr.rel @p0 .LBB2_1-.Ltmp3, $4  }
0xa0: {  	[hbm4b:s5+s2] =	stream.linear.scatter [tilespmem:s11], [sflag:$0x1], $0x100, $0x38;
	[tilespmem:$0x4200] =	vst v63  }
0xa1: {  	_ =	swait.ge [sflag:s9], $0x100  }
0xa2: {  	[sflag:s9] =	ssyncset.done $0x0  }
0xa3: {  	[sflag:s9] =	ssyncadd.s32 $0xFFFFFF00  }
0xa4: {  	_ =	sfence.sel $0x180000  }
0xa5: {  	[bflag:$0x0] =	sbarrier.arrive $0xFFFF  }
0xa6: {  	p0 =	sne.s32 s1, $0x0;
	_ =	strace $0x90000047  }
0xa7: {  	s0 =	sadd.s32 @!p0 $0x100000, s0;
	[bflag:$0x2] =	sbarrier.arrive $0xFFFF  }
0xa8: {  	[sflag:s0] =	ssyncadd.tile.s32 @!p0 $0x1;
	_ =	shalt  }
.Lfunc_end2:
_tile_overlayer_lowered:
.L_overlay_start_2:
0xa9: {  	(tag) =	ssettag $0x2  }
0xaa: {  	s0 =	rddreg [dreg:$0x0];
	s2 =	stileid.u32  }
0xab: {  	s1 =	rddreg [dreg:$0x1];
	p0 =	sne.s32 s2, $0x0  }
0xac: {  	s3 =	rddreg [dreg:$0x2];
	[bflag:$0x3] =	sbarrier.arrive $0xFFFF;
	s2 =	simm.s32 @!p0 $0x1C01  }
0xad: {  	[timem:s3], [sflag:s2] =	dma.local @!p0 [hbm:s0], s1  }
0xae: {  	s0 =	simm.s32 @!p0 $0x1  }
0xaf: {  	_ =	swait.ge @!p0 [sflag:s0], s1  }
0xb0: {  	s1 =	ssub.s32 @!p0 $0x0, s1;
	[sflag:s0] =	ssyncset.done @!p0 $0x0  }
0xb1: {  	[sflag:s0] =	ssyncadd.s32 @!p0 s1  }
0xb2: {  	[bflag:$0x3] =	sbarrier.arrive $0xFFFF  }
0xb3: {  	_ =	shalt  }

// kernel: kernel.13.cloned.1.call-start
scs
__scs_entry_jumppad:
0x0: {  	(pc) =	sbr.rel $0x88, $3  }
0x1: {  	(tag) =	ssettag $0x0;
	lr =	simm.s32 $0x1  }
0x2: {  	[smem:$0x3F9F] =	sst lr;
	_ =	strace $0xD0000000  }
0x3: {  	_ = 	snop  }
0x4: {  	_ = 	snop  }
0x5: {  	_ = 	snop  }
0x6: {  	_ = 	snop  }
0x7: {  	_ = 	snop  }
__scs_overlays_trampoline_lowered:
0x8: {  	[smem:$0x3FAE] =	sst s0  }
0x9: {  	[smem:$0x3FAF] =	sst s1  }
0xa: {  	[smem:$0x3FB0] =	sst s2  }
0xb: {  	[smem:$0x3FB1] =	sst s3  }
0xc: {  	[smem:$0x3FB2] =	sst s4  }
0xd: {  	[smem:$0x3FB3] =	sst s5  }
0xe: {  	[smem:$0x3FB4] =	sst s6  }
0xf: {  	[smem:$0x3FB5] =	sst s7  }
0x10: {  	[smem:$0x3FB6] =	sst s8  }
0x11: {  	[smem:$0x3FB7] =	sst s9;
	s0 =	simm.s32 @!p0 $0x0  }
0x12: {  	s1 =	sld [smem:$0x3F9D];
	s0 =	simm.s32 @p0 $0x1  }
0x13: {  	[smem:$0x3FB8] =	sst s0;
	s0 =	simm.s32 @!p1 $0x0  }
0x14: {  	s2 =	sld [smem:$0x3F9C];
	s0 =	simm.s32 @p1 $0x1  }
0x15: {  	[smem:$0x3FB9] =	sst s0;
	s0 =	simm.s32 @!p2 $0x0  }
0x16: {  	s3 =	sld [smem:$0x3FDB];
	s0 =	simm.s32 @p2 $0x1  }
0x17: {  	s4 =	simm.s32 $0x1BF5;
	[smem:$0x3FBB] =	sst s0  }
0x18: {  	s0 =	sld [smem:$0x3F9E];
	_ =	swait.ge [sflag:s4], $0x0  }
0x19: {  	s7 =	sld [smem:$0x3F9F]  }
0x1a: {  	s8 =	sadd.s32 $0xFFFFE003, lr  }
0x1b: {  	s9 =	sadd.s32 $0xFFFFFEF7, lr;
	s5 =	simm.s32 $0xFFFFFFFF;
	p2 =	slt.u32 s8, $0xFFFFF086  }
0x1c: {  	p1 =	slt.u32 s9, $0xF7A;
	s5 =	simm.s32 @!p2 $0x0  }
0x1d: {  	s5 =	simm.s32 @p1 $0x1;
	p0 =	seq.s32 s7, s2  }
0x1e: {  	s7 =	smul.u32 @!p0 $0xF7A, s2;
	p2 =	seq.s32 @!p0 s5, $0x0  }
0x1f: {  	s9 =	smul.u32 $0xF7A, s1;
	s8 =	simm.s32 @!p0 $0x1BF5;
	p2 =	por !p2, p0  }
0x20: {  	[sflag:s8] =	ssyncset.s32 @!p0 $0xFFFFF086;
	s6 =	sadd.s32 @!p0 s3, s7;
	s7 =	simm.s32 @!p0 $0x108  }
0x21: {  	s3 =	sadd.s32 s3, s9;
	s6 =	sadd.s32 @!p0 $0x88, s6;
	s7 =	simm.s32 @p2 $0x1082  }
0x22: {  	[simem:s7], [sflag:s8] =	dma.local @!p0 [hbm:s6], $0xF7A  }
0x23: {  	s9 =	sor.u32 $0xD0000000, s2;
	s6 =	simm.s32 $0x108;
	_ =	swait.ge @!p0 [sflag:s8], $0x0  }
0x24: {  	s3 =	sadd.s32 $0x88, s3;
	s6 =	simm.s32 @!p1 $0x1082;
	[sflag:s4] =	ssyncset.s32 $0xFFFFF086  }
0x25: {  	[simem:s6], [sflag:s4] =	dma.local [hbm:s3], $0xF7A  }
0x26: {  	[smem:$0x3F9F] =	sst s1;
	(tag) =	ssettag s2;
	_ =	strace s9  }
0x27: {  	s1 =	sld [smem:$0x3FAF]  }
0x28: {  	s2 =	sld [smem:$0x3FB0]  }
0x29: {  	s4 =	sld [smem:$0x3FB2]  }
0x2a: {  	p0 =	seq.s32 s5, $0x0;
	s5 =	sld [smem:$0x3FB3]  }
0x2b: {  	s6 =	sld [smem:$0x3FB4]  }
0x2c: {  	s7 =	sld [smem:$0x3FB5]  }
0x2d: {  	s3 =	simm.s32 $0x108;
	s8 =	sld [smem:$0x3FB6]  }
0x2e: {  	s3 =	simm.s32 @!p0 $0x1082;
	s9 =	sld [smem:$0x3FB7]  }
0x2f: {  	lr =	sadd.s32 s0, s3;
	s0 =	sld [smem:$0x3FAE]  }
0x30: {  	s3 =	sld [smem:$0x3FB1]  }
0x31: {  	[smem:$0x3FBA] =	sst s10  }
0x32: {  	s10 =	sld [smem:$0x3FB8];
	_ =	sdelay $0x3  }
0x33: {  	p0 =	seq.s32 s10, $0x1;
	s10 =	sld [smem:$0x3FBA];
	_ =	sdelay $0x3  }
0x34: {  	[smem:$0x3FBA] =	sst s10  }
0x35: {  	s10 =	sld [smem:$0x3FB9];
	_ =	sdelay $0x3  }
0x36: {  	p1 =	seq.s32 s10, $0x1;
	s10 =	sld [smem:$0x3FBA];
	_ =	sdelay $0x3  }
0x37: {  	[smem:$0x3FBA] =	sst s10  }
0x38: {  	s10 =	sld [smem:$0x3FBB]  }
0x39: {  	_ = 	snop;
	(pc) =	sbr.ind lr, $3  }
0x3a: {  	_ = 	snop  }
0x3b: {  	_ = 	snop  }
0x3c: {  	p2 =	seq.s32 s10, $0x1;
	s10 =	sld [smem:$0x3FBA]  }
0x3d: {  	_ =	shalt  }
0x3e: {  	_ =	shalt  }
0x3f: {  	_ =	shalt  }
0x40: {  	_ =	shalt  }
0x41: {  	_ =	shalt  }
0x42: {  	_ =	shalt  }
0x43: {  	_ =	shalt  }
0x44: {  	_ =	shalt  }
0x45: {  	_ =	shalt  }
0x46: {  	_ =	shalt  }
0x47: {  	_ =	shalt  }
0x48: {  	_ =	shalt  }
0x49: {  	_ =	shalt  }
0x4a: {  	_ =	shalt  }
0x4b: {  	_ =	shalt  }
0x4c: {  	_ =	shalt  }
0x4d: {  	_ =	shalt  }
0x4e: {  	_ =	shalt  }
0x4f: {  	_ =	shalt  }
0x50: {  	_ =	shalt  }
0x51: {  	_ =	shalt  }
0x52: {  	_ =	shalt  }
0x53: {  	_ =	shalt  }
0x54: {  	_ =	shalt  }
0x55: {  	_ =	shalt  }
0x56: {  	_ =	shalt  }
0x57: {  	_ =	shalt  }
0x58: {  	_ =	shalt  }
0x59: {  	_ =	shalt  }
0x5a: {  	_ =	shalt  }
0x5b: {  	_ =	shalt  }
0x5c: {  	_ =	shalt  }
0x5d: {  	_ =	shalt  }
0x5e: {  	_ =	shalt  }
0x5f: {  	_ =	shalt  }
0x60: {  	_ =	shalt  }
0x61: {  	_ =	shalt  }
0x62: {  	_ =	shalt  }
0x63: {  	_ =	shalt  }
0x64: {  	_ =	shalt  }
0x65: {  	_ =	shalt  }
0x66: {  	_ =	shalt  }
0x67: {  	_ =	shalt  }
0x68: {  	_ =	shalt  }
0x69: {  	_ =	shalt  }
0x6a: {  	_ =	shalt  }
0x6b: {  	_ =	shalt  }
0x6c: {  	_ =	shalt  }
0x6d: {  	_ =	shalt  }
0x6e: {  	_ =	shalt  }
0x6f: {  	_ =	shalt  }
0x70: {  	_ =	shalt  }
0x71: {  	_ =	shalt  }
0x72: {  	_ =	shalt  }
0x73: {  	_ =	shalt  }
0x74: {  	_ =	shalt  }
0x75: {  	_ =	shalt  }
0x76: {  	_ =	shalt  }
0x77: {  	_ =	shalt  }
0x78: {  	_ =	shalt  }
0x79: {  	_ =	shalt  }
0x7a: {  	_ =	shalt  }
0x7b: {  	_ =	shalt  }
0x7c: {  	_ =	shalt  }
0x7d: {  	_ =	shalt  }
0x7e: {  	_ =	shalt  }
0x7f: {  	_ =	shalt  }
0x80: {  	_ =	shalt  }
0x81: {  	_ =	shalt  }
0x82: {  	_ =	shalt  }
0x83: {  	_ =	shalt  }
0x84: {  	_ =	shalt  }
0x85: {  	_ =	shalt  }
0x86: {  	_ =	shalt  }
0x87: {  	_ =	shalt  }
.Lfunc_end0:
.L_simem_size_0:
called_computation.1_lowered:
.L_overlay_start_0:
0x88: {  	s2 =	sld [smem:$0x3FD9]  }
0x89: {  	s3 =	sld [smem:$0x3FFE];
	_ =	sdelay $0x1  }
0x8a: {  	s1 =	srdreg.scid  }
0x8b: {  	s0 =	sand.u32 $0x1, s1  }
0x8c: {  	s17 =	sshll.u32 s0, $0xA;
	s2 =	sadd.s32 s3, s2  }
0x8d: {  	s2 =	sadd.s32 s2, s17  }
0x8e: {  	[smem:$0x3FC6] =	sst s2  }
0x8f: {  	_ = 	snop  }
0x90: {  	(tm) =	ssettm $0x1  }
0x91: {  	s18 =	sld [smem:$0x3FFB];
	_ =	sdelay $0x3  }
0x92: {  	_ =	strace s18  }
0x93: {  	s2 =	sld [smem:$0x3FFC];
	_ =	sdelay $0x3  }
0x94: {  	_ =	strace s2  }
0x95: {  	s2 =	sld [smem:$0x3FFD];
	_ =	sdelay $0x3  }
0x96: {  	_ =	strace s2  }
0x97: {  	_ =	strace $0x8FFFFFFF  }
0x98: {  	s19 =	sld [smem:$0x3FDB];
	_ =	sdelay $0x1  }
0x99: {  	s20 =	simm.s32 $_scs_section_size  }
0x9a: {  	s4 =	simm.s32 $_size__tile_overlayer_lowered;
	s5 =	simm.s32 $_tile_overlayer_lowered  }
0x9b: {  	s6 =	simm.s32 $0x1BFF;
	s21 =	sshll.u32 s5, $0x1;
	s3 =	sadd.s32 s20, s19  }
0x9c: {  	s22 =	simm.s32 $0x0;
	s4 =	sshll.u32 s4, $0x1;
	s5 =	sadd.s32 s21, s3  }
0x9d: {  	[timem:s22], [sflag:s6] =	dma.local [hbm:s5], s4  }
0x9e: {  	_ =	swait.ge [sflag:s6], s4  }
0x9f: {  	s4 =	ssub.s32 $0x0, s4;
	[sflag:s6] =	ssyncset.done $0x0  }
0xa0: {  	[sflag:s6] =	ssyncadd.s32 s4;
	_ =	sdelay $0x1  }
0xa1: {  	s23 =	simm.s32 $0x1B8B  }
0xa2: {  	_ =	swait.ge [sflag:s23], $0x1  }
0xa3: {  	[sflag:s23] =	ssyncset.done $0x0  }
0xa4: {  	[sflag:s23] =	ssyncadd.s32 $0xFFFFFFFF  }
0xa5: {  	s4 =	sld [smem:$0x0]  }
0xa6: {  	s5 =	sand.u32 $0xFFFFFFFE, s1  }
0xa7: {  	p0 =	sne.s32 s1, s5  }
0xa8: {  	s5 =	sshll.u32 @p0 s5, $0xE  }
0xa9: {  	s5 =	sadd.s32 @p0 $0x11B8D, s5;
	s6 =	sshll.u32 @p0 s4, $0x11  }
0xaa: {  	s5 =	sor.u32 @p0 s6, s5  }
0xab: {  	[sflag:s5] =	ssyncadd.remote.s32 @p0 $0x1;
	_ =	sdelay $0x1  }
0xac: {  	s5 =	simm.s32 @p0 $0x1B8D  }
0xad: {  	_ =	swait.eq @p0 [sflag:s5], $0x1  }
0xae: {  	[sflag:s5] =	ssyncadd.s32 @p0 $0xFFFFFFFF  }
0xaf: {  	s6 =	sshll.u32 @!p0 s1, $0xE  }
0xb0: {  	s6 =	sor.u32 @!p0 $0x4000, s6;
	s5 =	simm.s32 @!p0 $0x1B8D  }
0xb1: {  	s4 =	sshll.u32 @!p0 s4, $0x11;
	s6 =	sadd.s32 @!p0 $0x11B8D, s6;
	_ =	swait.eq @!p0 [sflag:s5], $0x1  }
0xb2: {  	s4 =	sor.u32 @!p0 s4, s6;
	[sflag:s5] =	ssyncadd.s32 @!p0 $0xFFFFFFFF  }
0xb3: {  	s25 =	simm.s32 $0x1B8E;
	s24 =	sld [smem:$0x3FFE];
	[sflag:s4] =	ssyncadd.remote.s32 @!p0 $0x1  }
0xb4: {  	s26 =	simm.s32 $execute0_lowered;
	[smem:$0x3FD2] =	sst s25  }
0xb5: {  	s5 =	sshll.u32 s26, $0x1;
	_ =	strace $0x80000049;
	[dreg:$0x1] =	wrdreg $0xFFFFFFFF  }
0xb6: {  	s28 =	simm.s32 $_size_execute0_lowered;
	s3 =	sadd.s32 s3, s5;
	[dreg:$0x0] =	wrdreg $0x0  }
0xb7: {  	s5 =	sshll.u32 s28, $0x1;
	[dreg:$0x2] =	wrdreg s3  }
0xb8: {  	[dreg:$0x3] =	wrdreg s5  }
0xb9: {  	[dreg:$0x4] =	wrdreg $0xC0  }
0xba: {  	_ =	task [dreg:s22], $0x5FFFF  }
0xbb: {  	[dreg:$0x1] =	wrdreg $0xFFFFFFFF  }
0xbc: {  	[dreg:$0x0] =	wrdreg $0x60  }
0xbd: {  	[dreg:$0x2] =	wrdreg s24  }
0xbe: {  	[dreg:$0x3] =	wrdreg $0xA  }
0xbf: {  	_ =	task.clear_ibuf [dreg:s22], $0x4FFFF;
	_ =	strace $0x90000049  }
0xc0: {  	s29 =	simm.s32 $0xA;
	_ =	strace $0x8000004B  }
0xc1: {  	_ =	swait.ge [sflag:s29], $0x1  }
0xc2: {  	[sflag:s29] =	ssyncadd.s32 $0xFFFFFFFF  }
0xc3: {  	_ =	strace $0x9000004B  }
0xc4: {  	_ =	sfence  }
0xc5: {  	s30 =	sld [smem:$0x0];
	_ =	sdelay $0x2  }
0xc6: {  	s31 =	sshll.u32 s1, $0xD;
	s1 =	sshrl.u32 s1, $0x2  }
0xc7: {  	s4 =	sand.u32 $0x4000, s31;
	s1 =	sadd.s32 s1, s30  }
0xc8: {  	s0 =	sor.u32 s4, s0;
	s1 =	sshll.u32 s1, $0x11  }
0xc9: {  	s0 =	sor.u32 s1, s0  }
0xca: {  	s0 =	sadd.s32 $0x8F2B, s0  }
0xcb: {  	[sflag:s0] =	ssyncadd.remote.s32 $0x1  }
0xcc: {  	_ =	sfence.sel $0xFFFF  }
0xcd: {  	[dreg:$0x0] =	wrdreg $0xFFFFFFFF;
	(pc) =	sbr.abs _section_cstart, $3  }
0xce: {  	[dreg:$0x1] =	wrdreg $0xFFFFFFFF  }
0xcf: {  	_ =	task.clear_ibuf [dreg:s22], $0x2FFFF;
	_ =	strace $0x9FFFFFFF  }
0xd0: {  	(tm) =	ssettm $0x7FFFFFFF  }
0xd1: {  	_ =	shalt  }
tec
execute0_lowered:
.L_overlay_start_1:
0x0: {  	(tag) =	ssettag $0x1  }
0x1: {  	s3 =	rddreg [dreg:$0x0]  }
0x2: {  	s0 =	rddreg [dreg:$0x1];
	s4 =	srdreg.scid  }
0x3: {  	s2 =	simm.s32 $0x0;
	s1 =	stileid.u32;
	s8 =	simm.s32 $0x10000  }
0x4: {  	s9 =	simm.s32 $0x1;
	s10 =	simm.s32 $0x4000;
	s11 =	simm.s32 $0x4100  }
0x5: {  	s12 =	simm.s32 $0x0;
	s4 =	sand.u32 $0x1, s4;
	[smem:$0x7FF] =	sst s2  }
0x6: {  	s5 =	sshll.u32 s1, $0x9;
	s6 =	sshll.u32 s4, $0x8;
	s4 =	ssub.s32 $0x2, s4  }
0x7: {  	_ =	strace $0x8000004A;
	s5 =	sor.u32 s6, s5;
	s7 =	sshrl.u32 s4, $0x1  }
0x8: {  	s6 =	sadd.s32 s5, s3;
	s5 =	sshrl.u32 s5, $0x3;
	s7 =	ssub.s32 s4, s7  }
0x9: {  	s5 =	sadd.s32 s5, s3;
	s3 =	sadd.s32 $0x13200, s6;
	s6 =	smax.u32 s7, $0x1  }
0xa: {  	s7 =	simm.s32 $0x800;
	s4 =	sadd.s32 $0x23200, s5;
	s5 =	sadd.s32 $0x23600, s5  }
.LBB2_1:
0xb: {  	[tilespmem:s2], [sflag:$0x1] =	stream.strided.gather [hbm4b:s3+s7], $0x4000, s8, s7, $0x38;
	[tilespmem:$0x4200] =	vst v63  }
0xc: {  	_ =	swait.ge [sflag:s9], $0x4000  }
0xd: {  	s13 =	simm.s32 $0x0;
	[sflag:s9] =	ssyncset.done $0x0  }
0xe: {  	s14 =	simm.s32 $0x0;
	s15 =	simm.s32 $0x0;
	[sflag:s9] =	ssyncadd.s32 $0xFFFFC000  }
.LBB2_2:
0xf: {  	s16 =	sshll.u32 s14, $0x2;
	s25 =	sand.u32 $0x7, s13;
	s19 =	sshll.u32 s15, $0x7  }
0x10: {  	s17 =	sand.u32 $0xFFFFF000, s16;
	s18 =	sshll.u32 s25, $0x6;
	s16 =	sshll.u32 s15, $0x4  }
0x11: {  	s21 =	sand.u32 $0x400, s19;
	s17 =	sor.u32 s18, s17;
	s20 =	sand.u32 $0x70, s16  }
0x12: {  	s17 =	sshrl.u32 s17, $0x2;
	s26 =	sor.u32 s20, s21  }
0x13: {  	s28 =	sadd.s32 $0x800, s17;
	v0 =	vld [tilespmem:s26+$0x0]  }
0x14: {  	v1 =	vld [tilespmem:s28+$0xFFFFF880];
	_ =	sdelay $0x1  }
0x15: {  	v2 =	vld [tilespmem:s28+$0xFFFFF900];
	_ =	sdelay $0x1  }
0x16: {  	v3 =	vld [tilespmem:s28+$0xFFFFF980]  }
0x17: {  	vm0 =	vgt.f32 v1, v0  }
0x18: {  	v0 =	vsel vm0, v1, v0;
	v1 =	vld [tilespmem:s28+$0xFFFFFA00]  }
0x19: {  	vm1 =	vgt.f32 v2, v0  }
0x1a: {  	v4 =	vld [tilespmem:s28+$0xFFFFFA80];
	v0 =	vsel vm1, v2, v0  }
0x1b: {  	s18 =	simm.s32 $0x1;
	v2 =	vimm.s32 $0x0;
	vm2 =	vgt.f32 v3, v0  }
0x1c: {  	s22 =	simm.s32 $0x2;
	v5 =	vld [tilespmem:s28+$0xFFFFFB00];
	v2 =	vsel vm0, s18, v2;
	v0 =	vsel vm2, v3, v0  }
0x1d: {  	s29 =	simm.s32 $0x3;
	v2 =	vsel vm1, s22, v2;
	vm13 =	vgt.f32 v1, v0  }
0x1e: {  	v0 =	vsel vm13, v1, v0;
	v1 =	vsel vm2, s29, v2;
	v2 =	vld [tilespmem:s28+$0xFFFFFB80]  }
0x1f: {  	s30 =	simm.s32 $0x4;
	vm14 =	vgt.f32 v4, v0  }
0x20: {  	s31 =	simm.s32 $0x5;
	v1 =	vsel vm13, s30, v1;
	v4 =	vsel vm14, v4, v0;
	v0 =	vld [tilespmem:s28+$0x0]  }
0x21: {  	s24 =	simm.s32 $0x6;
	s22 =	sadd.s32 $0x800, s28;
	v1 =	vsel vm14, s31, v1;
	vm15 =	vgt.f32 v5, v4  }
0x22: {  	s23 =	simm.s32 $0x11;
	s19 =	sor.u32 $0x200, s17;
	s17 =	simm.s32 $0x9;
	v3 =	vld [tilespmem:s22+$0xFFFFF880];
	v4 =	vsel vm15, v5, v4;
	v1 =	vsel vm15, s24, v1  }
.LBB2_3:
0x23: {  	p0 =	slt.u32 s23, $0x31;
	vm0 =	vgt.f32 v2, v4;
	s24 =	sadd.s32 $0x6, s18  }
0x24: {  	v5 =	vld [tilespmem:s22+$0xFFFFF900];
	v2 =	vsel vm0, v2, v4;
	v1 =	vsel vm0, s24, v1  }
0x25: {  	s24 =	sadd.s32 $0x7, s18;
	s18 =	smov.u32 s17;
	s17 =	smov.u32 s23;
	vm0 =	vgt.f32 v0, v2  }
0x26: {  	v4 =	vld [tilespmem:s22+$0xFFFFF980];
	v0 =	vsel vm0, v0, v2;
	v1 =	vsel vm0, s24, v1  }
0x27: {  	vm0 =	vgt.f32 v3, v0  }
0x28: {  	v0 =	vsel vm0, v3, v0;
	v1 =	vsel vm0, s18, v1;
	v2 =	vld [tilespmem:s22+$0xFFFFFA00]  }
0x29: {  	s24 =	sadd.s32 $0x1, s18;
	vm0 =	vgt.f32 v5, v0  }
0x2a: {  	v0 =	vsel vm0, v5, v0;
	v1 =	vsel vm0, s24, v1;
	v3 =	vld [tilespmem:s22+$0xFFFFFA80]  }
0x2b: {  	s24 =	sadd.s32 $0x2, s18;
	vm0 =	vgt.f32 v4, v0  }
0x2c: {  	v0 =	vsel vm0, v4, v0;
	v1 =	vsel vm0, s24, v1;
	v4 =	vld [tilespmem:s22+$0xFFFFFB00]  }
0x2d: {  	s24 =	sadd.s32 $0x3, s18;
	vm0 =	vgt.f32 v2, v0  }
.Ltmp0:
0x2e: {  	v0 =	vsel vm0, v2, v0;
	v1 =	vsel vm0, s24, v1;
	v2 =	vld [tilespmem:s22+$0xFFFFFB80];
	(pc) =	sbr.rel @p0 .LBB2_3-.Ltmp0, $4  }
0x2f: {  	s24 =	sadd.s32 $0x4, s18;
	vm0 =	vgt.f32 v3, v0  }
0x30: {  	v5 =	vsel vm0, v3, v0;
	v1 =	vsel vm0, s24, v1;
	v0 =	vld [tilespmem:s22+$0x0]  }
0x31: {  	s24 =	sadd.s32 $0x5, s18;
	s22 =	sadd.s32 $0x800, s22;
	vm0 =	vgt.f32 v4, v5  }
0x32: {  	s23 =	sadd.s32 $0x8, s23;
	v3 =	vld [tilespmem:s22+$0xFFFFF880];
	v4 =	vsel vm0, v4, v5;
	v1 =	vsel vm0, s24, v1  }
0x33: {  	vm0 =	vgt.f32 v2, v4  }
0x34: {  	v5 =	vld [tilespmem:s22+$0xFFFFF900];
	v2 =	vsel vm0, v2, v4  }
0x35: {  	vm14 =	vgt.f32 v0, v2  }
0x36: {  	v4 =	vld [tilespmem:s22+$0xFFFFF980];
	v0 =	vsel vm14, v0, v2  }
0x37: {  	vm15 =	vgt.f32 v3, v0  }
0x38: {  	v2 =	vld [tilespmem:s22+$0xFFFFFA00];
	v0 =	vsel vm15, v3, v0  }
0x39: {  	vm13 =	vgt.f32 v5, v0  }
0x3a: {  	v3 =	vld [tilespmem:s22+$0xFFFFFA80];
	v0 =	vsel vm13, v5, v0  }
0x3b: {  	vm12 =	vgt.f32 v4, v0  }
0x3c: {  	v0 =	vsel vm12, v4, v0;
	v4 =	vld [tilespmem:s22+$0xFFFFFB00]  }
0x3d: {  	vm11 =	vgt.f32 v2, v0  }
0x3e: {  	v0 =	vsel vm11, v2, v0;
	v2 =	vld [tilespmem:s22+$0xFFFFFB80]  }
0x3f: {  	vm10 =	vgt.f32 v3, v0  }
0x40: {  	v0 =	vsel vm10, v3, v0;
	v3 =	vld [tilespmem:s22+$0x0]  }
0x41: {  	s20 =	sadd.s32 s20, s21;
	vm9 =	vgt.f32 v4, v0  }
0x42: {  	v0 =	vsel vm9, v4, v0;
	v4 =	vld [tilespmem:s20+$0x3880]  }
0x43: {  	vm8 =	vgt.f32 v2, v0  }
0x44: {  	v0 =	vsel vm8, v2, v0;
	v2 =	vld [tilespmem:s20+$0x3900]  }
0x45: {  	vm7 =	vgt.f32 v3, v0  }
0x46: {  	v0 =	vsel vm7, v3, v0;
	v3 =	vld [tilespmem:s20+$0x3980]  }
0x47: {  	vm1 =	vgt.f32 v4, v0  }
0x48: {  	v5 =	vimm.s32 $0x0;
	v0 =	vsel vm1, v4, v0;
	v4 =	vld [tilespmem:s20+$0x3A00]  }
0x49: {  	v5 =	vsel vm1, $0xFFFFFFFF, v5;
	vm1 =	vgt.f32 v2, v0  }
0x4a: {  	v0 =	vsel vm1, v2, v0;
	v2 =	vld [tilespmem:s20+$0x3A80]  }
0x4b: {  	vm2 =	vgt.f32 v3, v0  }
0x4c: {  	v0 =	vsel vm2, v3, v0;
	v3 =	vld [tilespmem:s20+$0x3B00]  }
0x4d: {  	vm3 =	vgt.f32 v4, v0  }
0x4e: {  	v0 =	vsel vm3, v4, v0;
	v4 =	vld [tilespmem:s20+$0x3B80]  }
0x4f: {  	vm4 =	vgt.f32 v2, v0  }
0x50: {  	v0 =	vsel vm4, v2, v0;
	v2 =	vld [tilespmem:s19+$0xFFFFFE00]  }
0x51: {  	vm5 =	vgt.f32 v3, v0  }
0x52: {  	v0 =	vsel vm5, v3, v0;
	v3 =	vld [tilespmem:s19+$0xFFFFFE80]  }
0x53: {  	vm6 =	vgt.f32 v4, v0  }
0x54: {  	v0 =	vsel vm6, v4, v0;
	v4 =	vld [tilespmem:s19+$0xFFFFFF00]  }
0x55: {  	v2 =	vsub.f32 v2, v0  }
0x56: {  	[tilespmem:$0x1FFF0] =	vst v5;
	v5 =	vld [tilespmem:s19+$0xFFFFFF80]  }
0x57: {  	v3 =	vsub.f32 v3, v0;
	v2 =	vmul.f32 $1.442695020e+00, v2  }
0x58: {  	v6 =	vld [tilespmem:s19+$0x0]  }
0x59: {  	v4 =	vsub.f32 v4, v0;
	v3 =	vmul.f32 $1.442695020e+00, v3;
	(erf) = vpow2.f32 v2;
	v2 =	vld [tilespmem:s19+$0x80];
	_ =	sdelay $0x1  }
0x5a: {  	v5 =	vsub.f32 v5, v0;
	v4 =	vmul.f32 $1.442695020e+00, v4;
	(erf) = vpow2.f32 v3;
	v3 =	vld [tilespmem:s19+$0x100];
	_ =	sdelay $0x1  }
0x5b: {  	v5 =	vmul.f32 $1.442695020e+00, v5;
	(erf) = vpow2.f32 v4;
	v4 =	vsub.f32 v6, v0  }
0x5c: {  	v2 =	vsub.f32 v2, v0  }
0x5d: {  	(erf) = vpow2.f32 v5;
	v5 =	vld [tilespmem:s19+$0x180];
	v4 =	vmul.f32 $1.442695020e+00, v4  }
0x5e: {  	s21 =	sadd.s32 $0x6, s18;
	s24 =	sadd.s32 $0x800, s19;
	v3 =	vsub.f32 v3, v0;
	v2 =	vmul.f32 $1.442695020e+00, v2  }
0x5f: {  	v1 =	vsel vm0, s21, v1;
	s22 =	sadd.s32 $0x7, s18;
	v6 =	vld [tilespmem:s24+$0xFFFFFE00];
	(erf) = vpow2.f32 v4  }
0x60: {  	v1 =	vsel vm14, s22, v1;
	v3 =	vmul.f32 $1.442695020e+00, v3;
	(erf) = vpow2.f32 v2;
	v2 =	vld [tilespmem:s24+$0xFFFFFE80]  }
0x61: {  	v1 =	vsel vm15, s17, v1;
	v4 =	vimm.f32 $0.0e+00;
	v7 =	vpop (erf)  }
0x62: {  	s23 =	sadd.s32 $0x1, s17;
	v4 =	vadd.f32 v7, v4;
	v5 =	vsub.f32 v5, v0;
	(erf) = vpow2.f32 v3;
	v3 =	vld [tilespmem:s24+$0xFFFFFF00]  }
0x63: {  	v1 =	vsel vm13, s23, v1;
	v7 =	vpop (erf)  }
0x64: {  	s25 =	sadd.s32 $0x2, s17;
	v6 =	vsub.f32 v6, v0;
	v4 =	vadd.f32 v7, v4;
	v5 =	vmul.f32 $1.442695020e+00, v5  }
0x65: {  	v1 =	vsel vm12, s25, v1;
	v7 =	vld [tilespmem:s24+$0xFFFFFF80];
	v8 =	vpop (erf);
	v2 =	vsub.f32 v2, v0  }
0x66: {  	s26 =	sadd.s32 $0x3, s17;
	v9 =	vld [tilespmem:s24+$0x0];
	v6 =	vmul.f32 $1.442695020e+00, v6;
	v4 =	vadd.f32 v8, v4;
	v8 =	vpop (erf);
	(erf) = vpow2.f32 v5  }
0x67: {  	s28 =	sadd.s32 $0x4, s17;
	v1 =	vsel vm11, s26, v1;
	v3 =	vsub.f32 v3, v0;
	v5 =	vmul.f32 $1.442695020e+00, v2  }
0x68: {  	s29 =	sadd.s32 $0x5, s17;
	v10 =	vld [tilespmem:s24+$0x80];
	v1 =	vsel vm10, s28, v1;
	(erf) = vpow2.f32 v6;
	v4 =	vadd.f32 v8, v4  }
0x69: {  	v1 =	vsel vm9, s29, v1;
	v2 =	vpop (erf);
	v8 =	vmul.f32 $1.442695020e+00, v3  }
0x6a: {  	s30 =	sadd.s32 $0x6, s17;
	v7 =	vsub.f32 v7, v0;
	(erf) = vpow2.f32 v5;
	v11 =	vadd.f32 v2, v4;
	v2 =	vld [tilespmem:s24+$0x100]  }
0x6b: {  	v1 =	vsel vm8, s30, v1;
	v4 =	vsub.f32 v9, v0;
	v5 =	vpop (erf)  }
0x6c: {  	s31 =	sadd.s32 $0x7, s17;
	v3 =	vld [tilespmem:s24+$0x180];
	v6 =	vmul.f32 $1.442695020e+00, v7;
	(erf) = vpow2.f32 v8;
	v7 =	vadd.f32 v5, v11  }
0x6d: {  	s18 =	sadd.s32 $0x800, s24;
	s17 =	simm.s32 $0x8;
	v1 =	vsel vm7, s31, v1;
	v5 =	vsub.f32 v10, v0;
	v8 =	vpop (erf)  }
.LBB2_5:
0x6e: {  	v9 =	vld [tilespmem:s18+$0xFFFFFE00];
	v4 =	vmul.f32 $1.442695020e+00, v4;
	(erf) = vpow2.f32 v6;
	v10 =	vadd.f32 v8, v7  }
0x6f: {  	s17 =	sadd.s32 $0x8, s17;
	v2 =	vsub.f32 v2, v0;
	v7 =	vpop (erf)  }
0x70: {  	p0 =	slt.u32 s17, $0x38;
	v5 =	vmul.f32 $1.442695020e+00, v5;
	v8 =	vld [tilespmem:s18+$0xFFFFFE80];
	(erf) = vpow2.f32 v4;
	v4 =	vadd.f32 v7, v10  }
0x71: {  	v3 =	vsub.f32 v3, v0;
	v6 =	vpop (erf)  }
0x72: {  	v2 =	vmul.f32 $1.442695020e+00, v2;
	v7 =	vld [tilespmem:s18+$0xFFFFFF00];
	v4 =	vadd.f32 v6, v4;
	(erf) = vpow2.f32 v5  }
0x73: {  	v5 =	vsub.f32 v9, v0;
	v6 =	vpop (erf)  }
0x74: {  	v3 =	vmul.f32 $1.442695020e+00, v3;
	v9 =	vld [tilespmem:s18+$0xFFFFFF80];
	v4 =	vadd.f32 v6, v4;
	(erf) = vpow2.f32 v2  }
0x75: {  	v2 =	vsub.f32 v8, v0;
	v6 =	vpop (erf)  }
0x76: {  	v5 =	vmul.f32 $1.442695020e+00, v5;
	v8 =	vld [tilespmem:s18+$0x0];
	v4 =	vadd.f32 v6, v4;
	(erf) = vpow2.f32 v3  }
0x77: {  	v3 =	vsub.f32 v7, v0;
	v6 =	vpop (erf)  }
0x78: {  	v7 =	vmul.f32 $1.442695020e+00, v2;
	v10 =	vld [tilespmem:s18+$0x80];
	(erf) = vpow2.f32 v5;
	v4 =	vadd.f32 v6, v4  }
.Ltmp1:
0x79: {  	v5 =	vsub.f32 v9, v0;
	v6 =	vpop (erf);
	(pc) =	sbr.rel @p0 .LBB2_5-.Ltmp1, $4  }
0x7a: {  	v9 =	vmul.f32 $1.442695020e+00, v3;
	v2 =	vld [tilespmem:s18+$0x100];
	(erf) = vpow2.f32 v7;
	v7 =	vadd.f32 v6, v4  }
0x7b: {  	v4 =	vsub.f32 v8, v0;
	v8 =	vpop (erf)  }
0x7c: {  	v6 =	vmul.f32 $1.442695020e+00, v5;
	v3 =	vld [tilespmem:s18+$0x180];
	(erf) = vpow2.f32 v9;
	v7 =	vadd.f32 v8, v7  }
0x7d: {  	s18 =	sadd.s32 $0x800, s18;
	v5 =	vsub.f32 v10, v0;
	v8 =	vpop (erf)  }
0x7e: {  	v4 =	vmul.f32 $1.442695020e+00, v4;
	(erf) = vpow2.f32 v6;
	v50 =	vadd.f32 v8, v7  }
0x7f: {  	v2 =	vsub.f32 v2, v0;
	v51 =	vpop (erf)  }
0x80: {  	v5 =	vmul.f32 $1.442695020e+00, v5;
	(erf) = vpow2.f32 v4;
	v52 =	vadd.f32 v51, v50  }
0x81: {  	v53 =	vsub.f32 v3, v0;
	v54 =	vpop (erf)  }
0x82: {  	v2 =	vmul.f32 $1.442695020e+00, v2;
	(erf) = vpow2.f32 v5;
	v3 =	vadd.f32 v54, v52  }
0x83: {  	v55 =	vpop (erf)  }
0x84: {  	v0 =	vmul.f32 $1.442695020e+00, v53;
	(erf) = vpow2.f32 v2;
	v3 =	vadd.f32 v55, v3  }
0x85: {  	v56 =	vpop (erf)  }
0x86: {  	(erf) = vpow2.f32 v0;
	v2 =	vadd.f32 v56, v3  }
0x87: {  	v57 =	vpop (erf)  }
0x88: {  	v0 =	vadd.f32 v57, v2  }
0x89: {  	v58 =	vpop (erf)  }
0x8a: {  	v0 =	vadd.f32 v58, v0  }
0x8b: {  	v59 =	vpop (erf)  }
0x8c: {  	v0 =	vadd.f32 v59, v0  }
0x8d: {  	v60 =	vpop (erf)  }
0x8e: {  	v62 =	vld [tilespmem:$0x1FFF0];
	v0 =	vadd.f32 v60, v0  }
0x8f: {  	v61 =	vpop (erf)  }
0x90: {  	v0 =	vadd.f32 v61, v0;
	_ =	sdelay $0x1  }
0x91: {  	(erf) = vrcp.f32 v0  }
0x92: {  	vm0 =	vnez.u8 v62  }
0x93: {  	v0 =	vsel vm0, $0x39, v1  }
0x94: {  	v0 =	vsel vm1, $0x3A, v0  }
0x95: {  	s15 =	sadd.s32 $0x1, s15;
	v0 =	vsel vm2, $0x3B, v0  }
0x96: {  	p0 =	sne.s32 s15, $0x10;
	v0 =	vsel vm3, $0x3C, v0  }
.Ltmp2:
0x97: {  	v0 =	vsel vm4, $0x3D, v0;
	(pc) =	sbr.rel @p0 .LBB2_2-.Ltmp2, $4  }
0x98: {  	v0 =	vsel vm5, $0x3E, v0  }
0x99: {  	v0 =	vsel vm6, $0x3F, v0  }
0x9a: {  	[tilespmem:s16+$0x4000] =	vst v0;
	v63 =	vpop (erf)  }
0x9b: {  	s14 =	sadd.s32 $0x80, s14;
	s13 =	sadd.s32 $0x1, s13;
	[tilespmem:s16+$0x4100] =	vst v63  }
0x9c: {  	[hbm4b:s4+s2] =	stream.linear.scatter [tilespmem:s10], [sflag:$0x1], $0x100, $0x38;
	[tilespmem:$0x4200] =	vst v63  }
0x9d: {  	s12 =	sadd.s32 $0x1, s12;
	_ =	swait.ge [sflag:s9], $0x100  }
0x9e: {  	p0 =	sne.s32 s12, s6;
	[sflag:s9] =	ssyncset.done $0x0  }
.Ltmp3:
0x9f: {  	[sflag:s9] =	ssyncadd.s32 $0xFFFFFF00;
	(pc) =	sbr.rel @p0 .LBB2_1-.Ltmp3, $4  }
0xa0: {  	[hbm4b:s5+s2] =	stream.linear.scatter [tilespmem:s11], [sflag:$0x1], $0x100, $0x38;
	[tilespmem:$0x4200] =	vst v63  }
0xa1: {  	_ =	swait.ge [sflag:s9], $0x100  }
0xa2: {  	[sflag:s9] =	ssyncset.done $0x0  }
0xa3: {  	[sflag:s9] =	ssyncadd.s32 $0xFFFFFF00  }
0xa4: {  	_ =	sfence.sel $0x180000  }
0xa5: {  	[bflag:$0x0] =	sbarrier.arrive $0xFFFF  }
0xa6: {  	p0 =	sne.s32 s1, $0x0;
	_ =	strace $0x9000004A  }
0xa7: {  	s0 =	sadd.s32 @!p0 $0x100000, s0;
	[bflag:$0x2] =	sbarrier.arrive $0xFFFF  }
0xa8: {  	[sflag:s0] =	ssyncadd.tile.s32 @!p0 $0x1;
	_ =	shalt  }
.Lfunc_end2:
_tile_overlayer_lowered:
.L_overlay_start_2:
0xa9: {  	(tag) =	ssettag $0x2  }
0xaa: {  	s0 =	rddreg [dreg:$0x0];
	s2 =	stileid.u32  }
0xab: {  	s1 =	rddreg [dreg:$0x1];
	p0 =	sne.s32 s2, $0x0  }
0xac: {  	s3 =	rddreg [dreg:$0x2];
	[bflag:$0x3] =	sbarrier.arrive $0xFFFF;
	s2 =	simm.s32 @!p0 $0x1C01  }
0xad: {  	[timem:s3], [sflag:s2] =	dma.local @!p0 [hbm:s0], s1  }
0xae: {  	s0 =	simm.s32 @!p0 $0x1  }
0xaf: {  	_ =	swait.ge @!p0 [sflag:s0], s1  }
0xb0: {  	s1 =	ssub.s32 @!p0 $0x0, s1;
	[sflag:s0] =	ssyncset.done @!p0 $0x0  }
0xb1: {  	[sflag:s0] =	ssyncadd.s32 @!p0 s1  }
0xb2: {  	[bflag:$0x3] =	sbarrier.arrive $0xFFFF  }
0xb3: {  	_ =	shalt  }

// kernel: kernel.16.cloned.1.call-start
scs
__scs_entry_jumppad:
0x0: {  	(pc) =	sbr.rel $0x88, $3  }
0x1: {  	(tag) =	ssettag $0x0;
	lr =	simm.s32 $0x1  }
0x2: {  	[smem:$0x3F9F] =	sst lr;
	_ =	strace $0xD0000000  }
0x3: {  	_ = 	snop  }
0x4: {  	_ = 	snop  }
0x5: {  	_ = 	snop  }
0x6: {  	_ = 	snop  }
0x7: {  	_ = 	snop  }
__scs_overlays_trampoline_lowered:
0x8: {  	[smem:$0x3FAE] =	sst s0  }
0x9: {  	[smem:$0x3FAF] =	sst s1  }
0xa: {  	[smem:$0x3FB0] =	sst s2  }
0xb: {  	[smem:$0x3FB1] =	sst s3  }
0xc: {  	[smem:$0x3FB2] =	sst s4  }
0xd: {  	[smem:$0x3FB3] =	sst s5  }
0xe: {  	[smem:$0x3FB4] =	sst s6  }
0xf: {  	[smem:$0x3FB5] =	sst s7  }
0x10: {  	[smem:$0x3FB6] =	sst s8  }
0x11: {  	[smem:$0x3FB7] =	sst s9;
	s0 =	simm.s32 @!p0 $0x0  }
0x12: {  	s1 =	sld [smem:$0x3F9D];
	s0 =	simm.s32 @p0 $0x1  }
0x13: {  	[smem:$0x3FB8] =	sst s0;
	s0 =	simm.s32 @!p1 $0x0  }
0x14: {  	s2 =	sld [smem:$0x3F9C];
	s0 =	simm.s32 @p1 $0x1  }
0x15: {  	[smem:$0x3FB9] =	sst s0;
	s0 =	simm.s32 @!p2 $0x0  }
0x16: {  	s3 =	sld [smem:$0x3FDB];
	s0 =	simm.s32 @p2 $0x1  }
0x17: {  	s4 =	simm.s32 $0x1BF5;
	[smem:$0x3FBB] =	sst s0  }
0x18: {  	s0 =	sld [smem:$0x3F9E];
	_ =	swait.ge [sflag:s4], $0x0  }
0x19: {  	s7 =	sld [smem:$0x3F9F]  }
0x1a: {  	s8 =	sadd.s32 $0xFFFFE003, lr  }
0x1b: {  	s9 =	sadd.s32 $0xFFFFFEF7, lr;
	s5 =	simm.s32 $0xFFFFFFFF;
	p2 =	slt.u32 s8, $0xFFFFF086  }
0x1c: {  	p1 =	slt.u32 s9, $0xF7A;
	s5 =	simm.s32 @!p2 $0x0  }
0x1d: {  	s5 =	simm.s32 @p1 $0x1;
	p0 =	seq.s32 s7, s2  }
0x1e: {  	s7 =	smul.u32 @!p0 $0xF7A, s2;
	p2 =	seq.s32 @!p0 s5, $0x0  }
0x1f: {  	s9 =	smul.u32 $0xF7A, s1;
	s8 =	simm.s32 @!p0 $0x1BF5;
	p2 =	por !p2, p0  }
0x20: {  	[sflag:s8] =	ssyncset.s32 @!p0 $0xFFFFF086;
	s6 =	sadd.s32 @!p0 s3, s7;
	s7 =	simm.s32 @!p0 $0x108  }
0x21: {  	s3 =	sadd.s32 s3, s9;
	s6 =	sadd.s32 @!p0 $0x88, s6;
	s7 =	simm.s32 @p2 $0x1082  }
0x22: {  	[simem:s7], [sflag:s8] =	dma.local @!p0 [hbm:s6], $0xF7A  }
0x23: {  	s9 =	sor.u32 $0xD0000000, s2;
	s6 =	simm.s32 $0x108;
	_ =	swait.ge @!p0 [sflag:s8], $0x0  }
0x24: {  	s3 =	sadd.s32 $0x88, s3;
	s6 =	simm.s32 @!p1 $0x1082;
	[sflag:s4] =	ssyncset.s32 $0xFFFFF086  }
0x25: {  	[simem:s6], [sflag:s4] =	dma.local [hbm:s3], $0xF7A  }
0x26: {  	[smem:$0x3F9F] =	sst s1;
	(tag) =	ssettag s2;
	_ =	strace s9  }
0x27: {  	s1 =	sld [smem:$0x3FAF]  }
0x28: {  	s2 =	sld [smem:$0x3FB0]  }
0x29: {  	s4 =	sld [smem:$0x3FB2]  }
0x2a: {  	p0 =	seq.s32 s5, $0x0;
	s5 =	sld [smem:$0x3FB3]  }
0x2b: {  	s6 =	sld [smem:$0x3FB4]  }
0x2c: {  	s7 =	sld [smem:$0x3FB5]  }
0x2d: {  	s3 =	simm.s32 $0x108;
	s8 =	sld [smem:$0x3FB6]  }
0x2e: {  	s3 =	simm.s32 @!p0 $0x1082;
	s9 =	sld [smem:$0x3FB7]  }
0x2f: {  	lr =	sadd.s32 s0, s3;
	s0 =	sld [smem:$0x3FAE]  }
0x30: {  	s3 =	sld [smem:$0x3FB1]  }
0x31: {  	[smem:$0x3FBA] =	sst s10  }
0x32: {  	s10 =	sld [smem:$0x3FB8];
	_ =	sdelay $0x3  }
0x33: {  	p0 =	seq.s32 s10, $0x1;
	s10 =	sld [smem:$0x3FBA];
	_ =	sdelay $0x3  }
0x34: {  	[smem:$0x3FBA] =	sst s10  }
0x35: {  	s10 =	sld [smem:$0x3FB9];
	_ =	sdelay $0x3  }
0x36: {  	p1 =	seq.s32 s10, $0x1;
	s10 =	sld [smem:$0x3FBA];
	_ =	sdelay $0x3  }
0x37: {  	[smem:$0x3FBA] =	sst s10  }
0x38: {  	s10 =	sld [smem:$0x3FBB]  }
0x39: {  	_ = 	snop;
	(pc) =	sbr.ind lr, $3  }
0x3a: {  	_ = 	snop  }
0x3b: {  	_ = 	snop  }
0x3c: {  	p2 =	seq.s32 s10, $0x1;
	s10 =	sld [smem:$0x3FBA]  }
0x3d: {  	_ =	shalt  }
0x3e: {  	_ =	shalt  }
0x3f: {  	_ =	shalt  }
0x40: {  	_ =	shalt  }
0x41: {  	_ =	shalt  }
0x42: {  	_ =	shalt  }
0x43: {  	_ =	shalt  }
0x44: {  	_ =	shalt  }
0x45: {  	_ =	shalt  }
0x46: {  	_ =	shalt  }
0x47: {  	_ =	shalt  }
0x48: {  	_ =	shalt  }
0x49: {  	_ =	shalt  }
0x4a: {  	_ =	shalt  }
0x4b: {  	_ =	shalt  }
0x4c: {  	_ =	shalt  }
0x4d: {  	_ =	shalt  }
0x4e: {  	_ =	shalt  }
0x4f: {  	_ =	shalt  }
0x50: {  	_ =	shalt  }
0x51: {  	_ =	shalt  }
0x52: {  	_ =	shalt  }
0x53: {  	_ =	shalt  }
0x54: {  	_ =	shalt  }
0x55: {  	_ =	shalt  }
0x56: {  	_ =	shalt  }
0x57: {  	_ =	shalt  }
0x58: {  	_ =	shalt  }
0x59: {  	_ =	shalt  }
0x5a: {  	_ =	shalt  }
0x5b: {  	_ =	shalt  }
0x5c: {  	_ =	shalt  }
0x5d: {  	_ =	shalt  }
0x5e: {  	_ =	shalt  }
0x5f: {  	_ =	shalt  }
0x60: {  	_ =	shalt  }
0x61: {  	_ =	shalt  }
0x62: {  	_ =	shalt  }
0x63: {  	_ =	shalt  }
0x64: {  	_ =	shalt  }
0x65: {  	_ =	shalt  }
0x66: {  	_ =	shalt  }
0x67: {  	_ =	shalt  }
0x68: {  	_ =	shalt  }
0x69: {  	_ =	shalt  }
0x6a: {  	_ =	shalt  }
0x6b: {  	_ =	shalt  }
0x6c: {  	_ =	shalt  }
0x6d: {  	_ =	shalt  }
0x6e: {  	_ =	shalt  }
0x6f: {  	_ =	shalt  }
0x70: {  	_ =	shalt  }
0x71: {  	_ =	shalt  }
0x72: {  	_ =	shalt  }
0x73: {  	_ =	shalt  }
0x74: {  	_ =	shalt  }
0x75: {  	_ =	shalt  }
0x76: {  	_ =	shalt  }
0x77: {  	_ =	shalt  }
0x78: {  	_ =	shalt  }
0x79: {  	_ =	shalt  }
0x7a: {  	_ =	shalt  }
0x7b: {  	_ =	shalt  }
0x7c: {  	_ =	shalt  }
0x7d: {  	_ =	shalt  }
0x7e: {  	_ =	shalt  }
0x7f: {  	_ =	shalt  }
0x80: {  	_ =	shalt  }
0x81: {  	_ =	shalt  }
0x82: {  	_ =	shalt  }
0x83: {  	_ =	shalt  }
0x84: {  	_ =	shalt  }
0x85: {  	_ =	shalt  }
0x86: {  	_ =	shalt  }
0x87: {  	_ =	shalt  }
.Lfunc_end0:
.L_simem_size_0:
called_computation.2_lowered:
.L_overlay_start_0:
0x88: {  	s2 =	sld [smem:$0x3FD9]  }
0x89: {  	s3 =	sld [smem:$0x3FFE];
	_ =	sdelay $0x1  }
0x8a: {  	s1 =	srdreg.scid  }
0x8b: {  	s0 =	sand.u32 $0x1, s1  }
0x8c: {  	s17 =	sshll.u32 s0, $0xA;
	s2 =	sadd.s32 s3, s2  }
0x8d: {  	s2 =	sadd.s32 s2, s17  }
0x8e: {  	[smem:$0x3FC6] =	sst s2  }
0x8f: {  	_ = 	snop  }
0x90: {  	(tm) =	ssettm $0x1  }
0x91: {  	s18 =	sld [smem:$0x3FFB];
	_ =	sdelay $0x3  }
0x92: {  	_ =	strace s18  }
0x93: {  	s2 =	sld [smem:$0x3FFC];
	_ =	sdelay $0x3  }
0x94: {  	_ =	strace s2  }
0x95: {  	s2 =	sld [smem:$0x3FFD];
	_ =	sdelay $0x3  }
0x96: {  	_ =	strace s2  }
0x97: {  	_ =	strace $0x8FFFFFFF  }
0x98: {  	s19 =	sld [smem:$0x3FDB];
	_ =	sdelay $0x1  }
0x99: {  	s20 =	simm.s32 $_scs_section_size  }
0x9a: {  	s4 =	simm.s32 $_size__tile_overlayer_lowered;
	s5 =	simm.s32 $_tile_overlayer_lowered  }
0x9b: {  	s6 =	simm.s32 $0x1BFF;
	s21 =	sshll.u32 s5, $0x1;
	s3 =	sadd.s32 s20, s19  }
0x9c: {  	s22 =	simm.s32 $0x0;
	s4 =	sshll.u32 s4, $0x1;
	s5 =	sadd.s32 s21, s3  }
0x9d: {  	[timem:s22], [sflag:s6] =	dma.local [hbm:s5], s4  }
0x9e: {  	_ =	swait.ge [sflag:s6], s4  }
0x9f: {  	s4 =	ssub.s32 $0x0, s4;
	[sflag:s6] =	ssyncset.done $0x0  }
0xa0: {  	[sflag:s6] =	ssyncadd.s32 s4;
	_ =	sdelay $0x1  }
0xa1: {  	s23 =	simm.s32 $0x1B8B  }
0xa2: {  	_ =	swait.ge [sflag:s23], $0x1  }
0xa3: {  	[sflag:s23] =	ssyncset.done $0x0  }
0xa4: {  	[sflag:s23] =	ssyncadd.s32 $0xFFFFFFFF  }
0xa5: {  	s4 =	sld [smem:$0x0]  }
0xa6: {  	s5 =	sand.u32 $0xFFFFFFFE, s1  }
0xa7: {  	p0 =	sne.s32 s1, s5  }
0xa8: {  	s5 =	sshll.u32 @p0 s5, $0xE  }
0xa9: {  	s5 =	sadd.s32 @p0 $0x11B8D, s5;
	s6 =	sshll.u32 @p0 s4, $0x11  }
0xaa: {  	s5 =	sor.u32 @p0 s6, s5  }
0xab: {  	[sflag:s5] =	ssyncadd.remote.s32 @p0 $0x1;
	_ =	sdelay $0x1  }
0xac: {  	s5 =	simm.s32 @p0 $0x1B8D  }
0xad: {  	_ =	swait.eq @p0 [sflag:s5], $0x1  }
0xae: {  	[sflag:s5] =	ssyncadd.s32 @p0 $0xFFFFFFFF  }
0xaf: {  	s6 =	sshll.u32 @!p0 s1, $0xE  }
0xb0: {  	s6 =	sor.u32 @!p0 $0x4000, s6;
	s5 =	simm.s32 @!p0 $0x1B8D  }
0xb1: {  	s4 =	sshll.u32 @!p0 s4, $0x11;
	s6 =	sadd.s32 @!p0 $0x11B8D, s6;
	_ =	swait.eq @!p0 [sflag:s5], $0x1  }
0xb2: {  	s4 =	sor.u32 @!p0 s4, s6;
	[sflag:s5] =	ssyncadd.s32 @!p0 $0xFFFFFFFF  }
0xb3: {  	s25 =	simm.s32 $0x1B8E;
	s24 =	sld [smem:$0x3FFE];
	[sflag:s4] =	ssyncadd.remote.s32 @!p0 $0x1  }
0xb4: {  	s26 =	simm.s32 $execute0_lowered;
	[smem:$0x3FD2] =	sst s25  }
0xb5: {  	s5 =	sshll.u32 s26, $0x1;
	_ =	strace $0x8000004C;
	[dreg:$0x1] =	wrdreg $0xFFFFFFFF  }
0xb6: {  	s28 =	simm.s32 $_size_execute0_lowered;
	s3 =	sadd.s32 s3, s5;
	[dreg:$0x0] =	wrdreg $0x0  }
0xb7: {  	s5 =	sshll.u32 s28, $0x1;
	[dreg:$0x2] =	wrdreg s3  }
0xb8: {  	[dreg:$0x3] =	wrdreg s5  }
0xb9: {  	[dreg:$0x4] =	wrdreg $0xC0  }
0xba: {  	_ =	task [dreg:s22], $0x5FFFF  }
0xbb: {  	[dreg:$0x1] =	wrdreg $0xFFFFFFFF  }
0xbc: {  	[dreg:$0x0] =	wrdreg $0x60  }
0xbd: {  	[dreg:$0x2] =	wrdreg s24  }
0xbe: {  	[dreg:$0x3] =	wrdreg $0xB  }
0xbf: {  	_ =	task.clear_ibuf [dreg:s22], $0x4FFFF;
	_ =	strace $0x9000004C  }
0xc0: {  	s29 =	simm.s32 $0xB;
	_ =	strace $0x8000004E  }
0xc1: {  	_ =	swait.ge [sflag:s29], $0x1  }
0xc2: {  	[sflag:s29] =	ssyncadd.s32 $0xFFFFFFFF  }
0xc3: {  	_ =	strace $0x9000004E  }
0xc4: {  	_ =	sfence  }
0xc5: {  	s30 =	sld [smem:$0x0];
	_ =	sdelay $0x2  }
0xc6: {  	s31 =	sshll.u32 s1, $0xD;
	s1 =	sshrl.u32 s1, $0x2  }
0xc7: {  	s4 =	sand.u32 $0x4000, s31;
	s1 =	sadd.s32 s1, s30  }
0xc8: {  	s0 =	sor.u32 s4, s0;
	s1 =	sshll.u32 s1, $0x11  }
0xc9: {  	s0 =	sor.u32 s1, s0  }
0xca: {  	s0 =	sadd.s32 $0x8F2B, s0  }
0xcb: {  	[sflag:s0] =	ssyncadd.remote.s32 $0x1  }
0xcc: {  	_ =	sfence.sel $0xFFFF  }
0xcd: {  	[dreg:$0x0] =	wrdreg $0xFFFFFFFF;
	(pc) =	sbr.abs _section_cstart, $3  }
0xce: {  	[dreg:$0x1] =	wrdreg $0xFFFFFFFF  }
0xcf: {  	_ =	task.clear_ibuf [dreg:s22], $0x2FFFF;
	_ =	strace $0x9FFFFFFF  }
0xd0: {  	(tm) =	ssettm $0x7FFFFFFF  }
0xd1: {  	_ =	shalt  }
tec
execute0_lowered:
.L_overlay_start_1:
0x0: {  	(tag) =	ssettag $0x1  }
0x1: {  	s3 =	rddreg [dreg:$0x0]  }
0x2: {  	s0 =	rddreg [dreg:$0x1];
	s4 =	srdreg.scid  }
0x3: {  	s2 =	simm.s32 $0x0;
	s1 =	stileid.u32;
	s8 =	simm.s32 $0x10000  }
0x4: {  	s9 =	simm.s32 $0x1;
	s10 =	simm.s32 $0x4000;
	s11 =	simm.s32 $0x4100  }
0x5: {  	s12 =	simm.s32 $0x0;
	s4 =	sand.u32 $0x1, s4;
	[smem:$0x7FF] =	sst s2  }
0x6: {  	s5 =	sshll.u32 s1, $0x9;
	s6 =	sshll.u32 s4, $0x8;
	s4 =	ssub.s32 $0x2, s4  }
0x7: {  	_ =	strace $0x8000004D;
	s5 =	sor.u32 s6, s5;
	s7 =	sshrl.u32 s4, $0x1  }
0x8: {  	s6 =	sadd.s32 s5, s3;
	s5 =	sshrl.u32 s5, $0x3;
	s7 =	ssub.s32 s4, s7  }
0x9: {  	s5 =	sadd.s32 s5, s3;
	s3 =	sadd.s32 $0x23A00, s6;
	s6 =	smax.u32 s7, $0x1  }
0xa: {  	s7 =	simm.s32 $0x800;
	s4 =	sadd.s32 $0x33A00, s5;
	s5 =	sadd.s32 $0x33E00, s5  }
.LBB2_1:
0xb: {  	[tilespmem:s2], [sflag:$0x1] =	stream.strided.gather [hbm4b:s3+s7], $0x4000, s8, s7, $0x38;
	[tilespmem:$0x4200] =	vst v63  }
0xc: {  	_ =	swait.ge [sflag:s9], $0x4000  }
0xd: {  	s13 =	simm.s32 $0x0;
	[sflag:s9] =	ssyncset.done $0x0  }
0xe: {  	s14 =	simm.s32 $0x0;
	s15 =	simm.s32 $0x0;
	[sflag:s9] =	ssyncadd.s32 $0xFFFFC000  }
.LBB2_2:
0xf: {  	s16 =	sshll.u32 s14, $0x2;
	s25 =	sand.u32 $0x7, s13;
	s19 =	sshll.u32 s15, $0x7  }
0x10: {  	s17 =	sand.u32 $0xFFFFF000, s16;
	s18 =	sshll.u32 s25, $0x6;
	s16 =	sshll.u32 s15, $0x4  }
0x11: {  	s21 =	sand.u32 $0x400, s19;
	s17 =	sor.u32 s18, s17;
	s20 =	sand.u32 $0x70, s16  }
0x12: {  	s17 =	sshrl.u32 s17, $0x2;
	s26 =	sor.u32 s20, s21  }
0x13: {  	s28 =	sadd.s32 $0x800, s17;
	v0 =	vld [tilespmem:s26+$0x0]  }
0x14: {  	v1 =	vld [tilespmem:s28+$0xFFFFF880];
	_ =	sdelay $0x1  }
0x15: {  	v2 =	vld [tilespmem:s28+$0xFFFFF900];
	_ =	sdelay $0x1  }
0x16: {  	v3 =	vld [tilespmem:s28+$0xFFFFF980]  }
0x17: {  	vm0 =	vgt.f32 v1, v0  }
0x18: {  	v0 =	vsel vm0, v1, v0;
	v1 =	vld [tilespmem:s28+$0xFFFFFA00]  }
0x19: {  	vm1 =	vgt.f32 v2, v0  }
0x1a: {  	v4 =	vld [tilespmem:s28+$0xFFFFFA80];
	v0 =	vsel vm1, v2, v0  }
0x1b: {  	s18 =	simm.s32 $0x1;
	v2 =	vimm.s32 $0x0;
	vm2 =	vgt.f32 v3, v0  }
0x1c: {  	s22 =	simm.s32 $0x2;
	v5 =	vld [tilespmem:s28+$0xFFFFFB00];
	v2 =	vsel vm0, s18, v2;
	v0 =	vsel vm2, v3, v0  }
0x1d: {  	s29 =	simm.s32 $0x3;
	v2 =	vsel vm1, s22, v2;
	vm13 =	vgt.f32 v1, v0  }
0x1e: {  	v0 =	vsel vm13, v1, v0;
	v1 =	vsel vm2, s29, v2;
	v2 =	vld [tilespmem:s28+$0xFFFFFB80]  }
0x1f: {  	s30 =	simm.s32 $0x4;
	vm14 =	vgt.f32 v4, v0  }
0x20: {  	s31 =	simm.s32 $0x5;
	v1 =	vsel vm13, s30, v1;
	v4 =	vsel vm14, v4, v0;
	v0 =	vld [tilespmem:s28+$0x0]  }
0x21: {  	s24 =	simm.s32 $0x6;
	s22 =	sadd.s32 $0x800, s28;
	v1 =	vsel vm14, s31, v1;
	vm15 =	vgt.f32 v5, v4  }
0x22: {  	s23 =	simm.s32 $0x11;
	s19 =	sor.u32 $0x200, s17;
	s17 =	simm.s32 $0x9;
	v3 =	vld [tilespmem:s22+$0xFFFFF880];
	v4 =	vsel vm15, v5, v4;
	v1 =	vsel vm15, s24, v1  }
.LBB2_3:
0x23: {  	p0 =	slt.u32 s23, $0x31;
	vm0 =	vgt.f32 v2, v4;
	s24 =	sadd.s32 $0x6, s18  }
0x24: {  	v5 =	vld [tilespmem:s22+$0xFFFFF900];
	v2 =	vsel vm0, v2, v4;
	v1 =	vsel vm0, s24, v1  }
0x25: {  	s24 =	sadd.s32 $0x7, s18;
	s18 =	smov.u32 s17;
	s17 =	smov.u32 s23;
	vm0 =	vgt.f32 v0, v2  }
0x26: {  	v4 =	vld [tilespmem:s22+$0xFFFFF980];
	v0 =	vsel vm0, v0, v2;
	v1 =	vsel vm0, s24, v1  }
0x27: {  	vm0 =	vgt.f32 v3, v0  }
0x28: {  	v0 =	vsel vm0, v3, v0;
	v1 =	vsel vm0, s18, v1;
	v2 =	vld [tilespmem:s22+$0xFFFFFA00]  }
0x29: {  	s24 =	sadd.s32 $0x1, s18;
	vm0 =	vgt.f32 v5, v0  }
0x2a: {  	v0 =	vsel vm0, v5, v0;
	v1 =	vsel vm0, s24, v1;
	v3 =	vld [tilespmem:s22+$0xFFFFFA80]  }
0x2b: {  	s24 =	sadd.s32 $0x2, s18;
	vm0 =	vgt.f32 v4, v0  }
0x2c: {  	v0 =	vsel vm0, v4, v0;
	v1 =	vsel vm0, s24, v1;
	v4 =	vld [tilespmem:s22+$0xFFFFFB00]  }
0x2d: {  	s24 =	sadd.s32 $0x3, s18;
	vm0 =	vgt.f32 v2, v0  }
.Ltmp0:
0x2e: {  	v0 =	vsel vm0, v2, v0;
	v1 =	vsel vm0, s24, v1;
	v2 =	vld [tilespmem:s22+$0xFFFFFB80];
	(pc) =	sbr.rel @p0 .LBB2_3-.Ltmp0, $4  }
0x2f: {  	s24 =	sadd.s32 $0x4, s18;
	vm0 =	vgt.f32 v3, v0  }
0x30: {  	v5 =	vsel vm0, v3, v0;
	v1 =	vsel vm0, s24, v1;
	v0 =	vld [tilespmem:s22+$0x0]  }
0x31: {  	s24 =	sadd.s32 $0x5, s18;
	s22 =	sadd.s32 $0x800, s22;
	vm0 =	vgt.f32 v4, v5  }
0x32: {  	s23 =	sadd.s32 $0x8, s23;
	v3 =	vld [tilespmem:s22+$0xFFFFF880];
	v4 =	vsel vm0, v4, v5;
	v1 =	vsel vm0, s24, v1  }
0x33: {  	vm0 =	vgt.f32 v2, v4  }
0x34: {  	v5 =	vld [tilespmem:s22+$0xFFFFF900];
	v2 =	vsel vm0, v2, v4  }
0x35: {  	vm14 =	vgt.f32 v0, v2  }
0x36: {  	v4 =	vld [tilespmem:s22+$0xFFFFF980];
	v0 =	vsel vm14, v0, v2  }
0x37: {  	vm15 =	vgt.f32 v3, v0  }
0x38: {  	v2 =	vld [tilespmem:s22+$0xFFFFFA00];
	v0 =	vsel vm15, v3, v0  }
0x39: {  	vm13 =	vgt.f32 v5, v0  }
0x3a: {  	v3 =	vld [tilespmem:s22+$0xFFFFFA80];
	v0 =	vsel vm13, v5, v0  }
0x3b: {  	vm12 =	vgt.f32 v4, v0  }
0x3c: {  	v0 =	vsel vm12, v4, v0;
	v4 =	vld [tilespmem:s22+$0xFFFFFB00]  }
0x3d: {  	vm11 =	vgt.f32 v2, v0  }
0x3e: {  	v0 =	vsel vm11, v2, v0;
	v2 =	vld [tilespmem:s22+$0xFFFFFB80]  }
0x3f: {  	vm10 =	vgt.f32 v3, v0  }
0x40: {  	v0 =	vsel vm10, v3, v0;
	v3 =	vld [tilespmem:s22+$0x0]  }
0x41: {  	s20 =	sadd.s32 s20, s21;
	vm9 =	vgt.f32 v4, v0  }
0x42: {  	v0 =	vsel vm9, v4, v0;
	v4 =	vld [tilespmem:s20+$0x3880]  }
0x43: {  	vm8 =	vgt.f32 v2, v0  }
0x44: {  	v0 =	vsel vm8, v2, v0;
	v2 =	vld [tilespmem:s20+$0x3900]  }
0x45: {  	vm7 =	vgt.f32 v3, v0  }
0x46: {  	v0 =	vsel vm7, v3, v0;
	v3 =	vld [tilespmem:s20+$0x3980]  }
0x47: {  	vm1 =	vgt.f32 v4, v0  }
0x48: {  	v5 =	vimm.s32 $0x0;
	v0 =	vsel vm1, v4, v0;
	v4 =	vld [tilespmem:s20+$0x3A00]  }
0x49: {  	v5 =	vsel vm1, $0xFFFFFFFF, v5;
	vm1 =	vgt.f32 v2, v0  }
0x4a: {  	v0 =	vsel vm1, v2, v0;
	v2 =	vld [tilespmem:s20+$0x3A80]  }
0x4b: {  	vm2 =	vgt.f32 v3, v0  }
0x4c: {  	v0 =	vsel vm2, v3, v0;
	v3 =	vld [tilespmem:s20+$0x3B00]  }
0x4d: {  	vm3 =	vgt.f32 v4, v0  }
0x4e: {  	v0 =	vsel vm3, v4, v0;
	v4 =	vld [tilespmem:s20+$0x3B80]  }
0x4f: {  	vm4 =	vgt.f32 v2, v0  }
0x50: {  	v0 =	vsel vm4, v2, v0;
	v2 =	vld [tilespmem:s19+$0xFFFFFE00]  }
0x51: {  	vm5 =	vgt.f32 v3, v0  }
0x52: {  	v0 =	vsel vm5, v3, v0;
	v3 =	vld [tilespmem:s19+$0xFFFFFE80]  }
0x53: {  	vm6 =	vgt.f32 v4, v0  }
0x54: {  	v0 =	vsel vm6, v4, v0;
	v4 =	vld [tilespmem:s19+$0xFFFFFF00]  }
0x55: {  	v2 =	vsub.f32 v2, v0  }
0x56: {  	[tilespmem:$0x1FFF0] =	vst v5;
	v5 =	vld [tilespmem:s19+$0xFFFFFF80]  }
0x57: {  	v3 =	vsub.f32 v3, v0;
	v2 =	vmul.f32 $1.442695020e+00, v2  }
0x58: {  	v6 =	vld [tilespmem:s19+$0x0]  }
0x59: {  	v4 =	vsub.f32 v4, v0;
	v3 =	vmul.f32 $1.442695020e+00, v3;
	(erf) = vpow2.f32 v2;
	v2 =	vld [tilespmem:s19+$0x80];
	_ =	sdelay $0x1  }
0x5a: {  	v5 =	vsub.f32 v5, v0;
	v4 =	vmul.f32 $1.442695020e+00, v4;
	(erf) = vpow2.f32 v3;
	v3 =	vld [tilespmem:s19+$0x100];
	_ =	sdelay $0x1  }
0x5b: {  	v5 =	vmul.f32 $1.442695020e+00, v5;
	(erf) = vpow2.f32 v4;
	v4 =	vsub.f32 v6, v0  }
0x5c: {  	v2 =	vsub.f32 v2, v0  }
0x5d: {  	(erf) = vpow2.f32 v5;
	v5 =	vld [tilespmem:s19+$0x180];
	v4 =	vmul.f32 $1.442695020e+00, v4  }
0x5e: {  	s21 =	sadd.s32 $0x6, s18;
	s24 =	sadd.s32 $0x800, s19;
	v3 =	vsub.f32 v3, v0;
	v2 =	vmul.f32 $1.442695020e+00, v2  }
0x5f: {  	v1 =	vsel vm0, s21, v1;
	s22 =	sadd.s32 $0x7, s18;
	v6 =	vld [tilespmem:s24+$0xFFFFFE00];
	(erf) = vpow2.f32 v4  }
0x60: {  	v1 =	vsel vm14, s22, v1;
	v3 =	vmul.f32 $1.442695020e+00, v3;
	(erf) = vpow2.f32 v2;
	v2 =	vld [tilespmem:s24+$0xFFFFFE80]  }
0x61: {  	v1 =	vsel vm15, s17, v1;
	v4 =	vimm.f32 $0.0e+00;
	v7 =	vpop (erf)  }
0x62: {  	s23 =	sadd.s32 $0x1, s17;
	v4 =	vadd.f32 v7, v4;
	v5 =	vsub.f32 v5, v0;
	(erf) = vpow2.f32 v3;
	v3 =	vld [tilespmem:s24+$0xFFFFFF00]  }
0x63: {  	v1 =	vsel vm13, s23, v1;
	v7 =	vpop (erf)  }
0x64: {  	s25 =	sadd.s32 $0x2, s17;
	v6 =	vsub.f32 v6, v0;
	v4 =	vadd.f32 v7, v4;
	v5 =	vmul.f32 $1.442695020e+00, v5  }
0x65: {  	v1 =	vsel vm12, s25, v1;
	v7 =	vld [tilespmem:s24+$0xFFFFFF80];
	v8 =	vpop (erf);
	v2 =	vsub.f32 v2, v0  }
0x66: {  	s26 =	sadd.s32 $0x3, s17;
	v9 =	vld [tilespmem:s24+$0x0];
	v6 =	vmul.f32 $1.442695020e+00, v6;
	v4 =	vadd.f32 v8, v4;
	v8 =	vpop (erf);
	(erf) = vpow2.f32 v5  }
0x67: {  	s28 =	sadd.s32 $0x4, s17;
	v1 =	vsel vm11, s26, v1;
	v3 =	vsub.f32 v3, v0;
	v5 =	vmul.f32 $1.442695020e+00, v2  }
0x68: {  	s29 =	sadd.s32 $0x5, s17;
	v10 =	vld [tilespmem:s24+$0x80];
	v1 =	vsel vm10, s28, v1;
	(erf) = vpow2.f32 v6;
	v4 =	vadd.f32 v8, v4  }
0x69: {  	v1 =	vsel vm9, s29, v1;
	v2 =	vpop (erf);
	v8 =	vmul.f32 $1.442695020e+00, v3  }
0x6a: {  	s30 =	sadd.s32 $0x6, s17;
	v7 =	vsub.f32 v7, v0;
	(erf) = vpow2.f32 v5;
	v11 =	vadd.f32 v2, v4;
	v2 =	vld [tilespmem:s24+$0x100]  }
0x6b: {  	v1 =	vsel vm8, s30, v1;
	v4 =	vsub.f32 v9, v0;
	v5 =	vpop (erf)  }
0x6c: {  	s31 =	sadd.s32 $0x7, s17;
	v3 =	vld [tilespmem:s24+$0x180];
	v6 =	vmul.f32 $1.442695020e+00, v7;
	(erf) = vpow2.f32 v8;
	v7 =	vadd.f32 v5, v11  }
0x6d: {  	s18 =	sadd.s32 $0x800, s24;
	s17 =	simm.s32 $0x8;
	v1 =	vsel vm7, s31, v1;
	v5 =	vsub.f32 v10, v0;
	v8 =	vpop (erf)  }
.LBB2_5:
0x6e: {  	v9 =	vld [tilespmem:s18+$0xFFFFFE00];
	v4 =	vmul.f32 $1.442695020e+00, v4;
	(erf) = vpow2.f32 v6;
	v10 =	vadd.f32 v8, v7  }
0x6f: {  	s17 =	sadd.s32 $0x8, s17;
	v2 =	vsub.f32 v2, v0;
	v7 =	vpop (erf)  }
0x70: {  	p0 =	slt.u32 s17, $0x38;
	v5 =	vmul.f32 $1.442695020e+00, v5;
	v8 =	vld [tilespmem:s18+$0xFFFFFE80];
	(erf) = vpow2.f32 v4;
	v4 =	vadd.f32 v7, v10  }
0x71: {  	v3 =	vsub.f32 v3, v0;
	v6 =	vpop (erf)  }
0x72: {  	v2 =	vmul.f32 $1.442695020e+00, v2;
	v7 =	vld [tilespmem:s18+$0xFFFFFF00];
	v4 =	vadd.f32 v6, v4;
	(erf) = vpow2.f32 v5  }
0x73: {  	v5 =	vsub.f32 v9, v0;
	v6 =	vpop (erf)  }
0x74: {  	v3 =	vmul.f32 $1.442695020e+00, v3;
	v9 =	vld [tilespmem:s18+$0xFFFFFF80];
	v4 =	vadd.f32 v6, v4;
	(erf) = vpow2.f32 v2  }
0x75: {  	v2 =	vsub.f32 v8, v0;
	v6 =	vpop (erf)  }
0x76: {  	v5 =	vmul.f32 $1.442695020e+00, v5;
	v8 =	vld [tilespmem:s18+$0x0];
	v4 =	vadd.f32 v6, v4;
	(erf) = vpow2.f32 v3  }
0x77: {  	v3 =	vsub.f32 v7, v0;
	v6 =	vpop (erf)  }
0x78: {  	v7 =	vmul.f32 $1.442695020e+00, v2;
	v10 =	vld [tilespmem:s18+$0x80];
	(erf) = vpow2.f32 v5;
	v4 =	vadd.f32 v6, v4  }
.Ltmp1:
0x79: {  	v5 =	vsub.f32 v9, v0;
	v6 =	vpop (erf);
	(pc) =	sbr.rel @p0 .LBB2_5-.Ltmp1, $4  }
0x7a: {  	v9 =	vmul.f32 $1.442695020e+00, v3;
	v2 =	vld [tilespmem:s18+$0x100];
	(erf) = vpow2.f32 v7;
	v7 =	vadd.f32 v6, v4  }
0x7b: {  	v4 =	vsub.f32 v8, v0;
	v8 =	vpop (erf)  }
0x7c: {  	v6 =	vmul.f32 $1.442695020e+00, v5;
	v3 =	vld [tilespmem:s18+$0x180];
	(erf) = vpow2.f32 v9;
	v7 =	vadd.f32 v8, v7  }
0x7d: {  	s18 =	sadd.s32 $0x800, s18;
	v5 =	vsub.f32 v10, v0;
	v8 =	vpop (erf)  }
0x7e: {  	v4 =	vmul.f32 $1.442695020e+00, v4;
	(erf) = vpow2.f32 v6;
	v50 =	vadd.f32 v8, v7  }
0x7f: {  	v2 =	vsub.f32 v2, v0;
	v51 =	vpop (erf)  }
0x80: {  	v5 =	vmul.f32 $1.442695020e+00, v5;
	(erf) = vpow2.f32 v4;
	v52 =	vadd.f32 v51, v50  }
0x81: {  	v53 =	vsub.f32 v3, v0;
	v54 =	vpop (erf)  }
0x82: {  	v2 =	vmul.f32 $1.442695020e+00, v2;
	(erf) = vpow2.f32 v5;
	v3 =	vadd.f32 v54, v52  }
0x83: {  	v55 =	vpop (erf)  }
0x84: {  	v0 =	vmul.f32 $1.442695020e+00, v53;
	(erf) = vpow2.f32 v2;
	v3 =	vadd.f32 v55, v3  }
0x85: {  	v56 =	vpop (erf)  }
0x86: {  	(erf) = vpow2.f32 v0;
	v2 =	vadd.f32 v56, v3  }
0x87: {  	v57 =	vpop (erf)  }
0x88: {  	v0 =	vadd.f32 v57, v2  }
0x89: {  	v58 =	vpop (erf)  }
0x8a: {  	v0 =	vadd.f32 v58, v0  }
0x8b: {  	v59 =	vpop (erf)  }
0x8c: {  	v0 =	vadd.f32 v59, v0  }
0x8d: {  	v60 =	vpop (erf)  }
0x8e: {  	v62 =	vld [tilespmem:$0x1FFF0];
	v0 =	vadd.f32 v60, v0  }
0x8f: {  	v61 =	vpop (erf)  }
0x90: {  	v0 =	vadd.f32 v61, v0;
	_ =	sdelay $0x1  }
0x91: {  	(erf) = vrcp.f32 v0  }
0x92: {  	vm0 =	vnez.u8 v62  }
0x93: {  	v0 =	vsel vm0, $0x39, v1  }
0x94: {  	v0 =	vsel vm1, $0x3A, v0  }
0x95: {  	s15 =	sadd.s32 $0x1, s15;
	v0 =	vsel vm2, $0x3B, v0  }
0x96: {  	p0 =	sne.s32 s15, $0x10;
	v0 =	vsel vm3, $0x3C, v0  }
.Ltmp2:
0x97: {  	v0 =	vsel vm4, $0x3D, v0;
	(pc) =	sbr.rel @p0 .LBB2_2-.Ltmp2, $4  }
0x98: {  	v0 =	vsel vm5, $0x3E, v0  }
0x99: {  	v0 =	vsel vm6, $0x3F, v0  }
0x9a: {  	[tilespmem:s16+$0x4000] =	vst v0;
	v63 =	vpop (erf)  }
0x9b: {  	s14 =	sadd.s32 $0x80, s14;
	s13 =	sadd.s32 $0x1, s13;
	[tilespmem:s16+$0x4100] =	vst v63  }
0x9c: {  	[hbm4b:s4+s2] =	stream.linear.scatter [tilespmem:s10], [sflag:$0x1], $0x100, $0x38;
	[tilespmem:$0x4200] =	vst v63  }
0x9d: {  	s12 =	sadd.s32 $0x1, s12;
	_ =	swait.ge [sflag:s9], $0x100  }
0x9e: {  	p0 =	sne.s32 s12, s6;
	[sflag:s9] =	ssyncset.done $0x0  }
.Ltmp3:
0x9f: {  	[sflag:s9] =	ssyncadd.s32 $0xFFFFFF00;
	(pc) =	sbr.rel @p0 .LBB2_1-.Ltmp3, $4  }
0xa0: {  	[hbm4b:s5+s2] =	stream.linear.scatter [tilespmem:s11], [sflag:$0x1], $0x100, $0x38;
	[tilespmem:$0x4200] =	vst v63  }
0xa1: {  	_ =	swait.ge [sflag:s9], $0x100  }
0xa2: {  	[sflag:s9] =	ssyncset.done $0x0  }
0xa3: {  	[sflag:s9] =	ssyncadd.s32 $0xFFFFFF00  }
0xa4: {  	_ =	sfence.sel $0x180000  }
0xa5: {  	[bflag:$0x0] =	sbarrier.arrive $0xFFFF  }
0xa6: {  	p0 =	sne.s32 s1, $0x0;
	_ =	strace $0x9000004D  }
0xa7: {  	s0 =	sadd.s32 @!p0 $0x100000, s0;
	[bflag:$0x2] =	sbarrier.arrive $0xFFFF  }
0xa8: {  	[sflag:s0] =	ssyncadd.tile.s32 @!p0 $0x1;
	_ =	shalt  }
.Lfunc_end2:
_tile_overlayer_lowered:
.L_overlay_start_2:
0xa9: {  	(tag) =	ssettag $0x2  }
0xaa: {  	s0 =	rddreg [dreg:$0x0];
	s2 =	stileid.u32  }
0xab: {  	s1 =	rddreg [dreg:$0x1];
	p0 =	sne.s32 s2, $0x0  }
0xac: {  	s3 =	rddreg [dreg:$0x2];
	[bflag:$0x3] =	sbarrier.arrive $0xFFFF;
	s2 =	simm.s32 @!p0 $0x1C01  }
0xad: {  	[timem:s3], [sflag:s2] =	dma.local @!p0 [hbm:s0], s1  }
0xae: {  	s0 =	simm.s32 @!p0 $0x1  }
0xaf: {  	_ =	swait.ge @!p0 [sflag:s0], s1  }
0xb0: {  	s1 =	ssub.s32 @!p0 $0x0, s1;
	[sflag:s0] =	ssyncset.done @!p0 $0x0  }
0xb1: {  	[sflag:s0] =	ssyncadd.s32 @!p0 s1  }
0xb2: {  	[bflag:$0x3] =	sbarrier.arrive $0xFFFF  }
0xb3: {  	_ =	shalt  }

// kernel: kernel.19.cloned.1.call-start
scs
__scs_entry_jumppad:
0x0: {  	(pc) =	sbr.rel $0x88, $3  }
0x1: {  	(tag) =	ssettag $0x0;
	lr =	simm.s32 $0x1  }
0x2: {  	[smem:$0x3F9F] =	sst lr;
	_ =	strace $0xD0000000  }
0x3: {  	_ = 	snop  }
0x4: {  	_ = 	snop  }
0x5: {  	_ = 	snop  }
0x6: {  	_ = 	snop  }
0x7: {  	_ = 	snop  }
__scs_overlays_trampoline_lowered:
0x8: {  	[smem:$0x3FAE] =	sst s0  }
0x9: {  	[smem:$0x3FAF] =	sst s1  }
0xa: {  	[smem:$0x3FB0] =	sst s2  }
0xb: {  	[smem:$0x3FB1] =	sst s3  }
0xc: {  	[smem:$0x3FB2] =	sst s4  }
0xd: {  	[smem:$0x3FB3] =	sst s5  }
0xe: {  	[smem:$0x3FB4] =	sst s6  }
0xf: {  	[smem:$0x3FB5] =	sst s7  }
0x10: {  	[smem:$0x3FB6] =	sst s8  }
0x11: {  	[smem:$0x3FB7] =	sst s9;
	s0 =	simm.s32 @!p0 $0x0  }
0x12: {  	s1 =	sld [smem:$0x3F9D];
	s0 =	simm.s32 @p0 $0x1  }
0x13: {  	[smem:$0x3FB8] =	sst s0;
	s0 =	simm.s32 @!p1 $0x0  }
0x14: {  	s2 =	sld [smem:$0x3F9C];
	s0 =	simm.s32 @p1 $0x1  }
0x15: {  	[smem:$0x3FB9] =	sst s0;
	s0 =	simm.s32 @!p2 $0x0  }
0x16: {  	s3 =	sld [smem:$0x3FDB];
	s0 =	simm.s32 @p2 $0x1  }
0x17: {  	s4 =	simm.s32 $0x1BF5;
	[smem:$0x3FBB] =	sst s0  }
0x18: {  	s0 =	sld [smem:$0x3F9E];
	_ =	swait.ge [sflag:s4], $0x0  }
0x19: {  	s7 =	sld [smem:$0x3F9F]  }
0x1a: {  	s8 =	sadd.s32 $0xFFFFE003, lr  }
0x1b: {  	s9 =	sadd.s32 $0xFFFFFEF7, lr;
	s5 =	simm.s32 $0xFFFFFFFF;
	p2 =	slt.u32 s8, $0xFFFFF086  }
0x1c: {  	p1 =	slt.u32 s9, $0xF7A;
	s5 =	simm.s32 @!p2 $0x0  }
0x1d: {  	s5 =	simm.s32 @p1 $0x1;
	p0 =	seq.s32 s7, s2  }
0x1e: {  	s7 =	smul.u32 @!p0 $0xF7A, s2;
	p2 =	seq.s32 @!p0 s5, $0x0  }
0x1f: {  	s9 =	smul.u32 $0xF7A, s1;
	s8 =	simm.s32 @!p0 $0x1BF5;
	p2 =	por !p2, p0  }
0x20: {  	[sflag:s8] =	ssyncset.s32 @!p0 $0xFFFFF086;
	s6 =	sadd.s32 @!p0 s3, s7;
	s7 =	simm.s32 @!p0 $0x108  }
0x21: {  	s3 =	sadd.s32 s3, s9;
	s6 =	sadd.s32 @!p0 $0x88, s6;
	s7 =	simm.s32 @p2 $0x1082  }
0x22: {  	[simem:s7], [sflag:s8] =	dma.local @!p0 [hbm:s6], $0xF7A  }
0x23: {  	s9 =	sor.u32 $0xD0000000, s2;
	s6 =	simm.s32 $0x108;
	_ =	swait.ge @!p0 [sflag:s8], $0x0  }
0x24: {  	s3 =	sadd.s32 $0x88, s3;
	s6 =	simm.s32 @!p1 $0x1082;
	[sflag:s4] =	ssyncset.s32 $0xFFFFF086  }
0x25: {  	[simem:s6], [sflag:s4] =	dma.local [hbm:s3], $0xF7A  }
0x26: {  	[smem:$0x3F9F] =	sst s1;
	(tag) =	ssettag s2;
	_ =	strace s9  }
0x27: {  	s1 =	sld [smem:$0x3FAF]  }
0x28: {  	s2 =	sld [smem:$0x3FB0]  }
0x29: {  	s4 =	sld [smem:$0x3FB2]  }
0x2a: {  	p0 =	seq.s32 s5, $0x0;
	s5 =	sld [smem:$0x3FB3]  }
0x2b: {  	s6 =	sld [smem:$0x3FB4]  }
0x2c: {  	s7 =	sld [smem:$0x3FB5]  }
0x2d: {  	s3 =	simm.s32 $0x108;
	s8 =	sld [smem:$0x3FB6]  }
0x2e: {  	s3 =	simm.s32 @!p0 $0x1082;
	s9 =	sld [smem:$0x3FB7]  }
0x2f: {  	lr =	sadd.s32 s0, s3;
	s0 =	sld [smem:$0x3FAE]  }
0x30: {  	s3 =	sld [smem:$0x3FB1]  }
0x31: {  	[smem:$0x3FBA] =	sst s10  }
0x32: {  	s10 =	sld [smem:$0x3FB8];
	_ =	sdelay $0x3  }
0x33: {  	p0 =	seq.s32 s10, $0x1;
	s10 =	sld [smem:$0x3FBA];
	_ =	sdelay $0x3  }
0x34: {  	[smem:$0x3FBA] =	sst s10  }
0x35: {  	s10 =	sld [smem:$0x3FB9];
	_ =	sdelay $0x3  }
0x36: {  	p1 =	seq.s32 s10, $0x1;
	s10 =	sld [smem:$0x3FBA];
	_ =	sdelay $0x3  }
0x37: {  	[smem:$0x3FBA] =	sst s10  }
0x38: {  	s10 =	sld [smem:$0x3FBB]  }
0x39: {  	_ = 	snop;
	(pc) =	sbr.ind lr, $3  }
0x3a: {  	_ = 	snop  }
0x3b: {  	_ = 	snop  }
0x3c: {  	p2 =	seq.s32 s10, $0x1;
	s10 =	sld [smem:$0x3FBA]  }
0x3d: {  	_ =	shalt  }
0x3e: {  	_ =	shalt  }
0x3f: {  	_ =	shalt  }
0x40: {  	_ =	shalt  }
0x41: {  	_ =	shalt  }
0x42: {  	_ =	shalt  }
0x43: {  	_ =	shalt  }
0x44: {  	_ =	shalt  }
0x45: {  	_ =	shalt  }
0x46: {  	_ =	shalt  }
0x47: {  	_ =	shalt  }
0x48: {  	_ =	shalt  }
0x49: {  	_ =	shalt  }
0x4a: {  	_ =	shalt  }
0x4b: {  	_ =	shalt  }
0x4c: {  	_ =	shalt  }
0x4d: {  	_ =	shalt  }
0x4e: {  	_ =	shalt  }
0x4f: {  	_ =	shalt  }
0x50: {  	_ =	shalt  }
0x51: {  	_ =	shalt  }
0x52: {  	_ =	shalt  }
0x53: {  	_ =	shalt  }
0x54: {  	_ =	shalt  }
0x55: {  	_ =	shalt  }
0x56: {  	_ =	shalt  }
0x57: {  	_ =	shalt  }
0x58: {  	_ =	shalt  }
0x59: {  	_ =	shalt  }
0x5a: {  	_ =	shalt  }
0x5b: {  	_ =	shalt  }
0x5c: {  	_ =	shalt  }
0x5d: {  	_ =	shalt  }
0x5e: {  	_ =	shalt  }
0x5f: {  	_ =	shalt  }
0x60: {  	_ =	shalt  }
0x61: {  	_ =	shalt  }
0x62: {  	_ =	shalt  }
0x63: {  	_ =	shalt  }
0x64: {  	_ =	shalt  }
0x65: {  	_ =	shalt  }
0x66: {  	_ =	shalt  }
0x67: {  	_ =	shalt  }
0x68: {  	_ =	shalt  }
0x69: {  	_ =	shalt  }
0x6a: {  	_ =	shalt  }
0x6b: {  	_ =	shalt  }
0x6c: {  	_ =	shalt  }
0x6d: {  	_ =	shalt  }
0x6e: {  	_ =	shalt  }
0x6f: {  	_ =	shalt  }
0x70: {  	_ =	shalt  }
0x71: {  	_ =	shalt  }
0x72: {  	_ =	shalt  }
0x73: {  	_ =	shalt  }
0x74: {  	_ =	shalt  }
0x75: {  	_ =	shalt  }
0x76: {  	_ =	shalt  }
0x77: {  	_ =	shalt  }
0x78: {  	_ =	shalt  }
0x79: {  	_ =	shalt  }
0x7a: {  	_ =	shalt  }
0x7b: {  	_ =	shalt  }
0x7c: {  	_ =	shalt  }
0x7d: {  	_ =	shalt  }
0x7e: {  	_ =	shalt  }
0x7f: {  	_ =	shalt  }
0x80: {  	_ =	shalt  }
0x81: {  	_ =	shalt  }
0x82: {  	_ =	shalt  }
0x83: {  	_ =	shalt  }
0x84: {  	_ =	shalt  }
0x85: {  	_ =	shalt  }
0x86: {  	_ =	shalt  }
0x87: {  	_ =	shalt  }
.Lfunc_end0:
.L_simem_size_0:
called_computation.3_lowered:
.L_overlay_start_0:
0x88: {  	s2 =	sld [smem:$0x3FD9]  }
0x89: {  	s3 =	sld [smem:$0x3FFE];
	_ =	sdelay $0x1  }
0x8a: {  	s1 =	srdreg.scid  }
0x8b: {  	s0 =	sand.u32 $0x1, s1  }
0x8c: {  	s15 =	sshll.u32 s0, $0xA;
	s2 =	sadd.s32 s3, s2  }
0x8d: {  	s2 =	sadd.s32 s2, s15  }
0x8e: {  	[smem:$0x3FC6] =	sst s2  }
0x8f: {  	_ = 	snop  }
0x90: {  	s2 =	sld [smem:$0x3FD0];
	_ =	sdelay $0x2  }
0x91: {  	s16 =	simm.s32 $0xD;
	s4 =	simm.s32 $0x10  }
0x92: {  	[smem:s4], [sflag:s16] =	dma.local [hbm:s2], $0x1  }
0x93: {  	_ =	swait.eq [sflag:s16], $0x1  }
0x94: {  	[sflag:s16] =	ssyncset.done $0x0  }
0x95: {  	[sflag:s16] =	ssyncadd.s32 $0xFFFFFFFF  }
0x96: {  	s17 =	sld [smem:$0x11];
	(tm) =	ssettm $0x1  }
0x97: {  	s18 =	sld [smem:$0x3FFB];
	_ =	sdelay $0x3  }
0x98: {  	_ =	strace s18  }
0x99: {  	s2 =	sld [smem:$0x3FFC];
	_ =	sdelay $0x3  }
0x9a: {  	_ =	strace s2  }
0x9b: {  	s2 =	sld [smem:$0x3FFD];
	_ =	sdelay $0x3  }
0x9c: {  	_ =	strace s2  }
0x9d: {  	_ =	strace $0x8FFFFFFF  }
0x9e: {  	s19 =	sld [smem:$0x3FDB];
	_ =	sdelay $0x1  }
0x9f: {  	s20 =	simm.s32 $_scs_section_size  }
0xa0: {  	s5 =	simm.s32 $_size__tile_overlayer_lowered;
	s6 =	simm.s32 $_tile_overlayer_lowered  }
0xa1: {  	s7 =	simm.s32 $0x1BFF;
	s21 =	sshll.u32 s6, $0x1;
	s4 =	sadd.s32 s20, s19  }
0xa2: {  	s22 =	simm.s32 $0x0;
	s5 =	sshll.u32 s5, $0x1;
	s6 =	sadd.s32 s21, s4  }
0xa3: {  	[timem:s22], [sflag:s7] =	dma.local [hbm:s6], s5  }
0xa4: {  	_ =	swait.ge [sflag:s7], s5  }
0xa5: {  	s5 =	ssub.s32 $0x0, s5;
	[sflag:s7] =	ssyncset.done $0x0  }
0xa6: {  	[sflag:s7] =	ssyncadd.s32 s5;
	_ =	sdelay $0x1  }
0xa7: {  	s23 =	simm.s32 $0x1B8B  }
0xa8: {  	_ =	swait.ge [sflag:s23], $0x1  }
0xa9: {  	[sflag:s23] =	ssyncset.done $0x0  }
0xaa: {  	[sflag:s23] =	ssyncadd.s32 $0xFFFFFFFF  }
0xab: {  	s5 =	sld [smem:$0x0]  }
0xac: {  	s6 =	sand.u32 $0xFFFFFFFE, s1  }
0xad: {  	p0 =	sne.s32 s1, s6  }
0xae: {  	s6 =	sshll.u32 @p0 s6, $0xE  }
0xaf: {  	s6 =	sadd.s32 @p0 $0x11B8D, s6;
	s7 =	sshll.u32 @p0 s5, $0x11  }
0xb0: {  	s6 =	sor.u32 @p0 s7, s6  }
0xb1: {  	[sflag:s6] =	ssyncadd.remote.s32 @p0 $0x1;
	_ =	sdelay $0x1  }
0xb2: {  	s6 =	simm.s32 @p0 $0x1B8D  }
0xb3: {  	_ =	swait.eq @p0 [sflag:s6], $0x1  }
0xb4: {  	[sflag:s6] =	ssyncadd.s32 @p0 $0xFFFFFFFF  }
0xb5: {  	s7 =	sshll.u32 @!p0 s1, $0xE  }
0xb6: {  	s7 =	sor.u32 @!p0 $0x4000, s7;
	s6 =	simm.s32 @!p0 $0x1B8D  }
0xb7: {  	s5 =	sshll.u32 @!p0 s5, $0x11;
	s7 =	sadd.s32 @!p0 $0x11B8D, s7;
	_ =	swait.eq @!p0 [sflag:s6], $0x1  }
0xb8: {  	s5 =	sor.u32 @!p0 s5, s7;
	[sflag:s6] =	ssyncadd.s32 @!p0 $0xFFFFFFFF  }
0xb9: {  	s25 =	simm.s32 $0x1B8E;
	s24 =	sld [smem:$0x3FFE];
	[sflag:s5] =	ssyncadd.remote.s32 @!p0 $0x1  }
0xba: {  	s26 =	simm.s32 $execute0_lowered;
	[smem:$0x3FD2] =	sst s25  }
0xbb: {  	s6 =	sshll.u32 s26, $0x1;
	_ =	strace $0x8000004F;
	[dreg:$0x1] =	wrdreg $0xFFFFFFFF  }
0xbc: {  	s28 =	simm.s32 $_size_execute0_lowered;
	s4 =	sadd.s32 s4, s6;
	[dreg:$0x0] =	wrdreg $0x0  }
0xbd: {  	s6 =	sshll.u32 s28, $0x1;
	[dreg:$0x2] =	wrdreg s4  }
0xbe: {  	[dreg:$0x3] =	wrdreg s6  }
0xbf: {  	[dreg:$0x4] =	wrdreg $0xC0  }
0xc0: {  	_ =	task [dreg:s22], $0x5FFFF  }
0xc1: {  	[dreg:$0x1] =	wrdreg $0xFFFFFFFF  }
0xc2: {  	[dreg:$0x0] =	wrdreg $0x60  }
0xc3: {  	[dreg:$0x2] =	wrdreg s24  }
0xc4: {  	[dreg:$0x3] =	wrdreg s17  }
0xc5: {  	[dreg:$0x4] =	wrdreg $0xC  }
0xc6: {  	_ =	task.clear_ibuf [dreg:s22], $0x5FFFF;
	_ =	strace $0x9000004F  }
0xc7: {  	s29 =	simm.s32 $0xC;
	_ =	strace $0x80000051  }
0xc8: {  	_ =	swait.ge [sflag:s29], $0x1  }
0xc9: {  	[sflag:s29] =	ssyncadd.s32 $0xFFFFFFFF  }
0xca: {  	_ =	strace $0x90000051  }
0xcb: {  	_ =	sfence  }
0xcc: {  	s30 =	sld [smem:$0x0];
	_ =	sdelay $0x2  }
0xcd: {  	s31 =	sshll.u32 s1, $0xD;
	s1 =	sshrl.u32 s1, $0x2  }
0xce: {  	s4 =	sand.u32 $0x4000, s31;
	s1 =	sadd.s32 s1, s30  }
0xcf: {  	s0 =	sor.u32 s4, s0;
	s1 =	sshll.u32 s1, $0x11  }
0xd0: {  	s0 =	sor.u32 s1, s0  }
0xd1: {  	s0 =	sadd.s32 $0x8F2B, s0  }
0xd2: {  	[sflag:s0] =	ssyncadd.remote.s32 $0x1  }
0xd3: {  	_ =	sfence.sel $0xFFFF  }
0xd4: {  	[dreg:$0x0] =	wrdreg $0xFFFFFFFF;
	(pc) =	sbr.abs _section_cstart, $3  }
0xd5: {  	[dreg:$0x1] =	wrdreg $0xFFFFFFFF  }
0xd6: {  	_ =	task.clear_ibuf [dreg:s22], $0x2FFFF;
	_ =	strace $0x9FFFFFFF  }
0xd7: {  	(tm) =	ssettm $0x7FFFFFFF  }
tec
execute0_lowered:
.L_overlay_start_1:
0x0: {  	(tag) =	ssettag $0x1  }
0x1: {  	s3 =	rddreg [dreg:$0x0]  }
0x2: {  	s4 =	rddreg [dreg:$0x1]  }
0x3: {  	s0 =	rddreg [dreg:$0x2];
	s5 =	srdreg.scid  }
0x4: {  	s2 =	simm.s32 $0x0;
	s1 =	stileid.u32;
	s10 =	simm.s32 $0x4000  }
0x5: {  	s11 =	simm.s32 $0x4100;
	s12 =	simm.s32 $0x0;
	s5 =	sand.u32 $0x1, s5  }
0x6: {  	[smem:$0x7FF] =	sst s2;
	s6 =	sshll.u32 s1, $0x9;
	s7 =	sshll.u32 s5, $0x8  }
0x7: {  	_ =	strace $0x80000050;
	s5 =	ssub.s32 $0x2, s5;
	s6 =	sor.u32 s7, s6  }
0x8: {  	s8 =	sshrl.u32 s5, $0x1;
	s7 =	sadd.s32 s6, s3;
	s6 =	sshrl.u32 s6, $0x3  }
0x9: {  	s8 =	ssub.s32 s5, s8;
	s9 =	sadd.s32 s6, s3;
	s3 =	sadd.s32 $0x34200, s7  }
0xa: {  	s4 =	sadd.s32 s4, s6;
	s6 =	smax.u32 s8, $0x1;
	s7 =	simm.s32 $0x800  }
0xb: {  	s8 =	simm.s32 $0x10000;
	s5 =	sadd.s32 $0x44200, s9;
	s9 =	simm.s32 $0x1  }
.LBB2_1:
0xc: {  	[tilespmem:s2], [sflag:$0x1] =	stream.strided.gather [hbm4b:s3+s7], $0x4000, s8, s7, $0x38;
	[tilespmem:$0x4200] =	vst v63  }
0xd: {  	_ =	swait.ge [sflag:s9], $0x4000  }
0xe: {  	s13 =	simm.s32 $0x0;
	[sflag:s9] =	ssyncset.done $0x0  }
0xf: {  	s14 =	simm.s32 $0x0;
	s15 =	simm.s32 $0x0;
	[sflag:s9] =	ssyncadd.s32 $0xFFFFC000  }
.LBB2_2:
0x10: {  	s16 =	sshll.u32 s14, $0x2;
	s25 =	sand.u32 $0x7, s13;
	s19 =	sshll.u32 s15, $0x7  }
0x11: {  	s17 =	sand.u32 $0xFFFFF000, s16;
	s18 =	sshll.u32 s25, $0x6;
	s16 =	sshll.u32 s15, $0x4  }
0x12: {  	s21 =	sand.u32 $0x400, s19;
	s17 =	sor.u32 s18, s17;
	s20 =	sand.u32 $0x70, s16  }
0x13: {  	s17 =	sshrl.u32 s17, $0x2;
	s26 =	sor.u32 s20, s21  }
0x14: {  	s28 =	sadd.s32 $0x800, s17;
	v0 =	vld [tilespmem:s26+$0x0]  }
0x15: {  	v1 =	vld [tilespmem:s28+$0xFFFFF880];
	_ =	sdelay $0x1  }
0x16: {  	v2 =	vld [tilespmem:s28+$0xFFFFF900];
	_ =	sdelay $0x1  }
0x17: {  	v3 =	vld [tilespmem:s28+$0xFFFFF980]  }
0x18: {  	vm0 =	vgt.f32 v1, v0  }
0x19: {  	v0 =	vsel vm0, v1, v0;
	v1 =	vld [tilespmem:s28+$0xFFFFFA00]  }
0x1a: {  	vm1 =	vgt.f32 v2, v0  }
0x1b: {  	v4 =	vld [tilespmem:s28+$0xFFFFFA80];
	v0 =	vsel vm1, v2, v0  }
0x1c: {  	s18 =	simm.s32 $0x1;
	v2 =	vimm.s32 $0x0;
	vm2 =	vgt.f32 v3, v0  }
0x1d: {  	s22 =	simm.s32 $0x2;
	v5 =	vld [tilespmem:s28+$0xFFFFFB00];
	v2 =	vsel vm0, s18, v2;
	v0 =	vsel vm2, v3, v0  }
0x1e: {  	s29 =	simm.s32 $0x3;
	v2 =	vsel vm1, s22, v2;
	vm13 =	vgt.f32 v1, v0  }
0x1f: {  	v0 =	vsel vm13, v1, v0;
	v1 =	vsel vm2, s29, v2;
	v2 =	vld [tilespmem:s28+$0xFFFFFB80]  }
0x20: {  	s30 =	simm.s32 $0x4;
	vm14 =	vgt.f32 v4, v0  }
0x21: {  	s31 =	simm.s32 $0x5;
	v1 =	vsel vm13, s30, v1;
	v4 =	vsel vm14, v4, v0;
	v0 =	vld [tilespmem:s28+$0x0]  }
0x22: {  	s24 =	simm.s32 $0x6;
	s22 =	sadd.s32 $0x800, s28;
	v1 =	vsel vm14, s31, v1;
	vm15 =	vgt.f32 v5, v4  }
0x23: {  	s23 =	simm.s32 $0x11;
	s19 =	sor.u32 $0x200, s17;
	s17 =	simm.s32 $0x9;
	v3 =	vld [tilespmem:s22+$0xFFFFF880];
	v4 =	vsel vm15, v5, v4;
	v1 =	vsel vm15, s24, v1  }
.LBB2_3:
0x24: {  	p0 =	slt.u32 s23, $0x31;
	vm0 =	vgt.f32 v2, v4;
	s24 =	sadd.s32 $0x6, s18  }
0x25: {  	v5 =	vld [tilespmem:s22+$0xFFFFF900];
	v2 =	vsel vm0, v2, v4;
	v1 =	vsel vm0, s24, v1  }
0x26: {  	s24 =	sadd.s32 $0x7, s18;
	s18 =	smov.u32 s17;
	s17 =	smov.u32 s23;
	vm0 =	vgt.f32 v0, v2  }
0x27: {  	v4 =	vld [tilespmem:s22+$0xFFFFF980];
	v0 =	vsel vm0, v0, v2;
	v1 =	vsel vm0, s24, v1  }
0x28: {  	vm0 =	vgt.f32 v3, v0  }
0x29: {  	v0 =	vsel vm0, v3, v0;
	v1 =	vsel vm0, s18, v1;
	v2 =	vld [tilespmem:s22+$0xFFFFFA00]  }
0x2a: {  	s24 =	sadd.s32 $0x1, s18;
	vm0 =	vgt.f32 v5, v0  }
0x2b: {  	v0 =	vsel vm0, v5, v0;
	v1 =	vsel vm0, s24, v1;
	v3 =	vld [tilespmem:s22+$0xFFFFFA80]  }
0x2c: {  	s24 =	sadd.s32 $0x2, s18;
	vm0 =	vgt.f32 v4, v0  }
0x2d: {  	v0 =	vsel vm0, v4, v0;
	v1 =	vsel vm0, s24, v1;
	v4 =	vld [tilespmem:s22+$0xFFFFFB00]  }
0x2e: {  	s24 =	sadd.s32 $0x3, s18;
	vm0 =	vgt.f32 v2, v0  }
.Ltmp0:
0x2f: {  	v0 =	vsel vm0, v2, v0;
	v1 =	vsel vm0, s24, v1;
	v2 =	vld [tilespmem:s22+$0xFFFFFB80];
	(pc) =	sbr.rel @p0 .LBB2_3-.Ltmp0, $4  }
0x30: {  	s24 =	sadd.s32 $0x4, s18;
	vm0 =	vgt.f32 v3, v0  }
0x31: {  	v5 =	vsel vm0, v3, v0;
	v1 =	vsel vm0, s24, v1;
	v0 =	vld [tilespmem:s22+$0x0]  }
0x32: {  	s24 =	sadd.s32 $0x5, s18;
	s22 =	sadd.s32 $0x800, s22;
	vm0 =	vgt.f32 v4, v5  }
0x33: {  	s23 =	sadd.s32 $0x8, s23;
	v3 =	vld [tilespmem:s22+$0xFFFFF880];
	v4 =	vsel vm0, v4, v5;
	v1 =	vsel vm0, s24, v1  }
0x34: {  	vm0 =	vgt.f32 v2, v4  }
0x35: {  	v5 =	vld [tilespmem:s22+$0xFFFFF900];
	v2 =	vsel vm0, v2, v4  }
0x36: {  	vm14 =	vgt.f32 v0, v2  }
0x37: {  	v4 =	vld [tilespmem:s22+$0xFFFFF980];
	v0 =	vsel vm14, v0, v2  }
0x38: {  	vm15 =	vgt.f32 v3, v0  }
0x39: {  	v2 =	vld [tilespmem:s22+$0xFFFFFA00];
	v0 =	vsel vm15, v3, v0  }
0x3a: {  	vm13 =	vgt.f32 v5, v0  }
0x3b: {  	v3 =	vld [tilespmem:s22+$0xFFFFFA80];
	v0 =	vsel vm13, v5, v0  }
0x3c: {  	vm12 =	vgt.f32 v4, v0  }
0x3d: {  	v0 =	vsel vm12, v4, v0;
	v4 =	vld [tilespmem:s22+$0xFFFFFB00]  }
0x3e: {  	vm11 =	vgt.f32 v2, v0  }
0x3f: {  	v0 =	vsel vm11, v2, v0;
	v2 =	vld [tilespmem:s22+$0xFFFFFB80]  }
0x40: {  	vm10 =	vgt.f32 v3, v0  }
0x41: {  	v0 =	vsel vm10, v3, v0;
	v3 =	vld [tilespmem:s22+$0x0]  }
0x42: {  	s20 =	sadd.s32 s20, s21;
	vm9 =	vgt.f32 v4, v0  }
0x43: {  	v0 =	vsel vm9, v4, v0;
	v4 =	vld [tilespmem:s20+$0x3880]  }
0x44: {  	vm8 =	vgt.f32 v2, v0  }
0x45: {  	v0 =	vsel vm8, v2, v0;
	v2 =	vld [tilespmem:s20+$0x3900]  }
0x46: {  	vm7 =	vgt.f32 v3, v0  }
0x47: {  	v0 =	vsel vm7, v3, v0;
	v3 =	vld [tilespmem:s20+$0x3980]  }
0x48: {  	vm1 =	vgt.f32 v4, v0  }
0x49: {  	v5 =	vimm.s32 $0x0;
	v0 =	vsel vm1, v4, v0;
	v4 =	vld [tilespmem:s20+$0x3A00]  }
0x4a: {  	v5 =	vsel vm1, $0xFFFFFFFF, v5;
	vm1 =	vgt.f32 v2, v0  }
0x4b: {  	v0 =	vsel vm1, v2, v0;
	v2 =	vld [tilespmem:s20+$0x3A80]  }
0x4c: {  	vm2 =	vgt.f32 v3, v0  }
0x4d: {  	v0 =	vsel vm2, v3, v0;
	v3 =	vld [tilespmem:s20+$0x3B00]  }
0x4e: {  	vm3 =	vgt.f32 v4, v0  }
0x4f: {  	v0 =	vsel vm3, v4, v0;
	v4 =	vld [tilespmem:s20+$0x3B80]  }
0x50: {  	vm4 =	vgt.f32 v2, v0  }
0x51: {  	v0 =	vsel vm4, v2, v0;
	v2 =	vld [tilespmem:s19+$0xFFFFFE00]  }
0x52: {  	vm5 =	vgt.f32 v3, v0  }
0x53: {  	v0 =	vsel vm5, v3, v0;
	v3 =	vld [tilespmem:s19+$0xFFFFFE80]  }
0x54: {  	vm6 =	vgt.f32 v4, v0  }
0x55: {  	v0 =	vsel vm6, v4, v0;
	v4 =	vld [tilespmem:s19+$0xFFFFFF00]  }
0x56: {  	v2 =	vsub.f32 v2, v0  }
0x57: {  	[tilespmem:$0x1FFF0] =	vst v5;
	v5 =	vld [tilespmem:s19+$0xFFFFFF80]  }
0x58: {  	v3 =	vsub.f32 v3, v0;
	v2 =	vmul.f32 $1.442695020e+00, v2  }
0x59: {  	v6 =	vld [tilespmem:s19+$0x0]  }
0x5a: {  	v4 =	vsub.f32 v4, v0;
	v3 =	vmul.f32 $1.442695020e+00, v3;
	(erf) = vpow2.f32 v2;
	v2 =	vld [tilespmem:s19+$0x80];
	_ =	sdelay $0x1  }
0x5b: {  	v5 =	vsub.f32 v5, v0;
	v4 =	vmul.f32 $1.442695020e+00, v4;
	(erf) = vpow2.f32 v3;
	v3 =	vld [tilespmem:s19+$0x100];
	_ =	sdelay $0x1  }
0x5c: {  	v5 =	vmul.f32 $1.442695020e+00, v5;
	(erf) = vpow2.f32 v4;
	v4 =	vsub.f32 v6, v0  }
0x5d: {  	v2 =	vsub.f32 v2, v0  }
0x5e: {  	(erf) = vpow2.f32 v5;
	v5 =	vld [tilespmem:s19+$0x180];
	v4 =	vmul.f32 $1.442695020e+00, v4  }
0x5f: {  	s21 =	sadd.s32 $0x6, s18;
	s24 =	sadd.s32 $0x800, s19;
	v3 =	vsub.f32 v3, v0;
	v2 =	vmul.f32 $1.442695020e+00, v2  }
0x60: {  	v1 =	vsel vm0, s21, v1;
	s22 =	sadd.s32 $0x7, s18;
	v6 =	vld [tilespmem:s24+$0xFFFFFE00];
	(erf) = vpow2.f32 v4  }
0x61: {  	v1 =	vsel vm14, s22, v1;
	v3 =	vmul.f32 $1.442695020e+00, v3;
	(erf) = vpow2.f32 v2;
	v2 =	vld [tilespmem:s24+$0xFFFFFE80]  }
0x62: {  	v1 =	vsel vm15, s17, v1;
	v4 =	vimm.f32 $0.0e+00;
	v7 =	vpop (erf)  }
0x63: {  	s23 =	sadd.s32 $0x1, s17;
	v4 =	vadd.f32 v7, v4;
	v5 =	vsub.f32 v5, v0;
	(erf) = vpow2.f32 v3;
	v3 =	vld [tilespmem:s24+$0xFFFFFF00]  }
0x64: {  	v1 =	vsel vm13, s23, v1;
	v7 =	vpop (erf)  }
0x65: {  	s25 =	sadd.s32 $0x2, s17;
	v6 =	vsub.f32 v6, v0;
	v4 =	vadd.f32 v7, v4;
	v5 =	vmul.f32 $1.442695020e+00, v5  }
0x66: {  	v1 =	vsel vm12, s25, v1;
	v7 =	vld [tilespmem:s24+$0xFFFFFF80];
	v8 =	vpop (erf);
	v2 =	vsub.f32 v2, v0  }
0x67: {  	s26 =	sadd.s32 $0x3, s17;
	v9 =	vld [tilespmem:s24+$0x0];
	v6 =	vmul.f32 $1.442695020e+00, v6;
	v4 =	vadd.f32 v8, v4;
	v8 =	vpop (erf);
	(erf) = vpow2.f32 v5  }
0x68: {  	s28 =	sadd.s32 $0x4, s17;
	v1 =	vsel vm11, s26, v1;
	v3 =	vsub.f32 v3, v0;
	v5 =	vmul.f32 $1.442695020e+00, v2  }
0x69: {  	s29 =	sadd.s32 $0x5, s17;
	v10 =	vld [tilespmem:s24+$0x80];
	v1 =	vsel vm10, s28, v1;
	(erf) = vpow2.f32 v6;
	v4 =	vadd.f32 v8, v4  }
0x6a: {  	v1 =	vsel vm9, s29, v1;
	v2 =	vpop (erf);
	v8 =	vmul.f32 $1.442695020e+00, v3  }
0x6b: {  	s30 =	sadd.s32 $0x6, s17;
	v7 =	vsub.f32 v7, v0;
	(erf) = vpow2.f32 v5;
	v11 =	vadd.f32 v2, v4;
	v2 =	vld [tilespmem:s24+$0x100]  }
0x6c: {  	v1 =	vsel vm8, s30, v1;
	v4 =	vsub.f32 v9, v0;
	v5 =	vpop (erf)  }
0x6d: {  	s31 =	sadd.s32 $0x7, s17;
	v3 =	vld [tilespmem:s24+$0x180];
	v6 =	vmul.f32 $1.442695020e+00, v7;
	(erf) = vpow2.f32 v8;
	v7 =	vadd.f32 v5, v11  }
0x6e: {  	s18 =	sadd.s32 $0x800, s24;
	s17 =	simm.s32 $0x8;
	v1 =	vsel vm7, s31, v1;
	v5 =	vsub.f32 v10, v0;
	v8 =	vpop (erf)  }
.LBB2_5:
0x6f: {  	v9 =	vld [tilespmem:s18+$0xFFFFFE00];
	v4 =	vmul.f32 $1.442695020e+00, v4;
	(erf) = vpow2.f32 v6;
	v10 =	vadd.f32 v8, v7  }
0x70: {  	s17 =	sadd.s32 $0x8, s17;
	v2 =	vsub.f32 v2, v0;
	v7 =	vpop (erf)  }
0x71: {  	p0 =	slt.u32 s17, $0x38;
	v5 =	vmul.f32 $1.442695020e+00, v5;
	v8 =	vld [tilespmem:s18+$0xFFFFFE80];
	(erf) = vpow2.f32 v4;
	v4 =	vadd.f32 v7, v10  }
0x72: {  	v3 =	vsub.f32 v3, v0;
	v6 =	vpop (erf)  }
0x73: {  	v2 =	vmul.f32 $1.442695020e+00, v2;
	v7 =	vld [tilespmem:s18+$0xFFFFFF00];
	v4 =	vadd.f32 v6, v4;
	(erf) = vpow2.f32 v5  }
0x74: {  	v5 =	vsub.f32 v9, v0;
	v6 =	vpop (erf)  }
0x75: {  	v3 =	vmul.f32 $1.442695020e+00, v3;
	v9 =	vld [tilespmem:s18+$0xFFFFFF80];
	v4 =	vadd.f32 v6, v4;
	(erf) = vpow2.f32 v2  }
0x76: {  	v2 =	vsub.f32 v8, v0;
	v6 =	vpop (erf)  }
0x77: {  	v5 =	vmul.f32 $1.442695020e+00, v5;
	v8 =	vld [tilespmem:s18+$0x0];
	v4 =	vadd.f32 v6, v4;
	(erf) = vpow2.f32 v3  }
0x78: {  	v3 =	vsub.f32 v7, v0;
	v6 =	vpop (erf)  }
0x79: {  	v7 =	vmul.f32 $1.442695020e+00, v2;
	v10 =	vld [tilespmem:s18+$0x80];
	(erf) = vpow2.f32 v5;
	v4 =	vadd.f32 v6, v4  }
.Ltmp1:
0x7a: {  	v5 =	vsub.f32 v9, v0;
	v6 =	vpop (erf);
	(pc) =	sbr.rel @p0 .LBB2_5-.Ltmp1, $4  }
0x7b: {  	v9 =	vmul.f32 $1.442695020e+00, v3;
	v2 =	vld [tilespmem:s18+$0x100];
	(erf) = vpow2.f32 v7;
	v7 =	vadd.f32 v6, v4  }
0x7c: {  	v4 =	vsub.f32 v8, v0;
	v8 =	vpop (erf)  }
0x7d: {  	v6 =	vmul.f32 $1.442695020e+00, v5;
	v3 =	vld [tilespmem:s18+$0x180];
	(erf) = vpow2.f32 v9;
	v7 =	vadd.f32 v8, v7  }
0x7e: {  	s18 =	sadd.s32 $0x800, s18;
	v5 =	vsub.f32 v10, v0;
	v8 =	vpop (erf)  }
0x7f: {  	v4 =	vmul.f32 $1.442695020e+00, v4;
	(erf) = vpow2.f32 v6;
	v50 =	vadd.f32 v8, v7  }
0x80: {  	v2 =	vsub.f32 v2, v0;
	v51 =	vpop (erf)  }
0x81: {  	v5 =	vmul.f32 $1.442695020e+00, v5;
	(erf) = vpow2.f32 v4;
	v52 =	vadd.f32 v51, v50  }
0x82: {  	v53 =	vsub.f32 v3, v0;
	v54 =	vpop (erf)  }
0x83: {  	v2 =	vmul.f32 $1.442695020e+00, v2;
	(erf) = vpow2.f32 v5;
	v3 =	vadd.f32 v54, v52  }
0x84: {  	v55 =	vpop (erf)  }
0x85: {  	v0 =	vmul.f32 $1.442695020e+00, v53;
	(erf) = vpow2.f32 v2;
	v3 =	vadd.f32 v55, v3  }
0x86: {  	v56 =	vpop (erf)  }
0x87: {  	(erf) = vpow2.f32 v0;
	v2 =	vadd.f32 v56, v3  }
0x88: {  	v57 =	vpop (erf)  }
0x89: {  	v0 =	vadd.f32 v57, v2  }
0x8a: {  	v58 =	vpop (erf)  }
0x8b: {  	v0 =	vadd.f32 v58, v0  }
0x8c: {  	v59 =	vpop (erf)  }
0x8d: {  	v0 =	vadd.f32 v59, v0  }
0x8e: {  	v60 =	vpop (erf)  }
0x8f: {  	v62 =	vld [tilespmem:$0x1FFF0];
	v0 =	vadd.f32 v60, v0  }
0x90: {  	v61 =	vpop (erf)  }
0x91: {  	v0 =	vadd.f32 v61, v0;
	_ =	sdelay $0x1  }
0x92: {  	(erf) = vrcp.f32 v0  }
0x93: {  	vm0 =	vnez.u8 v62  }
0x94: {  	v0 =	vsel vm0, $0x39, v1  }
0x95: {  	v0 =	vsel vm1, $0x3A, v0  }
0x96: {  	s15 =	sadd.s32 $0x1, s15;
	v0 =	vsel vm2, $0x3B, v0  }
0x97: {  	p0 =	sne.s32 s15, $0x10;
	v0 =	vsel vm3, $0x3C, v0  }
.Ltmp2:
0x98: {  	v0 =	vsel vm4, $0x3D, v0;
	(pc) =	sbr.rel @p0 .LBB2_2-.Ltmp2, $4  }
0x99: {  	v0 =	vsel vm5, $0x3E, v0  }
0x9a: {  	v0 =	vsel vm6, $0x3F, v0  }
0x9b: {  	[tilespmem:s16+$0x4000] =	vst v0;
	v63 =	vpop (erf)  }
0x9c: {  	s14 =	sadd.s32 $0x80, s14;
	s13 =	sadd.s32 $0x1, s13;
	[tilespmem:s16+$0x4100] =	vst v63  }
0x9d: {  	[hbm4b:s4+s2] =	stream.linear.scatter [tilespmem:s10], [sflag:$0x1], $0x100, $0x38;
	[tilespmem:$0x4200] =	vst v63  }
0x9e: {  	s12 =	sadd.s32 $0x1, s12;
	_ =	swait.ge [sflag:s9], $0x100  }
0x9f: {  	p0 =	sne.s32 s12, s6;
	[sflag:s9] =	ssyncset.done $0x0  }
.Ltmp3:
0xa0: {  	[sflag:s9] =	ssyncadd.s32 $0xFFFFFF00;
	(pc) =	sbr.rel @p0 .LBB2_1-.Ltmp3, $4  }
0xa1: {  	[hbm4b:s5+s2] =	stream.linear.scatter [tilespmem:s11], [sflag:$0x1], $0x100, $0x38;
	[tilespmem:$0x4200] =	vst v63  }
0xa2: {  	_ =	swait.ge [sflag:s9], $0x100  }
0xa3: {  	[sflag:s9] =	ssyncset.done $0x0  }
0xa4: {  	[sflag:s9] =	ssyncadd.s32 $0xFFFFFF00  }
0xa5: {  	_ =	sfence.sel $0x180000  }
0xa6: {  	[bflag:$0x0] =	sbarrier.arrive $0xFFFF  }
0xa7: {  	p0 =	sne.s32 s1, $0x0;
	_ =	strace $0x90000050  }
0xa8: {  	s0 =	sadd.s32 @!p0 $0x100000, s0;
	[bflag:$0x2] =	sbarrier.arrive $0xFFFF  }
0xa9: {  	[sflag:s0] =	ssyncadd.tile.s32 @!p0 $0x1;
	_ =	shalt  }
.Lfunc_end2:
_tile_overlayer_lowered:
.L_overlay_start_2:
0xaa: {  	(tag) =	ssettag $0x2  }
0xab: {  	s0 =	rddreg [dreg:$0x0];
	s2 =	stileid.u32  }
0xac: {  	s1 =	rddreg [dreg:$0x1];
	p0 =	sne.s32 s2, $0x0  }
0xad: {  	s3 =	rddreg [dreg:$0x2];
	[bflag:$0x3] =	sbarrier.arrive $0xFFFF;
	s2 =	simm.s32 @!p0 $0x1C01  }
0xae: {  	[timem:s3], [sflag:s2] =	dma.local @!p0 [hbm:s0], s1  }
0xaf: {  	s0 =	simm.s32 @!p0 $0x1  }
0xb0: {  	_ =	swait.ge @!p0 [sflag:s0], s1  }
0xb1: {  	s1 =	ssub.s32 @!p0 $0x0, s1;
	[sflag:s0] =	ssyncset.done @!p0 $0x0  }
0xb2: {  	[sflag:s0] =	ssyncadd.s32 @!p0 s1  }
0xb3: {  	[bflag:$0x3] =	sbarrier.arrive $0xFFFF  }
0xb4: {  	_ =	shalt  }

</sc_bundles>
